<compile_context>
chip_gen: v7x
topology: tpu7x:2x2x1
jax: 0.10.2.dev20260603
libtpu: 0.0.44.dev20260713+nightly
codegen_flags: <defaults>
</compile_context>

<pallas_src>
import functools

import jax
import jax.numpy as jnp
from jax import lax
from jax.experimental import pallas as pl
from jax.experimental.pallas import tpu as pltpu
from jax.experimental.pallas import tpu_sc as plsc

K = 8192
E = 256
T = 4096
T_BLK = 512
K_BLK = 2048
NTB = T // T_BLK
NKB = K // K_BLK
NCAND_BLK = 4
NCAND = 8


def _topk_body(x_ref, c_ref, cidx_ref, cval):
    kb = pl.program_id(1)
    x = x_ref[0]
    c = c_ref[...]
    cn = jnp.sum(c * c, axis=1, keepdims=True)
    s = cn - 2.0 * lax.dot_general(c, x, (((1,), (0,)), ((), ())),
                                   preferred_element_type=jnp.float32)
    rows = lax.broadcasted_iota(jnp.int32, (K_BLK, T_BLK), 0)
    inv = (8191 - kb * K_BLK) - rows
    sbits = lax.bitcast_convert_type(s, jnp.int32)
    packed = lax.bitcast_convert_type((sbits & (-8192)) | inv, jnp.float32)
    vs = []
    for it in range(NCAND_BLK):
        m = jnp.min(packed, axis=0, keepdims=True)
        vs.append(m)
        if it != NCAND_BLK - 1:
            packed = jnp.where(packed == m, jnp.inf, packed)
    pad = jnp.full((8 - NCAND_BLK, T_BLK), jnp.inf, jnp.float32)
    off = pl.multiple_of(8 * kb, 8)
    cval[pl.ds(off, 8), :] = jnp.concatenate(vs + [pad], axis=0)

    @pl.when(kb == NKB - 1)
    def _():
        vals = cval[...]
        outs = []
        for j in range(NCAND):
            m = jnp.min(vals, axis=0, keepdims=True)
            outs.append(m)
            if j != NCAND - 1:
                vals = jnp.where(vals == m, jnp.inf, vals)
        allm = jnp.concatenate(outs, axis=0)
        mbits = lax.bitcast_convert_type(allm, jnp.int32)
        cidx_ref[0, :, :] = 8191 - (mbits & 8191)


def _candidates(emb3, codebook):
    return pl.pallas_call(
        _topk_body,
        grid=(NTB, NKB),
        in_specs=[
            pl.BlockSpec((1, E, T_BLK), lambda t, k: (t // 2, 0, t % 2)),
            pl.BlockSpec((K_BLK, E), lambda t, k: (k, 0)),
        ],
        out_specs=pl.BlockSpec((1, NCAND, T_BLK), lambda t, k: (t, 0, 0)),
        out_shape=jax.ShapeDtypeStruct((NTB, NCAND, T_BLK), jnp.int32),
        scratch_shapes=[
            pltpu.VMEM((8 * NKB, T_BLK), jnp.float32),
        ],
    )(emb3, codebook)


def _make_gather(n_rows):
    info = plsc.get_sparse_core_info()
    nc, ns = info.num_cores, info.num_subcores
    nw = nc * ns
    b_per_w = n_rows // nw
    chunk = 128
    n_chunks = b_per_w // chunk

    mesh = plsc.VectorSubcoreMesh(core_axis_name="c", subcore_axis_name="s")

    @functools.partial(
        pl.kernel, mesh=mesh,
        out_type=jax.ShapeDtypeStruct((n_rows, E), jnp.float32),
        scratch_types=[
            pltpu.VMEM((n_chunks, chunk), jnp.int32),
            pltpu.VMEM((chunk, E), jnp.float32),
            pltpu.SemaphoreType.DMA,
        ],
    )
    def gather_k(table_hbm, idx_hbm, out_hbm, idx_v, rows_v, sem):
        wid = lax.axis_index("s") * nc + lax.axis_index("c")
        base = wid * b_per_w
        for cnk in range(n_chunks):
            pltpu.sync_copy(idx_hbm.at[pl.ds(base + cnk * chunk, chunk)],
                            idx_v.at[cnk])
            pltpu.async_copy(table_hbm.at[idx_v.at[cnk]], rows_v, sem).wait()
            pltpu.sync_copy(rows_v,
                            out_hbm.at[pl.ds(base + cnk * chunk, chunk)])

    return gather_k


def _rescore_body(x_ref, g_ref, it_ref, outq_ref):
    x = x_ref[0]
    best_d = best_i = best_slot = None
    for j in range(NCAND):
        diff = g_ref[j] - x
        sq = diff * diff
        p = sq[0:128, :] + sq[128:256, :]
        q = p[0:8, :]
        for m in range(1, 16):
            q = q + p[8 * m:8 * (m + 1), :]
        r1 = q + jnp.roll(q, -4, axis=0)
        r2 = r1 + jnp.roll(r1, -2, axis=0)
        r3 = r2 + jnp.roll(r2, -1, axis=0)
        d = r3[0:1, :]
        idx_j = it_ref[0, pl.ds(j, 1), :].reshape(1, T_BLK)
        if j == 0:
            best_d, best_i = d, idx_j
            best_slot = jnp.zeros((1, T_BLK), jnp.int32)
        else:
            better = (d < best_d) | ((d == best_d) & (idx_j < best_i))
            best_d = jnp.where(better, d, best_d)
            best_i = jnp.where(better, idx_j, best_i)
            best_slot = jnp.where(better, j, best_slot)
    acc = g_ref[0]
    for j in range(1, NCAND):
        acc = jnp.where(best_slot == j, g_ref[j], acc)
    outq_ref[0] = acc


def _rescore(emb3, gt, cand):
    return pl.pallas_call(
        _rescore_body,
        grid=(NTB,),
        in_specs=[
            pl.BlockSpec((1, E, T_BLK), lambda t: (t // 2, 0, t % 2)),
            pl.BlockSpec((NCAND, E, T_BLK), lambda t: (0, 0, t)),
            pl.BlockSpec((1, NCAND, T_BLK), lambda t: (t, 0, 0)),
        ],
        out_specs=pl.BlockSpec((1, E, T_BLK), lambda t: (t, 0, 0)),
        out_shape=jax.ShapeDtypeStruct((NTB, E, T_BLK), jnp.float32),
    )(emb3, gt, cand)


def kernel(embeddings, codebook):
    B, e, H, W = embeddings.shape
    emb3 = embeddings.reshape(B, e, H * W)
    cand = _candidates(emb3, codebook)
    idx_jmaj = cand.transpose(1, 0, 2).reshape(NCAND * T)
    grows = _make_gather(NCAND * T)(codebook, idx_jmaj)
    gt = grows.reshape(NCAND, T, e).transpose(0, 2, 1)
    outq = _rescore(emb3, gt, cand)
    cols = outq.transpose(1, 0, 2).reshape(e, B, H * W)
    return cols.transpose(1, 0, 2).reshape(B, e, H, W)

# --- scband reference (transcript-rebuilt; emitter-appended) ---
"""Pipeline reference for scband-vector-quantizer-32641751450045 (READ-ONLY COPY).

The authoritative reference and input builder live on the scoring server;
editing this copy changes nothing except your own understanding.
"""

import jax, jax.numpy as jnp
import numpy as np

CODEBOOK_SIZE = 8192
EMBEDDING_DIM = 256

def setup_inputs(seed: int = 0) -> dict:
    key = jax.random.key(seed)
    k1, k2 = jax.random.split(key)
    embeddings = jax.random.normal(k1, (4, 256, 32, 32), dtype=jnp.float32)
    init_size = 1.0 / CODEBOOK_SIZE
    codebook = jax.random.uniform(k2, (CODEBOOK_SIZE, EMBEDDING_DIM), dtype=jnp.float32, minval=-init_size, maxval=init_size)
    return {"embeddings": embeddings, "codebook": codebook}

def reference(embeddings, codebook):
    B, E, H, W = embeddings.shape
    # encode: permute to [B,H,W,E] and flatten tokens
    flat = jnp.transpose(embeddings, (0, 2, 3, 1)).reshape(B * H * W, E)
    # squared distances [tokens, K]
    distances = ((flat[:, None, :] - codebook[None, :, :]) ** 2).sum(axis=2)
    indices = jnp.argmin(distances, axis=-1).reshape(B, H, W)
    # decode: gather codebook rows, permute back to [B,E,H,W]
    decoded = jnp.take(codebook, indices, axis=0)  # [B,H,W,E]
    quantized = jnp.transpose(decoded, (0, 3, 1, 2))
    return quantized

if __name__ == "__main__":
    import jax
    _d = setup_inputs()
    print(jax.jit(kernel)(*tuple(_d.values())))

</pallas_src>

<mosaic_0001>
#map = affine_map<(d0, d1) -> (0, 0)>
#map1 = affine_map<(d0, d1) -> (0)>
module attributes {stable_mosaic.version = 14 : i64} {
  func.func @gather_k(%arg0: i32, %arg1: i32, %arg2: memref<8192x256xf32, #tpu.memory_space<hbm>>, %arg3: memref<32768xi32, #tpu.memory_space<hbm>>, %arg4: memref<32768x256xf32, #tpu.memory_space<hbm>>, %arg5: memref<8x128xi32, #tpu.memory_space<vmem>>, %arg6: memref<128x256xf32, #tpu.memory_space<vmem>>, %arg7: memref<!tpu.dma_semaphore, #tpu.memory_space<semaphore_mem>>) attributes {dimension_semantics = [#tpu.dimension_semantics<core_parallel>, #tpu.dimension_semantics<subcore_parallel>], iteration_bounds = array<i64: 2, 16>, scalar_prefetch = 0 : i64, scratch_operands = 3 : i64, tpu.core_type = #tpu.core_type<sc_vector_subcore>, window_params = [{transform_indices = #map}, {transform_indices = #map1}, {transform_indices = #map}]} {
    %mul3A = arith.constant 2 : i32
    %mul3A_0 = arith.muli %arg1, %mul3A : i32
    %add3A = arith.addi %mul3A_0, %arg0 : i32
    %mul3A_1 = arith.constant 1024 : i32
    %mul3A_2 = arith.muli %add3A, %mul3A_1 : i32
    %add3A_3 = arith.constant 0 : i32
    %add3A_4 = arith.addi %mul3A_2, %add3A_3 : i32
    %run_scoped3A = arith.constant 0 : i32
    "tpu.region"() ({
      %run_scoped3A_152 = tpu.sem_alloc : memref<!tpu.dma_semaphore, #tpu.memory_space<semaphore_mem>>
      %dma_start3A_153 = arith.constant 0 : i32
      %dma_start3A_154 = tpu.memref_slice %arg5[%run_scoped3A, %dma_start3A_153] : memref<8x128xi32, #tpu.memory_space<vmem>> -> memref<1x128xi32, #tpu.memory_space<vmem>>
      %dma_start3A_155 = tpu.memref_squeeze %dma_start3A_154 : memref<1x128xi32, #tpu.memory_space<vmem>> -> memref<128xi32, #tpu.memory_space<vmem>>
      %dma_start3A_156 = tpu.memref_slice %arg3[%add3A_4] : memref<32768xi32, #tpu.memory_space<hbm>> -> memref<128xi32, #tpu.memory_space<hbm>>
      %dma_start3A_157 = arith.constant 0 : i32
      %dma_start3A_158 = tpu.memref_slice %arg5[%run_scoped3A, %dma_start3A_157] : memref<8x128xi32, #tpu.memory_space<vmem>> -> memref<1x128xi32, #tpu.memory_space<vmem>>
      %dma_start3A_159 = tpu.memref_squeeze %dma_start3A_158 : memref<1x128xi32, #tpu.memory_space<vmem>> -> memref<128xi32, #tpu.memory_space<vmem>>
      %dma_start3A_160 = tpu.memref_slice %arg3[%add3A_4] : memref<32768xi32, #tpu.memory_space<hbm>> -> memref<128xi32, #tpu.memory_space<hbm>>
      tpu.enqueue_dma source(%dma_start3A_160 : memref<128xi32, #tpu.memory_space<hbm>>) target(%dma_start3A_159 : memref<128xi32, #tpu.memory_space<vmem>>) target_semaphore(%run_scoped3A_152 : memref<!tpu.dma_semaphore, #tpu.memory_space<semaphore_mem>>)
      %dma_wait3A_161 = arith.constant 0 : i32
      %dma_wait3A_162 = tpu.memref_slice %arg5[%run_scoped3A, %dma_wait3A_161] : memref<8x128xi32, #tpu.memory_space<vmem>> -> memref<1x128xi32, #tpu.memory_space<vmem>>
      %dma_wait3A_163 = tpu.memref_squeeze %dma_wait3A_162 : memref<1x128xi32, #tpu.memory_space<vmem>> -> memref<128xi32, #tpu.memory_space<vmem>>
      %dma_wait3A_164 = tpu.memref_slice %arg3[%add3A_4] : memref<32768xi32, #tpu.memory_space<hbm>> -> memref<128xi32, #tpu.memory_space<hbm>>
      %dma_wait3A_165 = arith.constant 0 : i32
      %dma_wait3A_166 = tpu.memref_slice %arg5[%run_scoped3A, %dma_wait3A_165] : memref<8x128xi32, #tpu.memory_space<vmem>> -> memref<1x128xi32, #tpu.memory_space<vmem>>
      %dma_wait3A_167 = tpu.memref_squeeze %dma_wait3A_166 : memref<1x128xi32, #tpu.memory_space<vmem>> -> memref<128xi32, #tpu.memory_space<vmem>>
      %dma_wait3A_168 = tpu.memref_slice %arg3[%add3A_4] : memref<32768xi32, #tpu.memory_space<hbm>> -> memref<128xi32, #tpu.memory_space<hbm>>
      tpu.wait_dma2 semaphore(%run_scoped3A_152 : memref<!tpu.dma_semaphore, #tpu.memory_space<semaphore_mem>>) src(%dma_wait3A_168 : memref<128xi32, #tpu.memory_space<hbm>>) dst(%dma_wait3A_167 : memref<128xi32, #tpu.memory_space<vmem>>)
      tpu.yield
    }) : () -> ()
    %dma_start3A = arith.constant 0 : i32
    %dma_start3A_5 = arith.constant 0 : i32
    %dma_start3A_6 = tpu.memref_slice %arg5[%dma_start3A, %dma_start3A_5] : memref<8x128xi32, #tpu.memory_space<vmem>> -> memref<1x128xi32, #tpu.memory_space<vmem>>
    %dma_start3A_7 = tpu.memref_squeeze %dma_start3A_6 : memref<1x128xi32, #tpu.memory_space<vmem>> -> memref<128xi32, #tpu.memory_space<vmem>>
    %dma_start3A_8 = arith.constant 0 : i32
    %dma_start3A_9 = arith.constant 0 : i32
    %dma_start3A_10 = tpu.memref_slice %arg2[%dma_start3A_8, %dma_start3A_9] : memref<8192x256xf32, #tpu.memory_space<hbm>> -> memref<8192x256xf32, #tpu.memory_space<hbm>>
    tpu.enqueue_indirect_dma source(%dma_start3A_10 : memref<8192x256xf32, #tpu.memory_space<hbm>>) target(%arg6 : memref<128x256xf32, #tpu.memory_space<vmem>>) offsets(%dma_start3A_7 : memref<128xi32, #tpu.memory_space<vmem>>) semaphore(%arg7 : memref<!tpu.dma_semaphore, #tpu.memory_space<semaphore_mem>>)
    %dma_wait3A = arith.constant 0 : i32
    %dma_wait3A_11 = arith.constant 0 : i32
    %dma_wait3A_12 = tpu.memref_slice %arg5[%dma_wait3A, %dma_wait3A_11] : memref<8x128xi32, #tpu.memory_space<vmem>> -> memref<1x128xi32, #tpu.memory_space<vmem>>
    %dma_wait3A_13 = tpu.memref_squeeze %dma_wait3A_12 : memref<1x128xi32, #tpu.memory_space<vmem>> -> memref<128xi32, #tpu.memory_space<vmem>>
    %dma_wait3A_14 = arith.constant 0 : i32
    %dma_wait3A_15 = arith.constant 0 : i32
    %dma_wait3A_16 = tpu.memref_slice %arg2[%dma_wait3A_14, %dma_wait3A_15] : memref<8192x256xf32, #tpu.memory_space<hbm>> -> memref<8192x256xf32, #tpu.memory_space<hbm>>
    tpu.wait_indirect_dma semaphore(%arg7 : memref<!tpu.dma_semaphore, #tpu.memory_space<semaphore_mem>>) src(%dma_wait3A_16 : memref<8192x256xf32, #tpu.memory_space<hbm>>) dst(%arg6 : memref<128x256xf32, #tpu.memory_space<vmem>>)
    %add3A_17 = arith.constant 0 : i32
    %add3A_18 = arith.addi %mul3A_2, %add3A_17 : i32
    "tpu.region"() ({
      %run_scoped3A_152 = tpu.sem_alloc : memref<!tpu.dma_semaphore, #tpu.memory_space<semaphore_mem>>
      %dma_start3A_153 = arith.constant 0 : i32
      %dma_start3A_154 = tpu.memref_slice %arg4[%add3A_18, %dma_start3A_153] : memref<32768x256xf32, #tpu.memory_space<hbm>> -> memref<128x256xf32, #tpu.memory_space<hbm>>
      %dma_start3A_155 = arith.constant 0 : i32
      %dma_start3A_156 = tpu.memref_slice %arg4[%add3A_18, %dma_start3A_155] : memref<32768x256xf32, #tpu.memory_space<hbm>> -> memref<128x256xf32, #tpu.memory_space<hbm>>
      tpu.enqueue_dma source(%arg6 : memref<128x256xf32, #tpu.memory_space<vmem>>) target(%dma_start3A_156 : memref<128x256xf32, #tpu.memory_space<hbm>>) target_semaphore(%run_scoped3A_152 : memref<!tpu.dma_semaphore, #tpu.memory_space<semaphore_mem>>)
      %dma_wait3A_157 = arith.constant 0 : i32
      %dma_wait3A_158 = tpu.memref_slice %arg4[%add3A_18, %dma_wait3A_157] : memref<32768x256xf32, #tpu.memory_space<hbm>> -> memref<128x256xf32, #tpu.memory_space<hbm>>
      %dma_wait3A_159 = arith.constant 0 : i32
      %dma_wait3A_160 = tpu.memref_slice %arg4[%add3A_18, %dma_wait3A_159] : memref<32768x256xf32, #tpu.memory_space<hbm>> -> memref<128x256xf32, #tpu.memory_space<hbm>>
      tpu.wait_dma2 semaphore(%run_scoped3A_152 : memref<!tpu.dma_semaphore, #tpu.memory_space<semaphore_mem>>) src(%arg6 : memref<128x256xf32, #tpu.memory_space<vmem>>) dst(%dma_wait3A_160 : memref<128x256xf32, #tpu.memory_space<hbm>>)
      tpu.yield
    }) : () -> ()
    %add3A_19 = arith.constant 128 : i32
    %add3A_20 = arith.addi %mul3A_2, %add3A_19 : i32
    %run_scoped3A_21 = arith.constant 1 : i32
    "tpu.region"() ({
      %run_scoped3A_152 = tpu.sem_alloc : memref<!tpu.dma_semaphore, #tpu.memory_space<semaphore_mem>>
      %dma_start3A_153 = arith.constant 0 : i32
      %dma_start3A_154 = tpu.memref_slice %arg5[%run_scoped3A_21, %dma_start3A_153] : memref<8x128xi32, #tpu.memory_space<vmem>> -> memref<1x128xi32, #tpu.memory_space<vmem>>
      %dma_start3A_155 = tpu.memref_squeeze %dma_start3A_154 : memref<1x128xi32, #tpu.memory_space<vmem>> -> memref<128xi32, #tpu.memory_space<vmem>>
      %dma_start3A_156 = tpu.memref_slice %arg3[%add3A_20] : memref<32768xi32, #tpu.memory_space<hbm>> -> memref<128xi32, #tpu.memory_space<hbm>>
      %dma_start3A_157 = arith.constant 0 : i32
      %dma_start3A_158 = tpu.memref_slice %arg5[%run_scoped3A_21, %dma_start3A_157] : memref<8x128xi32, #tpu.memory_space<vmem>> -> memref<1x128xi32, #tpu.memory_space<vmem>>
      %dma_start3A_159 = tpu.memref_squeeze %dma_start3A_158 : memref<1x128xi32, #tpu.memory_space<vmem>> -> memref<128xi32, #tpu.memory_space<vmem>>
      %dma_start3A_160 = tpu.memref_slice %arg3[%add3A_20] : memref<32768xi32, #tpu.memory_space<hbm>> -> memref<128xi32, #tpu.memory_space<hbm>>
      tpu.enqueue_dma source(%dma_start3A_160 : memref<128xi32, #tpu.memory_space<hbm>>) target(%dma_start3A_159 : memref<128xi32, #tpu.memory_space<vmem>>) target_semaphore(%run_scoped3A_152 : memref<!tpu.dma_semaphore, #tpu.memory_space<semaphore_mem>>)
      %dma_wait3A_161 = arith.constant 0 : i32
      %dma_wait3A_162 = tpu.memref_slice %arg5[%run_scoped3A_21, %dma_wait3A_161] : memref<8x128xi32, #tpu.memory_space<vmem>> -> memref<1x128xi32, #tpu.memory_space<vmem>>
      %dma_wait3A_163 = tpu.memref_squeeze %dma_wait3A_162 : memref<1x128xi32, #tpu.memory_space<vmem>> -> memref<128xi32, #tpu.memory_space<vmem>>
      %dma_wait3A_164 = tpu.memref_slice %arg3[%add3A_20] : memref<32768xi32, #tpu.memory_space<hbm>> -> memref<128xi32, #tpu.memory_space<hbm>>
      %dma_wait3A_165 = arith.constant 0 : i32
      %dma_wait3A_166 = tpu.memref_slice %arg5[%run_scoped3A_21, %dma_wait3A_165] : memref<8x128xi32, #tpu.memory_space<vmem>> -> memref<1x128xi32, #tpu.memory_space<vmem>>
      %dma_wait3A_167 = tpu.memref_squeeze %dma_wait3A_166 : memref<1x128xi32, #tpu.memory_space<vmem>> -> memref<128xi32, #tpu.memory_space<vmem>>
      %dma_wait3A_168 = tpu.memref_slice %arg3[%add3A_20] : memref<32768xi32, #tpu.memory_space<hbm>> -> memref<128xi32, #tpu.memory_space<hbm>>
      tpu.wait_dma2 semaphore(%run_scoped3A_152 : memref<!tpu.dma_semaphore, #tpu.memory_space<semaphore_mem>>) src(%dma_wait3A_168 : memref<128xi32, #tpu.memory_space<hbm>>) dst(%dma_wait3A_167 : memref<128xi32, #tpu.memory_space<vmem>>)
      tpu.yield
    }) : () -> ()
    %dma_start3A_22 = arith.constant 1 : i32
    %dma_start3A_23 = arith.constant 0 : i32
    %dma_start3A_24 = tpu.memref_slice %arg5[%dma_start3A_22, %dma_start3A_23] : memref<8x128xi32, #tpu.memory_space<vmem>> -> memref<1x128xi32, #tpu.memory_space<vmem>>
    %dma_start3A_25 = tpu.memref_squeeze %dma_start3A_24 : memref<1x128xi32, #tpu.memory_space<vmem>> -> memref<128xi32, #tpu.memory_space<vmem>>
    %dma_start3A_26 = arith.constant 0 : i32
    %dma_start3A_27 = arith.constant 0 : i32
    %dma_start3A_28 = tpu.memref_slice %arg2[%dma_start3A_26, %dma_start3A_27] : memref<8192x256xf32, #tpu.memory_space<hbm>> -> memref<8192x256xf32, #tpu.memory_space<hbm>>
    tpu.enqueue_indirect_dma source(%dma_start3A_28 : memref<8192x256xf32, #tpu.memory_space<hbm>>) target(%arg6 : memref<128x256xf32, #tpu.memory_space<vmem>>) offsets(%dma_start3A_25 : memref<128xi32, #tpu.memory_space<vmem>>) semaphore(%arg7 : memref<!tpu.dma_semaphore, #tpu.memory_space<semaphore_mem>>)
    %dma_wait3A_29 = arith.constant 1 : i32
    %dma_wait3A_30 = arith.constant 0 : i32
    %dma_wait3A_31 = tpu.memref_slice %arg5[%dma_wait3A_29, %dma_wait3A_30] : memref<8x128xi32, #tpu.memory_space<vmem>> -> memref<1x128xi32, #tpu.memory_space<vmem>>
    %dma_wait3A_32 = tpu.memref_squeeze %dma_wait3A_31 : memref<1x128xi32, #tpu.memory_space<vmem>> -> memref<128xi32, #tpu.memory_space<vmem>>
    %dma_wait3A_33 = arith.constant 0 : i32
    %dma_wait3A_34 = arith.constant 0 : i32
    %dma_wait3A_35 = tpu.memref_slice %arg2[%dma_wait3A_33, %dma_wait3A_34] : memref<8192x256xf32, #tpu.memory_space<hbm>> -> memref<8192x256xf32, #tpu.memory_space<hbm>>
    tpu.wait_indirect_dma semaphore(%arg7 : memref<!tpu.dma_semaphore, #tpu.memory_space<semaphore_mem>>) src(%dma_wait3A_35 : memref<8192x256xf32, #tpu.memory_space<hbm>>) dst(%arg6 : memref<128x256xf32, #tpu.memory_space<vmem>>)
    %add3A_36 = arith.constant 128 : i32
    %add3A_37 = arith.addi %mul3A_2, %add3A_36 : i32
    "tpu.region"() ({
      %run_scoped3A_152 = tpu.sem_alloc : memref<!tpu.dma_semaphore, #tpu.memory_space<semaphore_mem>>
      %dma_start3A_153 = arith.constant 0 : i32
      %dma_start3A_154 = tpu.memref_slice %arg4[%add3A_37, %dma_start3A_153] : memref<32768x256xf32, #tpu.memory_space<hbm>> -> memref<128x256xf32, #tpu.memory_space<hbm>>
      %dma_start3A_155 = arith.constant 0 : i32
      %dma_start3A_156 = tpu.memref_slice %arg4[%add3A_37, %dma_start3A_155] : memref<32768x256xf32, #tpu.memory_space<hbm>> -> memref<128x256xf32, #tpu.memory_space<hbm>>
      tpu.enqueue_dma source(%arg6 : memref<128x256xf32, #tpu.memory_space<vmem>>) target(%dma_start3A_156 : memref<128x256xf32, #tpu.memory_space<hbm>>) target_semaphore(%run_scoped3A_152 : memref<!tpu.dma_semaphore, #tpu.memory_space<semaphore_mem>>)
      %dma_wait3A_157 = arith.constant 0 : i32
      %dma_wait3A_158 = tpu.memref_slice %arg4[%add3A_37, %dma_wait3A_157] : memref<32768x256xf32, #tpu.memory_space<hbm>> -> memref<128x256xf32, #tpu.memory_space<hbm>>
      %dma_wait3A_159 = arith.constant 0 : i32
      %dma_wait3A_160 = tpu.memref_slice %arg4[%add3A_37, %dma_wait3A_159] : memref<32768x256xf32, #tpu.memory_space<hbm>> -> memref<128x256xf32, #tpu.memory_space<hbm>>
      tpu.wait_dma2 semaphore(%run_scoped3A_152 : memref<!tpu.dma_semaphore, #tpu.memory_space<semaphore_mem>>) src(%arg6 : memref<128x256xf32, #tpu.memory_space<vmem>>) dst(%dma_wait3A_160 : memref<128x256xf32, #tpu.memory_space<hbm>>)
      tpu.yield
    }) : () -> ()
    %add3A_38 = arith.constant 256 : i32
    %add3A_39 = arith.addi %mul3A_2, %add3A_38 : i32
    %run_scoped3A_40 = arith.constant 2 : i32
    "tpu.region"() ({
      %run_scoped3A_152 = tpu.sem_alloc : memref<!tpu.dma_semaphore, #tpu.memory_space<semaphore_mem>>
      %dma_start3A_153 = arith.constant 0 : i32
      %dma_start3A_154 = tpu.memref_slice %arg5[%run_scoped3A_40, %dma_start3A_153] : memref<8x128xi32, #tpu.memory_space<vmem>> -> memref<1x128xi32, #tpu.memory_space<vmem>>
      %dma_start3A_155 = tpu.memref_squeeze %dma_start3A_154 : memref<1x128xi32, #tpu.memory_space<vmem>> -> memref<128xi32, #tpu.memory_space<vmem>>
      %dma_start3A_156 = tpu.memref_slice %arg3[%add3A_39] : memref<32768xi32, #tpu.memory_space<hbm>> -> memref<128xi32, #tpu.memory_space<hbm>>
      %dma_start3A_157 = arith.constant 0 : i32
      %dma_start3A_158 = tpu.memref_slice %arg5[%run_scoped3A_40, %dma_start3A_157] : memref<8x128xi32, #tpu.memory_space<vmem>> -> memref<1x128xi32, #tpu.memory_space<vmem>>
      %dma_start3A_159 = tpu.memref_squeeze %dma_start3A_158 : memref<1x128xi32, #tpu.memory_space<vmem>> -> memref<128xi32, #tpu.memory_space<vmem>>
      %dma_start3A_160 = tpu.memref_slice %arg3[%add3A_39] : memref<32768xi32, #tpu.memory_space<hbm>> -> memref<128xi32, #tpu.memory_space<hbm>>
      tpu.enqueue_dma source(%dma_start3A_160 : memref<128xi32, #tpu.memory_space<hbm>>) target(%dma_start3A_159 : memref<128xi32, #tpu.memory_space<vmem>>) target_semaphore(%run_scoped3A_152 : memref<!tpu.dma_semaphore, #tpu.memory_space<semaphore_mem>>)
      %dma_wait3A_161 = arith.constant 0 : i32
      %dma_wait3A_162 = tpu.memref_slice %arg5[%run_scoped3A_40, %dma_wait3A_161] : memref<8x128xi32, #tpu.memory_space<vmem>> -> memref<1x128xi32, #tpu.memory_space<vmem>>
      %dma_wait3A_163 = tpu.memref_squeeze %dma_wait3A_162 : memref<1x128xi32, #tpu.memory_space<vmem>> -> memref<128xi32, #tpu.memory_space<vmem>>
      %dma_wait3A_164 = tpu.memref_slice %arg3[%add3A_39] : memref<32768xi32, #tpu.memory_space<hbm>> -> memref<128xi32, #tpu.memory_space<hbm>>
      %dma_wait3A_165 = arith.constant 0 : i32
      %dma_wait3A_166 = tpu.memref_slice %arg5[%run_scoped3A_40, %dma_wait3A_165] : memref<8x128xi32, #tpu.memory_space<vmem>> -> memref<1x128xi32, #tpu.memory_space<vmem>>
      %dma_wait3A_167 = tpu.memref_squeeze %dma_wait3A_166 : memref<1x128xi32, #tpu.memory_space<vmem>> -> memref<128xi32, #tpu.memory_space<vmem>>
      %dma_wait3A_168 = tpu.memref_slice %arg3[%add3A_39] : memref<32768xi32, #tpu.memory_space<hbm>> -> memref<128xi32, #tpu.memory_space<hbm>>
      tpu.wait_dma2 semaphore(%run_scoped3A_152 : memref<!tpu.dma_semaphore, #tpu.memory_space<semaphore_mem>>) src(%dma_wait3A_168 : memref<128xi32, #tpu.memory_space<hbm>>) dst(%dma_wait3A_167 : memref<128xi32, #tpu.memory_space<vmem>>)
      tpu.yield
    }) : () -> ()
    %dma_start3A_41 = arith.constant 2 : i32
    %dma_start3A_42 = arith.constant 0 : i32
    %dma_start3A_43 = tpu.memref_slice %arg5[%dma_start3A_41, %dma_start3A_42] : memref<8x128xi32, #tpu.memory_space<vmem>> -> memref<1x128xi32, #tpu.memory_space<vmem>>
    %dma_start3A_44 = tpu.memref_squeeze %dma_start3A_43 : memref<1x128xi32, #tpu.memory_space<vmem>> -> memref<128xi32, #tpu.memory_space<vmem>>
    %dma_start3A_45 = arith.constant 0 : i32
    %dma_start3A_46 = arith.constant 0 : i32
    %dma_start3A_47 = tpu.memref_slice %arg2[%dma_start3A_45, %dma_start3A_46] : memref<8192x256xf32, #tpu.memory_space<hbm>> -> memref<8192x256xf32, #tpu.memory_space<hbm>>
    tpu.enqueue_indirect_dma source(%dma_start3A_47 : memref<8192x256xf32, #tpu.memory_space<hbm>>) target(%arg6 : memref<128x256xf32, #tpu.memory_space<vmem>>) offsets(%dma_start3A_44 : memref<128xi32, #tpu.memory_space<vmem>>) semaphore(%arg7 : memref<!tpu.dma_semaphore, #tpu.memory_space<semaphore_mem>>)
    %dma_wait3A_48 = arith.constant 2 : i32
    %dma_wait3A_49 = arith.constant 0 : i32
    %dma_wait3A_50 = tpu.memref_slice %arg5[%dma_wait3A_48, %dma_wait3A_49] : memref<8x128xi32, #tpu.memory_space<vmem>> -> memref<1x128xi32, #tpu.memory_space<vmem>>
    %dma_wait3A_51 = tpu.memref_squeeze %dma_wait3A_50 : memref<1x128xi32, #tpu.memory_space<vmem>> -> memref<128xi32, #tpu.memory_space<vmem>>
    %dma_wait3A_52 = arith.constant 0 : i32
    %dma_wait3A_53 = arith.constant 0 : i32
    %dma_wait3A_54 = tpu.memref_slice %arg2[%dma_wait3A_52, %dma_wait3A_53] : memref<8192x256xf32, #tpu.memory_space<hbm>> -> memref<8192x256xf32, #tpu.memory_space<hbm>>
    tpu.wait_indirect_dma semaphore(%arg7 : memref<!tpu.dma_semaphore, #tpu.memory_space<semaphore_mem>>) src(%dma_wait3A_54 : memref<8192x256xf32, #tpu.memory_space<hbm>>) dst(%arg6 : memref<128x256xf32, #tpu.memory_space<vmem>>)
    %add3A_55 = arith.constant 256 : i32
    %add3A_56 = arith.addi %mul3A_2, %add3A_55 : i32
    "tpu.region"() ({
      %run_scoped3A_152 = tpu.sem_alloc : memref<!tpu.dma_semaphore, #tpu.memory_space<semaphore_mem>>
      %dma_start3A_153 = arith.constant 0 : i32
      %dma_start3A_154 = tpu.memref_slice %arg4[%add3A_56, %dma_start3A_153] : memref<32768x256xf32, #tpu.memory_space<hbm>> -> memref<128x256xf32, #tpu.memory_space<hbm>>
      %dma_start3A_155 = arith.constant 0 : i32
      %dma_start3A_156 = tpu.memref_slice %arg4[%add3A_56, %dma_start3A_155] : memref<32768x256xf32, #tpu.memory_space<hbm>> -> memref<128x256xf32, #tpu.memory_space<hbm>>
      tpu.enqueue_dma source(%arg6 : memref<128x256xf32, #tpu.memory_space<vmem>>) target(%dma_start3A_156 : memref<128x256xf32, #tpu.memory_space<hbm>>) target_semaphore(%run_scoped3A_152 : memref<!tpu.dma_semaphore, #tpu.memory_space<semaphore_mem>>)
      %dma_wait3A_157 = arith.constant 0 : i32
      %dma_wait3A_158 = tpu.memref_slice %arg4[%add3A_56, %dma_wait3A_157] : memref<32768x256xf32, #tpu.memory_space<hbm>> -> memref<128x256xf32, #tpu.memory_space<hbm>>
      %dma_wait3A_159 = arith.constant 0 : i32
      %dma_wait3A_160 = tpu.memref_slice %arg4[%add3A_56, %dma_wait3A_159] : memref<32768x256xf32, #tpu.memory_space<hbm>> -> memref<128x256xf32, #tpu.memory_space<hbm>>
      tpu.wait_dma2 semaphore(%run_scoped3A_152 : memref<!tpu.dma_semaphore, #tpu.memory_space<semaphore_mem>>) src(%arg6 : memref<128x256xf32, #tpu.memory_space<vmem>>) dst(%dma_wait3A_160 : memref<128x256xf32, #tpu.memory_space<hbm>>)
      tpu.yield
    }) : () -> ()
    %add3A_57 = arith.constant 384 : i32
    %add3A_58 = arith.addi %mul3A_2, %add3A_57 : i32
    %run_scoped3A_59 = arith.constant 3 : i32
    "tpu.region"() ({
      %run_scoped3A_152 = tpu.sem_alloc : memref<!tpu.dma_semaphore, #tpu.memory_space<semaphore_mem>>
      %dma_start3A_153 = arith.constant 0 : i32
      %dma_start3A_154 = tpu.memref_slice %arg5[%run_scoped3A_59, %dma_start3A_153] : memref<8x128xi32, #tpu.memory_space<vmem>> -> memref<1x128xi32, #tpu.memory_space<vmem>>
      %dma_start3A_155 = tpu.memref_squeeze %dma_start3A_154 : memref<1x128xi32, #tpu.memory_space<vmem>> -> memref<128xi32, #tpu.memory_space<vmem>>
      %dma_start3A_156 = tpu.memref_slice %arg3[%add3A_58] : memref<32768xi32, #tpu.memory_space<hbm>> -> memref<128xi32, #tpu.memory_space<hbm>>
      %dma_start3A_157 = arith.constant 0 : i32
      %dma_start3A_158 = tpu.memref_slice %arg5[%run_scoped3A_59, %dma_start3A_157] : memref<8x128xi32, #tpu.memory_space<vmem>> -> memref<1x128xi32, #tpu.memory_space<vmem>>
      %dma_start3A_159 = tpu.memref_squeeze %dma_start3A_158 : memref<1x128xi32, #tpu.memory_space<vmem>> -> memref<128xi32, #tpu.memory_space<vmem>>
      %dma_start3A_160 = tpu.memref_slice %arg3[%add3A_58] : memref<32768xi32, #tpu.memory_space<hbm>> -> memref<128xi32, #tpu.memory_space<hbm>>
      tpu.enqueue_dma source(%dma_start3A_160 : memref<128xi32, #tpu.memory_space<hbm>>) target(%dma_start3A_159 : memref<128xi32, #tpu.memory_space<vmem>>) target_semaphore(%run_scoped3A_152 : memref<!tpu.dma_semaphore, #tpu.memory_space<semaphore_mem>>)
      %dma_wait3A_161 = arith.constant 0 : i32
      %dma_wait3A_162 = tpu.memref_slice %arg5[%run_scoped3A_59, %dma_wait3A_161] : memref<8x128xi32, #tpu.memory_space<vmem>> -> memref<1x128xi32, #tpu.memory_space<vmem>>
      %dma_wait3A_163 = tpu.memref_squeeze %dma_wait3A_162 : memref<1x128xi32, #tpu.memory_space<vmem>> -> memref<128xi32, #tpu.memory_space<vmem>>
      %dma_wait3A_164 = tpu.memref_slice %arg3[%add3A_58] : memref<32768xi32, #tpu.memory_space<hbm>> -> memref<128xi32, #tpu.memory_space<hbm>>
      %dma_wait3A_165 = arith.constant 0 : i32
      %dma_wait3A_166 = tpu.memref_slice %arg5[%run_scoped3A_59, %dma_wait3A_165] : memref<8x128xi32, #tpu.memory_space<vmem>> -> memref<1x128xi32, #tpu.memory_space<vmem>>
      %dma_wait3A_167 = tpu.memref_squeeze %dma_wait3A_166 : memref<1x128xi32, #tpu.memory_space<vmem>> -> memref<128xi32, #tpu.memory_space<vmem>>
      %dma_wait3A_168 = tpu.memref_slice %arg3[%add3A_58] : memref<32768xi32, #tpu.memory_space<hbm>> -> memref<128xi32, #tpu.memory_space<hbm>>
      tpu.wait_dma2 semaphore(%run_scoped3A_152 : memref<!tpu.dma_semaphore, #tpu.memory_space<semaphore_mem>>) src(%dma_wait3A_168 : memref<128xi32, #tpu.memory_space<hbm>>) dst(%dma_wait3A_167 : memref<128xi32, #tpu.memory_space<vmem>>)
      tpu.yield
    }) : () -> ()
    %dma_start3A_60 = arith.constant 3 : i32
    %dma_start3A_61 = arith.constant 0 : i32
    %dma_start3A_62 = tpu.memref_slice %arg5[%dma_start3A_60, %dma_start3A_61] : memref<8x128xi32, #tpu.memory_space<vmem>> -> memref<1x128xi32, #tpu.memory_space<vmem>>
    %dma_start3A_63 = tpu.memref_squeeze %dma_start3A_62 : memref<1x128xi32, #tpu.memory_space<vmem>> -> memref<128xi32, #tpu.memory_space<vmem>>
    %dma_start3A_64 = arith.constant 0 : i32
    %dma_start3A_65 = arith.constant 0 : i32
    %dma_start3A_66 = tpu.memref_slice %arg2[%dma_start3A_64, %dma_start3A_65] : memref<8192x256xf32, #tpu.memory_space<hbm>> -> memref<8192x256xf32, #tpu.memory_space<hbm>>
    tpu.enqueue_indirect_dma source(%dma_start3A_66 : memref<8192x256xf32, #tpu.memory_space<hbm>>) target(%arg6 : memref<128x256xf32, #tpu.memory_space<vmem>>) offsets(%dma_start3A_63 : memref<128xi32, #tpu.memory_space<vmem>>) semaphore(%arg7 : memref<!tpu.dma_semaphore, #tpu.memory_space<semaphore_mem>>)
    %dma_wait3A_67 = arith.constant 3 : i32
    %dma_wait3A_68 = arith.constant 0 : i32
    %dma_wait3A_69 = tpu.memref_slice %arg5[%dma_wait3A_67, %dma_wait3A_68] : memref<8x128xi32, #tpu.memory_space<vmem>> -> memref<1x128xi32, #tpu.memory_space<vmem>>
    %dma_wait3A_70 = tpu.memref_squeeze %dma_wait3A_69 : memref<1x128xi32, #tpu.memory_space<vmem>> -> memref<128xi32, #tpu.memory_space<vmem>>
    %dma_wait3A_71 = arith.constant 0 : i32
    %dma_wait3A_72 = arith.constant 0 : i32
    %dma_wait3A_73 = tpu.memref_slice %arg2[%dma_wait3A_71, %dma_wait3A_72] : memref<8192x256xf32, #tpu.memory_space<hbm>> -> memref<8192x256xf32, #tpu.memory_space<hbm>>
    tpu.wait_indirect_dma semaphore(%arg7 : memref<!tpu.dma_semaphore, #tpu.memory_space<semaphore_mem>>) src(%dma_wait3A_73 : memref<8192x256xf32, #tpu.memory_space<hbm>>) dst(%arg6 : memref<128x256xf32, #tpu.memory_space<vmem>>)
    %add3A_74 = arith.constant 384 : i32
    %add3A_75 = arith.addi %mul3A_2, %add3A_74 : i32
    "tpu.region"() ({
      %run_scoped3A_152 = tpu.sem_alloc : memref<!tpu.dma_semaphore, #tpu.memory_space<semaphore_mem>>
      %dma_start3A_153 = arith.constant 0 : i32
      %dma_start3A_154 = tpu.memref_slice %arg4[%add3A_75, %dma_start3A_153] : memref<32768x256xf32, #tpu.memory_space<hbm>> -> memref<128x256xf32, #tpu.memory_space<hbm>>
      %dma_start3A_155 = arith.constant 0 : i32
      %dma_start3A_156 = tpu.memref_slice %arg4[%add3A_75, %dma_start3A_155] : memref<32768x256xf32, #tpu.memory_space<hbm>> -> memref<128x256xf32, #tpu.memory_space<hbm>>
      tpu.enqueue_dma source(%arg6 : memref<128x256xf32, #tpu.memory_space<vmem>>) target(%dma_start3A_156 : memref<128x256xf32, #tpu.memory_space<hbm>>) target_semaphore(%run_scoped3A_152 : memref<!tpu.dma_semaphore, #tpu.memory_space<semaphore_mem>>)
      %dma_wait3A_157 = arith.constant 0 : i32
      %dma_wait3A_158 = tpu.memref_slice %arg4[%add3A_75, %dma_wait3A_157] : memref<32768x256xf32, #tpu.memory_space<hbm>> -> memref<128x256xf32, #tpu.memory_space<hbm>>
      %dma_wait3A_159 = arith.constant 0 : i32
      %dma_wait3A_160 = tpu.memref_slice %arg4[%add3A_75, %dma_wait3A_159] : memref<32768x256xf32, #tpu.memory_space<hbm>> -> memref<128x256xf32, #tpu.memory_space<hbm>>
      tpu.wait_dma2 semaphore(%run_scoped3A_152 : memref<!tpu.dma_semaphore, #tpu.memory_space<semaphore_mem>>) src(%arg6 : memref<128x256xf32, #tpu.memory_space<vmem>>) dst(%dma_wait3A_160 : memref<128x256xf32, #tpu.memory_space<hbm>>)
      tpu.yield
    }) : () -> ()
    %add3A_76 = arith.constant 512 : i32
    %add3A_77 = arith.addi %mul3A_2, %add3A_76 : i32
    %run_scoped3A_78 = arith.constant 4 : i32
    "tpu.region"() ({
      %run_scoped3A_152 = tpu.sem_alloc : memref<!tpu.dma_semaphore, #tpu.memory_space<semaphore_mem>>
      %dma_start3A_153 = arith.constant 0 : i32
      %dma_start3A_154 = tpu.memref_slice %arg5[%run_scoped3A_78, %dma_start3A_153] : memref<8x128xi32, #tpu.memory_space<vmem>> -> memref<1x128xi32, #tpu.memory_space<vmem>>
      %dma_start3A_155 = tpu.memref_squeeze %dma_start3A_154 : memref<1x128xi32, #tpu.memory_space<vmem>> -> memref<128xi32, #tpu.memory_space<vmem>>
      %dma_start3A_156 = tpu.memref_slice %arg3[%add3A_77] : memref<32768xi32, #tpu.memory_space<hbm>> -> memref<128xi32, #tpu.memory_space<hbm>>
      %dma_start3A_157 = arith.constant 0 : i32
      %dma_start3A_158 = tpu.memref_slice %arg5[%run_scoped3A_78, %dma_start3A_157] : memref<8x128xi32, #tpu.memory_space<vmem>> -> memref<1x128xi32, #tpu.memory_space<vmem>>
      %dma_start3A_159 = tpu.memref_squeeze %dma_start3A_158 : memref<1x128xi32, #tpu.memory_space<vmem>> -> memref<128xi32, #tpu.memory_space<vmem>>
      %dma_start3A_160 = tpu.memref_slice %arg3[%add3A_77] : memref<32768xi32, #tpu.memory_space<hbm>> -> memref<128xi32, #tpu.memory_space<hbm>>
      tpu.enqueue_dma source(%dma_start3A_160 : memref<128xi32, #tpu.memory_space<hbm>>) target(%dma_start3A_159 : memref<128xi32, #tpu.memory_space<vmem>>) target_semaphore(%run_scoped3A_152 : memref<!tpu.dma_semaphore, #tpu.memory_space<semaphore_mem>>)
      %dma_wait3A_161 = arith.constant 0 : i32
      %dma_wait3A_162 = tpu.memref_slice %arg5[%run_scoped3A_78, %dma_wait3A_161] : memref<8x128xi32, #tpu.memory_space<vmem>> -> memref<1x128xi32, #tpu.memory_space<vmem>>
      %dma_wait3A_163 = tpu.memref_squeeze %dma_wait3A_162 : memref<1x128xi32, #tpu.memory_space<vmem>> -> memref<128xi32, #tpu.memory_space<vmem>>
      %dma_wait3A_164 = tpu.memref_slice %arg3[%add3A_77] : memref<32768xi32, #tpu.memory_space<hbm>> -> memref<128xi32, #tpu.memory_space<hbm>>
      %dma_wait3A_165 = arith.constant 0 : i32
      %dma_wait3A_166 = tpu.memref_slice %arg5[%run_scoped3A_78, %dma_wait3A_165] : memref<8x128xi32, #tpu.memory_space<vmem>> -> memref<1x128xi32, #tpu.memory_space<vmem>>
      %dma_wait3A_167 = tpu.memref_squeeze %dma_wait3A_166 : memref<1x128xi32, #tpu.memory_space<vmem>> -> memref<128xi32, #tpu.memory_space<vmem>>
      %dma_wait3A_168 = tpu.memref_slice %arg3[%add3A_77] : memref<32768xi32, #tpu.memory_space<hbm>> -> memref<128xi32, #tpu.memory_space<hbm>>
      tpu.wait_dma2 semaphore(%run_scoped3A_152 : memref<!tpu.dma_semaphore, #tpu.memory_space<semaphore_mem>>) src(%dma_wait3A_168 : memref<128xi32, #tpu.memory_space<hbm>>) dst(%dma_wait3A_167 : memref<128xi32, #tpu.memory_space<vmem>>)
      tpu.yield
    }) : () -> ()
    %dma_start3A_79 = arith.constant 4 : i32
    %dma_start3A_80 = arith.constant 0 : i32
    %dma_start3A_81 = tpu.memref_slice %arg5[%dma_start3A_79, %dma_start3A_80] : memref<8x128xi32, #tpu.memory_space<vmem>> -> memref<1x128xi32, #tpu.memory_space<vmem>>
    %dma_start3A_82 = tpu.memref_squeeze %dma_start3A_81 : memref<1x128xi32, #tpu.memory_space<vmem>> -> memref<128xi32, #tpu.memory_space<vmem>>
    %dma_start3A_83 = arith.constant 0 : i32
    %dma_start3A_84 = arith.constant 0 : i32
    %dma_start3A_85 = tpu.memref_slice %arg2[%dma_start3A_83, %dma_start3A_84] : memref<8192x256xf32, #tpu.memory_space<hbm>> -> memref<8192x256xf32, #tpu.memory_space<hbm>>
    tpu.enqueue_indirect_dma source(%dma_start3A_85 : memref<8192x256xf32, #tpu.memory_space<hbm>>) target(%arg6 : memref<128x256xf32, #tpu.memory_space<vmem>>) offsets(%dma_start3A_82 : memref<128xi32, #tpu.memory_space<vmem>>) semaphore(%arg7 : memref<!tpu.dma_semaphore, #tpu.memory_space<semaphore_mem>>)
    %dma_wait3A_86 = arith.constant 4 : i32
    %dma_wait3A_87 = arith.constant 0 : i32
    %dma_wait3A_88 = tpu.memref_slice %arg5[%dma_wait3A_86, %dma_wait3A_87] : memref<8x128xi32, #tpu.memory_space<vmem>> -> memref<1x128xi32, #tpu.memory_space<vmem>>
    %dma_wait3A_89 = tpu.memref_squeeze %dma_wait3A_88 : memref<1x128xi32, #tpu.memory_space<vmem>> -> memref<128xi32, #tpu.memory_space<vmem>>
    %dma_wait3A_90 = arith.constant 0 : i32
    %dma_wait3A_91 = arith.constant 0 : i32
    %dma_wait3A_92 = tpu.memref_slice %arg2[%dma_wait3A_90, %dma_wait3A_91] : memref<8192x256xf32, #tpu.memory_space<hbm>> -> memref<8192x256xf32, #tpu.memory_space<hbm>>
    tpu.wait_indirect_dma semaphore(%arg7 : memref<!tpu.dma_semaphore, #tpu.memory_space<semaphore_mem>>) src(%dma_wait3A_92 : memref<8192x256xf32, #tpu.memory_space<hbm>>) dst(%arg6 : memref<128x256xf32, #tpu.memory_space<vmem>>)
    %add3A_93 = arith.constant 512 : i32
    %add3A_94 = arith.addi %mul3A_2, %add3A_93 : i32
    "tpu.region"() ({
      %run_scoped3A_152 = tpu.sem_alloc : memref<!tpu.dma_semaphore, #tpu.memory_space<semaphore_mem>>
      %dma_start3A_153 = arith.constant 0 : i32
      %dma_start3A_154 = tpu.memref_slice %arg4[%add3A_94, %dma_start3A_153] : memref<32768x256xf32, #tpu.memory_space<hbm>> -> memref<128x256xf32, #tpu.memory_space<hbm>>
      %dma_start3A_155 = arith.constant 0 : i32
      %dma_start3A_156 = tpu.memref_slice %arg4[%add3A_94, %dma_start3A_155] : memref<32768x256xf32, #tpu.memory_space<hbm>> -> memref<128x256xf32, #tpu.memory_space<hbm>>
      tpu.enqueue_dma source(%arg6 : memref<128x256xf32, #tpu.memory_space<vmem>>) target(%dma_start3A_156 : memref<128x256xf32, #tpu.memory_space<hbm>>) target_semaphore(%run_scoped3A_152 : memref<!tpu.dma_semaphore, #tpu.memory_space<semaphore_mem>>)
      %dma_wait3A_157 = arith.constant 0 : i32
      %dma_wait3A_158 = tpu.memref_slice %arg4[%add3A_94, %dma_wait3A_157] : memref<32768x256xf32, #tpu.memory_space<hbm>> -> memref<128x256xf32, #tpu.memory_space<hbm>>
      %dma_wait3A_159 = arith.constant 0 : i32
      %dma_wait3A_160 = tpu.memref_slice %arg4[%add3A_94, %dma_wait3A_159] : memref<32768x256xf32, #tpu.memory_space<hbm>> -> memref<128x256xf32, #tpu.memory_space<hbm>>
      tpu.wait_dma2 semaphore(%run_scoped3A_152 : memref<!tpu.dma_semaphore, #tpu.memory_space<semaphore_mem>>) src(%arg6 : memref<128x256xf32, #tpu.memory_space<vmem>>) dst(%dma_wait3A_160 : memref<128x256xf32, #tpu.memory_space<hbm>>)
      tpu.yield
    }) : () -> ()
    %add3A_95 = arith.constant 640 : i32
    %add3A_96 = arith.addi %mul3A_2, %add3A_95 : i32
    %run_scoped3A_97 = arith.constant 5 : i32
    "tpu.region"() ({
      %run_scoped3A_152 = tpu.sem_alloc : memref<!tpu.dma_semaphore, #tpu.memory_space<semaphore_mem>>
      %dma_start3A_153 = arith.constant 0 : i32
      %dma_start3A_154 = tpu.memref_slice %arg5[%run_scoped3A_97, %dma_start3A_153] : memref<8x128xi32, #tpu.memory_space<vmem>> -> memref<1x128xi32, #tpu.memory_space<vmem>>
      %dma_start3A_155 = tpu.memref_squeeze %dma_start3A_154 : memref<1x128xi32, #tpu.memory_space<vmem>> -> memref<128xi32, #tpu.memory_space<vmem>>
      %dma_start3A_156 = tpu.memref_slice %arg3[%add3A_96] : memref<32768xi32, #tpu.memory_space<hbm>> -> memref<128xi32, #tpu.memory_space<hbm>>
      %dma_start3A_157 = arith.constant 0 : i32
      %dma_start3A_158 = tpu.memref_slice %arg5[%run_scoped3A_97, %dma_start3A_157] : memref<8x128xi32, #tpu.memory_space<vmem>> -> memref<1x128xi32, #tpu.memory_space<vmem>>
      %dma_start3A_159 = tpu.memref_squeeze %dma_start3A_158 : memref<1x128xi32, #tpu.memory_space<vmem>> -> memref<128xi32, #tpu.memory_space<vmem>>
      %dma_start3A_160 = tpu.memref_slice %arg3[%add3A_96] : memref<32768xi32, #tpu.memory_space<hbm>> -> memref<128xi32, #tpu.memory_space<hbm>>
      tpu.enqueue_dma source(%dma_start3A_160 : memref<128xi32, #tpu.memory_space<hbm>>) target(%dma_start3A_159 : memref<128xi32, #tpu.memory_space<vmem>>) target_semaphore(%run_scoped3A_152 : memref<!tpu.dma_semaphore, #tpu.memory_space<semaphore_mem>>)
      %dma_wait3A_161 = arith.constant 0 : i32
      %dma_wait3A_162 = tpu.memref_slice %arg5[%run_scoped3A_97, %dma_wait3A_161] : memref<8x128xi32, #tpu.memory_space<vmem>> -> memref<1x128xi32, #tpu.memory_space<vmem>>
      %dma_wait3A_163 = tpu.memref_squeeze %dma_wait3A_162 : memref<1x128xi32, #tpu.memory_space<vmem>> -> memref<128xi32, #tpu.memory_space<vmem>>
      %dma_wait3A_164 = tpu.memref_slice %arg3[%add3A_96] : memref<32768xi32, #tpu.memory_space<hbm>> -> memref<128xi32, #tpu.memory_space<hbm>>
      %dma_wait3A_165 = arith.constant 0 : i32
      %dma_wait3A_166 = tpu.memref_slice %arg5[%run_scoped3A_97, %dma_wait3A_165] : memref<8x128xi32, #tpu.memory_space<vmem>> -> memref<1x128xi32, #tpu.memory_space<vmem>>
      %dma_wait3A_167 = tpu.memref_squeeze %dma_wait3A_166 : memref<1x128xi32, #tpu.memory_space<vmem>> -> memref<128xi32, #tpu.memory_space<vmem>>
      %dma_wait3A_168 = tpu.memref_slice %arg3[%add3A_96] : memref<32768xi32, #tpu.memory_space<hbm>> -> memref<128xi32, #tpu.memory_space<hbm>>
      tpu.wait_dma2 semaphore(%run_scoped3A_152 : memref<!tpu.dma_semaphore, #tpu.memory_space<semaphore_mem>>) src(%dma_wait3A_168 : memref<128xi32, #tpu.memory_space<hbm>>) dst(%dma_wait3A_167 : memref<128xi32, #tpu.memory_space<vmem>>)
      tpu.yield
    }) : () -> ()
    %dma_start3A_98 = arith.constant 5 : i32
    %dma_start3A_99 = arith.constant 0 : i32
    %dma_start3A_100 = tpu.memref_slice %arg5[%dma_start3A_98, %dma_start3A_99] : memref<8x128xi32, #tpu.memory_space<vmem>> -> memref<1x128xi32, #tpu.memory_space<vmem>>
    %dma_start3A_101 = tpu.memref_squeeze %dma_start3A_100 : memref<1x128xi32, #tpu.memory_space<vmem>> -> memref<128xi32, #tpu.memory_space<vmem>>
    %dma_start3A_102 = arith.constant 0 : i32
    %dma_start3A_103 = arith.constant 0 : i32
    %dma_start3A_104 = tpu.memref_slice %arg2[%dma_start3A_102, %dma_start3A_103] : memref<8192x256xf32, #tpu.memory_space<hbm>> -> memref<8192x256xf32, #tpu.memory_space<hbm>>
    tpu.enqueue_indirect_dma source(%dma_start3A_104 : memref<8192x256xf32, #tpu.memory_space<hbm>>) target(%arg6 : memref<128x256xf32, #tpu.memory_space<vmem>>) offsets(%dma_start3A_101 : memref<128xi32, #tpu.memory_space<vmem>>) semaphore(%arg7 : memref<!tpu.dma_semaphore, #tpu.memory_space<semaphore_mem>>)
    %dma_wait3A_105 = arith.constant 5 : i32
    %dma_wait3A_106 = arith.constant 0 : i32
    %dma_wait3A_107 = tpu.memref_slice %arg5[%dma_wait3A_105, %dma_wait3A_106] : memref<8x128xi32, #tpu.memory_space<vmem>> -> memref<1x128xi32, #tpu.memory_space<vmem>>
    %dma_wait3A_108 = tpu.memref_squeeze %dma_wait3A_107 : memref<1x128xi32, #tpu.memory_space<vmem>> -> memref<128xi32, #tpu.memory_space<vmem>>
    %dma_wait3A_109 = arith.constant 0 : i32
    %dma_wait3A_110 = arith.constant 0 : i32
    %dma_wait3A_111 = tpu.memref_slice %arg2[%dma_wait3A_109, %dma_wait3A_110] : memref<8192x256xf32, #tpu.memory_space<hbm>> -> memref<8192x256xf32, #tpu.memory_space<hbm>>
    tpu.wait_indirect_dma semaphore(%arg7 : memref<!tpu.dma_semaphore, #tpu.memory_space<semaphore_mem>>) src(%dma_wait3A_111 : memref<8192x256xf32, #tpu.memory_space<hbm>>) dst(%arg6 : memref<128x256xf32, #tpu.memory_space<vmem>>)
    %add3A_112 = arith.constant 640 : i32
    %add3A_113 = arith.addi %mul3A_2, %add3A_112 : i32
    "tpu.region"() ({
      %run_scoped3A_152 = tpu.sem_alloc : memref<!tpu.dma_semaphore, #tpu.memory_space<semaphore_mem>>
      %dma_start3A_153 = arith.constant 0 : i32
      %dma_start3A_154 = tpu.memref_slice %arg4[%add3A_113, %dma_start3A_153] : memref<32768x256xf32, #tpu.memory_space<hbm>> -> memref<128x256xf32, #tpu.memory_space<hbm>>
      %dma_start3A_155 = arith.constant 0 : i32
      %dma_start3A_156 = tpu.memref_slice %arg4[%add3A_113, %dma_start3A_155] : memref<32768x256xf32, #tpu.memory_space<hbm>> -> memref<128x256xf32, #tpu.memory_space<hbm>>
      tpu.enqueue_dma source(%arg6 : memref<128x256xf32, #tpu.memory_space<vmem>>) target(%dma_start3A_156 : memref<128x256xf32, #tpu.memory_space<hbm>>) target_semaphore(%run_scoped3A_152 : memref<!tpu.dma_semaphore, #tpu.memory_space<semaphore_mem>>)
      %dma_wait3A_157 = arith.constant 0 : i32
      %dma_wait3A_158 = tpu.memref_slice %arg4[%add3A_113, %dma_wait3A_157] : memref<32768x256xf32, #tpu.memory_space<hbm>> -> memref<128x256xf32, #tpu.memory_space<hbm>>
      %dma_wait3A_159 = arith.constant 0 : i32
      %dma_wait3A_160 = tpu.memref_slice %arg4[%add3A_113, %dma_wait3A_159] : memref<32768x256xf32, #tpu.memory_space<hbm>> -> memref<128x256xf32, #tpu.memory_space<hbm>>
      tpu.wait_dma2 semaphore(%run_scoped3A_152 : memref<!tpu.dma_semaphore, #tpu.memory_space<semaphore_mem>>) src(%arg6 : memref<128x256xf32, #tpu.memory_space<vmem>>) dst(%dma_wait3A_160 : memref<128x256xf32, #tpu.memory_space<hbm>>)
      tpu.yield
    }) : () -> ()
    %add3A_114 = arith.constant 768 : i32
    %add3A_115 = arith.addi %mul3A_2, %add3A_114 : i32
    %run_scoped3A_116 = arith.constant 6 : i32
    "tpu.region"() ({
      %run_scoped3A_152 = tpu.sem_alloc : memref<!tpu.dma_semaphore, #tpu.memory_space<semaphore_mem>>
      %dma_start3A_153 = arith.constant 0 : i32
      %dma_start3A_154 = tpu.memref_slice %arg5[%run_scoped3A_116, %dma_start3A_153] : memref<8x128xi32, #tpu.memory_space<vmem>> -> memref<1x128xi32, #tpu.memory_space<vmem>>
      %dma_start3A_155 = tpu.memref_squeeze %dma_start3A_154 : memref<1x128xi32, #tpu.memory_space<vmem>> -> memref<128xi32, #tpu.memory_space<vmem>>
      %dma_start3A_156 = tpu.memref_slice %arg3[%add3A_115] : memref<32768xi32, #tpu.memory_space<hbm>> -> memref<128xi32, #tpu.memory_space<hbm>>
      %dma_start3A_157 = arith.constant 0 : i32
      %dma_start3A_158 = tpu.memref_slice %arg5[%run_scoped3A_116, %dma_start3A_157] : memref<8x128xi32, #tpu.memory_space<vmem>> -> memref<1x128xi32, #tpu.memory_space<vmem>>
      %dma_start3A_159 = tpu.memref_squeeze %dma_start3A_158 : memref<1x128xi32, #tpu.memory_space<vmem>> -> memref<128xi32, #tpu.memory_space<vmem>>
      %dma_start3A_160 = tpu.memref_slice %arg3[%add3A_115] : memref<32768xi32, #tpu.memory_space<hbm>> -> memref<128xi32, #tpu.memory_space<hbm>>
      tpu.enqueue_dma source(%dma_start3A_160 : memref<128xi32, #tpu.memory_space<hbm>>) target(%dma_start3A_159 : memref<128xi32, #tpu.memory_space<vmem>>) target_semaphore(%run_scoped3A_152 : memref<!tpu.dma_semaphore, #tpu.memory_space<semaphore_mem>>)
      %dma_wait3A_161 = arith.constant 0 : i32
      %dma_wait3A_162 = tpu.memref_slice %arg5[%run_scoped3A_116, %dma_wait3A_161] : memref<8x128xi32, #tpu.memory_space<vmem>> -> memref<1x128xi32, #tpu.memory_space<vmem>>
      %dma_wait3A_163 = tpu.memref_squeeze %dma_wait3A_162 : memref<1x128xi32, #tpu.memory_space<vmem>> -> memref<128xi32, #tpu.memory_space<vmem>>
      %dma_wait3A_164 = tpu.memref_slice %arg3[%add3A_115] : memref<32768xi32, #tpu.memory_space<hbm>> -> memref<128xi32, #tpu.memory_space<hbm>>
      %dma_wait3A_165 = arith.constant 0 : i32
      %dma_wait3A_166 = tpu.memref_slice %arg5[%run_scoped3A_116, %dma_wait3A_165] : memref<8x128xi32, #tpu.memory_space<vmem>> -> memref<1x128xi32, #tpu.memory_space<vmem>>
      %dma_wait3A_167 = tpu.memref_squeeze %dma_wait3A_166 : memref<1x128xi32, #tpu.memory_space<vmem>> -> memref<128xi32, #tpu.memory_space<vmem>>
      %dma_wait3A_168 = tpu.memref_slice %arg3[%add3A_115] : memref<32768xi32, #tpu.memory_space<hbm>> -> memref<128xi32, #tpu.memory_space<hbm>>
      tpu.wait_dma2 semaphore(%run_scoped3A_152 : memref<!tpu.dma_semaphore, #tpu.memory_space<semaphore_mem>>) src(%dma_wait3A_168 : memref<128xi32, #tpu.memory_space<hbm>>) dst(%dma_wait3A_167 : memref<128xi32, #tpu.memory_space<vmem>>)
      tpu.yield
    }) : () -> ()
    %dma_start3A_117 = arith.constant 6 : i32
    %dma_start3A_118 = arith.constant 0 : i32
    %dma_start3A_119 = tpu.memref_slice %arg5[%dma_start3A_117, %dma_start3A_118] : memref<8x128xi32, #tpu.memory_space<vmem>> -> memref<1x128xi32, #tpu.memory_space<vmem>>
    %dma_start3A_120 = tpu.memref_squeeze %dma_start3A_119 : memref<1x128xi32, #tpu.memory_space<vmem>> -> memref<128xi32, #tpu.memory_space<vmem>>
    %dma_start3A_121 = arith.constant 0 : i32
    %dma_start3A_122 = arith.constant 0 : i32
    %dma_start3A_123 = tpu.memref_slice %arg2[%dma_start3A_121, %dma_start3A_122] : memref<8192x256xf32, #tpu.memory_space<hbm>> -> memref<8192x256xf32, #tpu.memory_space<hbm>>
    tpu.enqueue_indirect_dma source(%dma_start3A_123 : memref<8192x256xf32, #tpu.memory_space<hbm>>) target(%arg6 : memref<128x256xf32, #tpu.memory_space<vmem>>) offsets(%dma_start3A_120 : memref<128xi32, #tpu.memory_space<vmem>>) semaphore(%arg7 : memref<!tpu.dma_semaphore, #tpu.memory_space<semaphore_mem>>)
    %dma_wait3A_124 = arith.constant 6 : i32
    %dma_wait3A_125 = arith.constant 0 : i32
    %dma_wait3A_126 = tpu.memref_slice %arg5[%dma_wait3A_124, %dma_wait3A_125] : memref<8x128xi32, #tpu.memory_space<vmem>> -> memref<1x128xi32, #tpu.memory_space<vmem>>
    %dma_wait3A_127 = tpu.memref_squeeze %dma_wait3A_126 : memref<1x128xi32, #tpu.memory_space<vmem>> -> memref<128xi32, #tpu.memory_space<vmem>>
    %dma_wait3A_128 = arith.constant 0 : i32
    %dma_wait3A_129 = arith.constant 0 : i32
    %dma_wait3A_130 = tpu.memref_slice %arg2[%dma_wait3A_128, %dma_wait3A_129] : memref<8192x256xf32, #tpu.memory_space<hbm>> -> memref<8192x256xf32, #tpu.memory_space<hbm>>
    tpu.wait_indirect_dma semaphore(%arg7 : memref<!tpu.dma_semaphore, #tpu.memory_space<semaphore_mem>>) src(%dma_wait3A_130 : memref<8192x256xf32, #tpu.memory_space<hbm>>) dst(%arg6 : memref<128x256xf32, #tpu.memory_space<vmem>>)
    %add3A_131 = arith.constant 768 : i32
    %add3A_132 = arith.addi %mul3A_2, %add3A_131 : i32
    "tpu.region"() ({
      %run_scoped3A_152 = tpu.sem_alloc : memref<!tpu.dma_semaphore, #tpu.memory_space<semaphore_mem>>
      %dma_start3A_153 = arith.constant 0 : i32
      %dma_start3A_154 = tpu.memref_slice %arg4[%add3A_132, %dma_start3A_153] : memref<32768x256xf32, #tpu.memory_space<hbm>> -> memref<128x256xf32, #tpu.memory_space<hbm>>
      %dma_start3A_155 = arith.constant 0 : i32
      %dma_start3A_156 = tpu.memref_slice %arg4[%add3A_132, %dma_start3A_155] : memref<32768x256xf32, #tpu.memory_space<hbm>> -> memref<128x256xf32, #tpu.memory_space<hbm>>
      tpu.enqueue_dma source(%arg6 : memref<128x256xf32, #tpu.memory_space<vmem>>) target(%dma_start3A_156 : memref<128x256xf32, #tpu.memory_space<hbm>>) target_semaphore(%run_scoped3A_152 : memref<!tpu.dma_semaphore, #tpu.memory_space<semaphore_mem>>)
      %dma_wait3A_157 = arith.constant 0 : i32
      %dma_wait3A_158 = tpu.memref_slice %arg4[%add3A_132, %dma_wait3A_157] : memref<32768x256xf32, #tpu.memory_space<hbm>> -> memref<128x256xf32, #tpu.memory_space<hbm>>
      %dma_wait3A_159 = arith.constant 0 : i32
      %dma_wait3A_160 = tpu.memref_slice %arg4[%add3A_132, %dma_wait3A_159] : memref<32768x256xf32, #tpu.memory_space<hbm>> -> memref<128x256xf32, #tpu.memory_space<hbm>>
      tpu.wait_dma2 semaphore(%run_scoped3A_152 : memref<!tpu.dma_semaphore, #tpu.memory_space<semaphore_mem>>) src(%arg6 : memref<128x256xf32, #tpu.memory_space<vmem>>) dst(%dma_wait3A_160 : memref<128x256xf32, #tpu.memory_space<hbm>>)
      tpu.yield
    }) : () -> ()
    %add3A_133 = arith.constant 896 : i32
    %add3A_134 = arith.addi %mul3A_2, %add3A_133 : i32
    %run_scoped3A_135 = arith.constant 7 : i32
    "tpu.region"() ({
      %run_scoped3A_152 = tpu.sem_alloc : memref<!tpu.dma_semaphore, #tpu.memory_space<semaphore_mem>>
      %dma_start3A_153 = arith.constant 0 : i32
      %dma_start3A_154 = tpu.memref_slice %arg5[%run_scoped3A_135, %dma_start3A_153] : memref<8x128xi32, #tpu.memory_space<vmem>> -> memref<1x128xi32, #tpu.memory_space<vmem>>
      %dma_start3A_155 = tpu.memref_squeeze %dma_start3A_154 : memref<1x128xi32, #tpu.memory_space<vmem>> -> memref<128xi32, #tpu.memory_space<vmem>>
      %dma_start3A_156 = tpu.memref_slice %arg3[%add3A_134] : memref<32768xi32, #tpu.memory_space<hbm>> -> memref<128xi32, #tpu.memory_space<hbm>>
      %dma_start3A_157 = arith.constant 0 : i32
      %dma_start3A_158 = tpu.memref_slice %arg5[%run_scoped3A_135, %dma_start3A_157] : memref<8x128xi32, #tpu.memory_space<vmem>> -> memref<1x128xi32, #tpu.memory_space<vmem>>
      %dma_start3A_159 = tpu.memref_squeeze %dma_start3A_158 : memref<1x128xi32, #tpu.memory_space<vmem>> -> memref<128xi32, #tpu.memory_space<vmem>>
      %dma_start3A_160 = tpu.memref_slice %arg3[%add3A_134] : memref<32768xi32, #tpu.memory_space<hbm>> -> memref<128xi32, #tpu.memory_space<hbm>>
      tpu.enqueue_dma source(%dma_start3A_160 : memref<128xi32, #tpu.memory_space<hbm>>) target(%dma_start3A_159 : memref<128xi32, #tpu.memory_space<vmem>>) target_semaphore(%run_scoped3A_152 : memref<!tpu.dma_semaphore, #tpu.memory_space<semaphore_mem>>)
      %dma_wait3A_161 = arith.constant 0 : i32
      %dma_wait3A_162 = tpu.memref_slice %arg5[%run_scoped3A_135, %dma_wait3A_161] : memref<8x128xi32, #tpu.memory_space<vmem>> -> memref<1x128xi32, #tpu.memory_space<vmem>>
      %dma_wait3A_163 = tpu.memref_squeeze %dma_wait3A_162 : memref<1x128xi32, #tpu.memory_space<vmem>> -> memref<128xi32, #tpu.memory_space<vmem>>
      %dma_wait3A_164 = tpu.memref_slice %arg3[%add3A_134] : memref<32768xi32, #tpu.memory_space<hbm>> -> memref<128xi32, #tpu.memory_space<hbm>>
      %dma_wait3A_165 = arith.constant 0 : i32
      %dma_wait3A_166 = tpu.memref_slice %arg5[%run_scoped3A_135, %dma_wait3A_165] : memref<8x128xi32, #tpu.memory_space<vmem>> -> memref<1x128xi32, #tpu.memory_space<vmem>>
      %dma_wait3A_167 = tpu.memref_squeeze %dma_wait3A_166 : memref<1x128xi32, #tpu.memory_space<vmem>> -> memref<128xi32, #tpu.memory_space<vmem>>
      %dma_wait3A_168 = tpu.memref_slice %arg3[%add3A_134] : memref<32768xi32, #tpu.memory_space<hbm>> -> memref<128xi32, #tpu.memory_space<hbm>>
      tpu.wait_dma2 semaphore(%run_scoped3A_152 : memref<!tpu.dma_semaphore, #tpu.memory_space<semaphore_mem>>) src(%dma_wait3A_168 : memref<128xi32, #tpu.memory_space<hbm>>) dst(%dma_wait3A_167 : memref<128xi32, #tpu.memory_space<vmem>>)
      tpu.yield
    }) : () -> ()
    %dma_start3A_136 = arith.constant 7 : i32
    %dma_start3A_137 = arith.constant 0 : i32
    %dma_start3A_138 = tpu.memref_slice %arg5[%dma_start3A_136, %dma_start3A_137] : memref<8x128xi32, #tpu.memory_space<vmem>> -> memref<1x128xi32, #tpu.memory_space<vmem>>
    %dma_start3A_139 = tpu.memref_squeeze %dma_start3A_138 : memref<1x128xi32, #tpu.memory_space<vmem>> -> memref<128xi32, #tpu.memory_space<vmem>>
    %dma_start3A_140 = arith.constant 0 : i32
    %dma_start3A_141 = arith.constant 0 : i32
    %dma_start3A_142 = tpu.memref_slice %arg2[%dma_start3A_140, %dma_start3A_141] : memref<8192x256xf32, #tpu.memory_space<hbm>> -> memref<8192x256xf32, #tpu.memory_space<hbm>>
    tpu.enqueue_indirect_dma source(%dma_start3A_142 : memref<8192x256xf32, #tpu.memory_space<hbm>>) target(%arg6 : memref<128x256xf32, #tpu.memory_space<vmem>>) offsets(%dma_start3A_139 : memref<128xi32, #tpu.memory_space<vmem>>) semaphore(%arg7 : memref<!tpu.dma_semaphore, #tpu.memory_space<semaphore_mem>>)
    %dma_wait3A_143 = arith.constant 7 : i32
    %dma_wait3A_144 = arith.constant 0 : i32
    %dma_wait3A_145 = tpu.memref_slice %arg5[%dma_wait3A_143, %dma_wait3A_144] : memref<8x128xi32, #tpu.memory_space<vmem>> -> memref<1x128xi32, #tpu.memory_space<vmem>>
    %dma_wait3A_146 = tpu.memref_squeeze %dma_wait3A_145 : memref<1x128xi32, #tpu.memory_space<vmem>> -> memref<128xi32, #tpu.memory_space<vmem>>
    %dma_wait3A_147 = arith.constant 0 : i32
    %dma_wait3A_148 = arith.constant 0 : i32
    %dma_wait3A_149 = tpu.memref_slice %arg2[%dma_wait3A_147, %dma_wait3A_148] : memref<8192x256xf32, #tpu.memory_space<hbm>> -> memref<8192x256xf32, #tpu.memory_space<hbm>>
    tpu.wait_indirect_dma semaphore(%arg7 : memref<!tpu.dma_semaphore, #tpu.memory_space<semaphore_mem>>) src(%dma_wait3A_149 : memref<8192x256xf32, #tpu.memory_space<hbm>>) dst(%arg6 : memref<128x256xf32, #tpu.memory_space<vmem>>)
    %add3A_150 = arith.constant 896 : i32
    %add3A_151 = arith.addi %mul3A_2, %add3A_150 : i32
    "tpu.region"() ({
      %run_scoped3A_152 = tpu.sem_alloc : memref<!tpu.dma_semaphore, #tpu.memory_space<semaphore_mem>>
      %dma_start3A_153 = arith.constant 0 : i32
      %dma_start3A_154 = tpu.memref_slice %arg4[%add3A_151, %dma_start3A_153] : memref<32768x256xf32, #tpu.memory_space<hbm>> -> memref<128x256xf32, #tpu.memory_space<hbm>>
      %dma_start3A_155 = arith.constant 0 : i32
      %dma_start3A_156 = tpu.memref_slice %arg4[%add3A_151, %dma_start3A_155] : memref<32768x256xf32, #tpu.memory_space<hbm>> -> memref<128x256xf32, #tpu.memory_space<hbm>>
      tpu.enqueue_dma source(%arg6 : memref<128x256xf32, #tpu.memory_space<vmem>>) target(%dma_start3A_156 : memref<128x256xf32, #tpu.memory_space<hbm>>) target_semaphore(%run_scoped3A_152 : memref<!tpu.dma_semaphore, #tpu.memory_space<semaphore_mem>>)
      %dma_wait3A_157 = arith.constant 0 : i32
      %dma_wait3A_158 = tpu.memref_slice %arg4[%add3A_151, %dma_wait3A_157] : memref<32768x256xf32, #tpu.memory_space<hbm>> -> memref<128x256xf32, #tpu.memory_space<hbm>>
      %dma_wait3A_159 = arith.constant 0 : i32
      %dma_wait3A_160 = tpu.memref_slice %arg4[%add3A_151, %dma_wait3A_159] : memref<32768x256xf32, #tpu.memory_space<hbm>> -> memref<128x256xf32, #tpu.memory_space<hbm>>
      tpu.wait_dma2 semaphore(%run_scoped3A_152 : memref<!tpu.dma_semaphore, #tpu.memory_space<semaphore_mem>>) src(%arg6 : memref<128x256xf32, #tpu.memory_space<vmem>>) dst(%dma_wait3A_160 : memref<128x256xf32, #tpu.memory_space<hbm>>)
      tpu.yield
    }) : () -> ()
    return
  }
}

module attributes {stable_mosaic.version = 14 : i64} {
  func.func @_topk_body(%arg0: i32, %arg1: i32, %arg2: memref<1x256x512xf32, #tpu.memory_space<vmem>>, %arg3: memref<2048x256xf32, #tpu.memory_space<vmem>>, %arg4: memref<1x8x512xi32, #tpu.memory_space<vmem>>, %arg5: memref<32x512xf32, #tpu.memory_space<vmem>>) attributes {dimension_semantics = [#tpu.dimension_semantics<arbitrary>, #tpu.dimension_semantics<arbitrary>], iteration_bounds = array<i64: 8, 4>, scalar_prefetch = 0 : i64, scratch_operands = 1 : i64, tpu.core_type = #tpu.core_type<tc>, window_params = [{transform_indices = @transform_0, window_bounds = array<i64: 1, 256, 512>}, {transform_indices = @transform_1, window_bounds = array<i64: 2048, 256>}, {transform_indices = @transform_2, window_bounds = array<i64: 1, 8, 512>}]} {
    %get3A = arith.constant 0 : index
    %get3A_0 = arith.constant 0 : index
    %get3A_1 = arith.constant 0 : index
    %get3A_2 = vector.load %arg2[%get3A, %get3A_0, %get3A_1] : memref<1x256x512xf32, #tpu.memory_space<vmem>>, vector<1x256x512xf32>
    %get3A_3 = vector.shape_cast %get3A_2 : vector<1x256x512xf32> to vector<256x512xf32>
    %get3A_4 = arith.constant 0 : index
    %get3A_5 = arith.constant 0 : index
    %get3A_6 = vector.load %arg3[%get3A_4, %get3A_5] : memref<2048x256xf32, #tpu.memory_space<vmem>>, vector<2048x256xf32>
    %mul3A = arith.mulf %get3A_6, %get3A_6 : vector<2048x256xf32>
    %reduce_sum3A = arith.constant dense<0.000000e+00> : vector<2048xf32>
    %reduce_sum3A_7 = vector.multi_reduction <add>, %mul3A, %reduce_sum3A [1] : vector<2048x256xf32> to vector<2048xf32>
    %broadcast_in_dim3A = vector.shape_cast %reduce_sum3A_7 : vector<2048xf32> to vector<2048x1xf32>
    %dot_general3A = arith.constant dense<0.000000e+00> : vector<2048x512xf32>
    %dot_general3A_8 = tpu.matmul %get3A_6, %get3A_3, %dot_general3A {dimension_numbers = #tpu.dot_dimension_numbers<[1], [0], [0], [1], [0, 0, 1, 1], [], []>, transpose_lhs_hint = false} : vector<2048x256xf32>, vector<256x512xf32>, vector<2048x512xf32> -> vector<2048x512xf32>
    %mul3A_9 = arith.constant 2.000000e+00 : f32
    %mul3A_10 = vector.broadcast %mul3A_9 : f32 to vector<2048x512xf32>
    %mul3A_11 = arith.mulf %mul3A_10, %dot_general3A_8 : vector<2048x512xf32>
    %sub3A = vector.broadcast %broadcast_in_dim3A : vector<2048x1xf32> to vector<2048x512xf32>
    %sub3A_12 = arith.subf %sub3A, %mul3A_11 : vector<2048x512xf32>
    %iota3A = tpu.iota {dimensions = array<i32: 0>} : vector<2048x512xi32>
    %mul3A_13 = arith.constant 2048 : i32
    %mul3A_14 = arith.muli %arg1, %mul3A_13 : i32
    %sub3A_15 = arith.constant 8191 : i32
    %sub3A_16 = arith.subi %sub3A_15, %mul3A_14 : i32
    %sub3A_17 = vector.broadcast %sub3A_16 : i32 to vector<2048x512xi32>
    %sub3A_18 = arith.subi %sub3A_17, %iota3A : vector<2048x512xi32>
    %bitcast_convert_type3A = tpu.bitcast %sub3A_12 : vector<2048x512xf32> -> vector<2048x512xi32>
    %and3A = arith.constant -8192 : i32
    %and3A_19 = vector.broadcast %and3A : i32 to vector<2048x512xi32>
    %and3A_20 = arith.andi %bitcast_convert_type3A, %and3A_19 : vector<2048x512xi32>
    %or3A = arith.ori %and3A_20, %sub3A_18 : vector<2048x512xi32>
    %bitcast_convert_type3A_21 = tpu.bitcast %or3A : vector<2048x512xi32> -> vector<2048x512xf32>
    %reduce_min3A = arith.constant dense<0x7F800000> : vector<512xf32>
    %reduce_min3A_22 = vector.multi_reduction <minimumf>, %bitcast_convert_type3A_21, %reduce_min3A [0] : vector<2048x512xf32> to vector<512xf32>
    %broadcast_in_dim3A_23 = vector.shape_cast %reduce_min3A_22 : vector<512xf32> to vector<1x512xf32>
    %eq3A = vector.broadcast %broadcast_in_dim3A_23 : vector<1x512xf32> to vector<2048x512xf32>
    %eq3A_24 = arith.cmpf oeq, %bitcast_convert_type3A_21, %eq3A : vector<2048x512xf32>
    %jit3A = arith.constant 0x7F800000 : f32
    %broadcast_in_dim3A_25 = vector.broadcast %jit3A : f32 to vector<2048x512xf32>
    %select_n3A = arith.select %eq3A_24, %broadcast_in_dim3A_25, %bitcast_convert_type3A_21 : vector<2048x512xi1>, vector<2048x512xf32>
    %reduce_min3A_26 = arith.constant dense<0x7F800000> : vector<512xf32>
    %reduce_min3A_27 = vector.multi_reduction <minimumf>, %select_n3A, %reduce_min3A_26 [0] : vector<2048x512xf32> to vector<512xf32>
    %broadcast_in_dim3A_28 = vector.shape_cast %reduce_min3A_27 : vector<512xf32> to vector<1x512xf32>
    %eq3A_29 = vector.broadcast %broadcast_in_dim3A_28 : vector<1x512xf32> to vector<2048x512xf32>
    %eq3A_30 = arith.cmpf oeq, %select_n3A, %eq3A_29 : vector<2048x512xf32>
    %jit3A_31 = arith.constant 0x7F800000 : f32
    %broadcast_in_dim3A_32 = vector.broadcast %jit3A_31 : f32 to vector<2048x512xf32>
    %select_n3A_33 = arith.select %eq3A_30, %broadcast_in_dim3A_32, %select_n3A : vector<2048x512xi1>, vector<2048x512xf32>
    %reduce_min3A_34 = arith.constant dense<0x7F800000> : vector<512xf32>
    %reduce_min3A_35 = vector.multi_reduction <minimumf>, %select_n3A_33, %reduce_min3A_34 [0] : vector<2048x512xf32> to vector<512xf32>
    %broadcast_in_dim3A_36 = vector.shape_cast %reduce_min3A_35 : vector<512xf32> to vector<1x512xf32>
    %eq3A_37 = vector.broadcast %broadcast_in_dim3A_36 : vector<1x512xf32> to vector<2048x512xf32>
    %eq3A_38 = arith.cmpf oeq, %select_n3A_33, %eq3A_37 : vector<2048x512xf32>
    %jit3A_39 = arith.constant 0x7F800000 : f32
    %broadcast_in_dim3A_40 = vector.broadcast %jit3A_39 : f32 to vector<2048x512xf32>
    %select_n3A_41 = arith.select %eq3A_38, %broadcast_in_dim3A_40, %select_n3A_33 : vector<2048x512xi1>, vector<2048x512xf32>
    %reduce_min3A_42 = arith.constant dense<0x7F800000> : vector<512xf32>
    %reduce_min3A_43 = vector.multi_reduction <minimumf>, %select_n3A_41, %reduce_min3A_42 [0] : vector<2048x512xf32> to vector<512xf32>
    %broadcast_in_dim3A_44 = vector.shape_cast %reduce_min3A_43 : vector<512xf32> to vector<1x512xf32>
    %broadcast_in_dim3A_45 = arith.constant 0x7F800000 : f32
    %broadcast_in_dim3A_46 = vector.broadcast %broadcast_in_dim3A_45 : f32 to vector<4x512xf32>
    %mul3A_47 = arith.constant 8 : i32
    %mul3A_48 = arith.muli %mul3A_47, %arg1 : i32
    %multiple_of3A = tpu.assume_multiple %mul3A_48, 8 : i32
    %concatenate3A = tpu.concatenate %broadcast_in_dim3A_23, %broadcast_in_dim3A_28, %broadcast_in_dim3A_36, %broadcast_in_dim3A_44, %broadcast_in_dim3A_46 in 0 : vector<1x512xf32>, vector<1x512xf32>, vector<1x512xf32>, vector<1x512xf32>, vector<4x512xf32> -> vector<8x512xf32>
    %swap3A = arith.index_cast %multiple_of3A : i32 to index
    %swap3A_49 = arith.constant 0 : index
    %swap3A_50 = vector.load %arg5[%swap3A, %swap3A_49] : memref<32x512xf32, #tpu.memory_space<vmem>>, vector<8x512xf32>
    tpu.vector_store %arg5[%swap3A, %swap3A_49], %concatenate3A {strides = array<i32>} : memref<32x512xf32, #tpu.memory_space<vmem>>, vector<8x512xf32>,
    %eq3A_51 = arith.constant 3 : i32
    %eq3A_52 = arith.cmpi eq, %arg1, %eq3A_51 : i32
    %convert_element_type3A = arith.extui %eq3A_52 : i1 to i32
    %cond3A = arith.constant 0 : i32
    %cond3A_53 = arith.cmpi ne, %convert_element_type3A, %cond3A : i32
    scf.if %cond3A_53 {
      %get3A_54 = arith.constant 0 : index
      %get3A_55 = arith.constant 0 : index
      %get3A_56 = vector.load %arg5[%get3A_54, %get3A_55] : memref<32x512xf32, #tpu.memory_space<vmem>>, vector<32x512xf32>
      %reduce_min3A_57 = arith.constant dense<0x7F800000> : vector<512xf32>
      %reduce_min3A_58 = vector.multi_reduction <minimumf>, %get3A_56, %reduce_min3A_57 [0] : vector<32x512xf32> to vector<512xf32>
      %broadcast_in_dim3A_59 = vector.shape_cast %reduce_min3A_58 : vector<512xf32> to vector<1x512xf32>
      %eq3A_60 = vector.broadcast %broadcast_in_dim3A_59 : vector<1x512xf32> to vector<32x512xf32>
      %eq3A_61 = arith.cmpf oeq, %get3A_56, %eq3A_60 : vector<32x512xf32>
      %jit3A_62 = arith.constant 0x7F800000 : f32
      %broadcast_in_dim3A_63 = vector.broadcast %jit3A_62 : f32 to vector<32x512xf32>
      %select_n3A_64 = arith.select %eq3A_61, %broadcast_in_dim3A_63, %get3A_56 : vector<32x512xi1>, vector<32x512xf32>
      %reduce_min3A_65 = arith.constant dense<0x7F800000> : vector<512xf32>
      %reduce_min3A_66 = vector.multi_reduction <minimumf>, %select_n3A_64, %reduce_min3A_65 [0] : vector<32x512xf32> to vector<512xf32>
      %broadcast_in_dim3A_67 = vector.shape_cast %reduce_min3A_66 : vector<512xf32> to vector<1x512xf32>
      %eq3A_68 = vector.broadcast %broadcast_in_dim3A_67 : vector<1x512xf32> to vector<32x512xf32>
      %eq3A_69 = arith.cmpf oeq, %select_n3A_64, %eq3A_68 : vector<32x512xf32>
      %jit3A_70 = arith.constant 0x7F800000 : f32
      %broadcast_in_dim3A_71 = vector.broadcast %jit3A_70 : f32 to vector<32x512xf32>
      %select_n3A_72 = arith.select %eq3A_69, %broadcast_in_dim3A_71, %select_n3A_64 : vector<32x512xi1>, vector<32x512xf32>
      %reduce_min3A_73 = arith.constant dense<0x7F800000> : vector<512xf32>
      %reduce_min3A_74 = vector.multi_reduction <minimumf>, %select_n3A_72, %reduce_min3A_73 [0] : vector<32x512xf32> to vector<512xf32>
      %broadcast_in_dim3A_75 = vector.shape_cast %reduce_min3A_74 : vector<512xf32> to vector<1x512xf32>
      %eq3A_76 = vector.broadcast %broadcast_in_dim3A_75 : vector<1x512xf32> to vector<32x512xf32>
      %eq3A_77 = arith.cmpf oeq, %select_n3A_72, %eq3A_76 : vector<32x512xf32>
      %jit3A_78 = arith.constant 0x7F800000 : f32
      %broadcast_in_dim3A_79 = vector.broadcast %jit3A_78 : f32 to vector<32x512xf32>
      %select_n3A_80 = arith.select %eq3A_77, %broadcast_in_dim3A_79, %select_n3A_72 : vector<32x512xi1>, vector<32x512xf32>
      %reduce_min3A_81 = arith.constant dense<0x7F800000> : vector<512xf32>
      %reduce_min3A_82 = vector.multi_reduction <minimumf>, %select_n3A_80, %reduce_min3A_81 [0] : vector<32x512xf32> to vector<512xf32>
      %broadcast_in_dim3A_83 = vector.shape_cast %reduce_min3A_82 : vector<512xf32> to vector<1x512xf32>
      %eq3A_84 = vector.broadcast %broadcast_in_dim3A_83 : vector<1x512xf32> to vector<32x512xf32>
      %eq3A_85 = arith.cmpf oeq, %select_n3A_80, %eq3A_84 : vector<32x512xf32>
      %jit3A_86 = arith.constant 0x7F800000 : f32
      %broadcast_in_dim3A_87 = vector.broadcast %jit3A_86 : f32 to vector<32x512xf32>
      %select_n3A_88 = arith.select %eq3A_85, %broadcast_in_dim3A_87, %select_n3A_80 : vector<32x512xi1>, vector<32x512xf32>
      %reduce_min3A_89 = arith.constant dense<0x7F800000> : vector<512xf32>
      %reduce_min3A_90 = vector.multi_reduction <minimumf>, %select_n3A_88, %reduce_min3A_89 [0] : vector<32x512xf32> to vector<512xf32>
      %broadcast_in_dim3A_91 = vector.shape_cast %reduce_min3A_90 : vector<512xf32> to vector<1x512xf32>
      %eq3A_92 = vector.broadcast %broadcast_in_dim3A_91 : vector<1x512xf32> to vector<32x512xf32>
      %eq3A_93 = arith.cmpf oeq, %select_n3A_88, %eq3A_92 : vector<32x512xf32>
      %jit3A_94 = arith.constant 0x7F800000 : f32
      %broadcast_in_dim3A_95 = vector.broadcast %jit3A_94 : f32 to vector<32x512xf32>
      %select_n3A_96 = arith.select %eq3A_93, %broadcast_in_dim3A_95, %select_n3A_88 : vector<32x512xi1>, vector<32x512xf32>
      %reduce_min3A_97 = arith.constant dense<0x7F800000> : vector<512xf32>
      %reduce_min3A_98 = vector.multi_reduction <minimumf>, %select_n3A_96, %reduce_min3A_97 [0] : vector<32x512xf32> to vector<512xf32>
      %broadcast_in_dim3A_99 = vector.shape_cast %reduce_min3A_98 : vector<512xf32> to vector<1x512xf32>
      %eq3A_100 = vector.broadcast %broadcast_in_dim3A_99 : vector<1x512xf32> to vector<32x512xf32>
      %eq3A_101 = arith.cmpf oeq, %select_n3A_96, %eq3A_100 : vector<32x512xf32>
      %jit3A_102 = arith.constant 0x7F800000 : f32
      %broadcast_in_dim3A_103 = vector.broadcast %jit3A_102 : f32 to vector<32x512xf32>
      %select_n3A_104 = arith.select %eq3A_101, %broadcast_in_dim3A_103, %select_n3A_96 : vector<32x512xi1>, vector<32x512xf32>
      %reduce_min3A_105 = arith.constant dense<0x7F800000> : vector<512xf32>
      %reduce_min3A_106 = vector.multi_reduction <minimumf>, %select_n3A_104, %reduce_min3A_105 [0] : vector<32x512xf32> to vector<512xf32>
      %broadcast_in_dim3A_107 = vector.shape_cast %reduce_min3A_106 : vector<512xf32> to vector<1x512xf32>
      %eq3A_108 = vector.broadcast %broadcast_in_dim3A_107 : vector<1x512xf32> to vector<32x512xf32>
      %eq3A_109 = arith.cmpf oeq, %select_n3A_104, %eq3A_108 : vector<32x512xf32>
      %jit3A_110 = arith.constant 0x7F800000 : f32
      %broadcast_in_dim3A_111 = vector.broadcast %jit3A_110 : f32 to vector<32x512xf32>
      %select_n3A_112 = arith.select %eq3A_109, %broadcast_in_dim3A_111, %select_n3A_104 : vector<32x512xi1>, vector<32x512xf32>
      %reduce_min3A_113 = arith.constant dense<0x7F800000> : vector<512xf32>
      %reduce_min3A_114 = vector.multi_reduction <minimumf>, %select_n3A_112, %reduce_min3A_113 [0] : vector<32x512xf32> to vector<512xf32>
      %broadcast_in_dim3A_115 = vector.shape_cast %reduce_min3A_114 : vector<512xf32> to vector<1x512xf32>
      %concatenate3A_116 = tpu.concatenate %broadcast_in_dim3A_59, %broadcast_in_dim3A_67, %broadcast_in_dim3A_75, %broadcast_in_dim3A_83, %broadcast_in_dim3A_91, %broadcast_in_dim3A_99, %broadcast_in_dim3A_107, %broadcast_in_dim3A_115 in 0 : vector<1x512xf32>, vector<1x512xf32>, vector<1x512xf32>, vector<1x512xf32>, vector<1x512xf32>, vector<1x512xf32>, vector<1x512xf32>, vector<1x512xf32> -> vector<8x512xf32>
      %bitcast_convert_type3A_117 = tpu.bitcast %concatenate3A_116 : vector<8x512xf32> -> vector<8x512xi32>
      %and3A_118 = arith.constant 8191 : i32
      %and3A_119 = vector.broadcast %and3A_118 : i32 to vector<8x512xi32>
      %and3A_120 = arith.andi %bitcast_convert_type3A_117, %and3A_119 : vector<8x512xi32>
      %sub3A_121 = arith.constant 8191 : i32
      %sub3A_122 = vector.broadcast %sub3A_121 : i32 to vector<8x512xi32>
      %sub3A_123 = arith.subi %sub3A_122, %and3A_120 : vector<8x512xi32>
      %swap3A_124 = arith.constant 0 : index
      %swap3A_125 = arith.constant 0 : index
      %swap3A_126 = arith.constant 0 : index
      %swap3A_127 = vector.load %arg4[%swap3A_124, %swap3A_125, %swap3A_126] : memref<1x8x512xi32, #tpu.memory_space<vmem>>, vector<1x8x512xi32>
      %swap3A_128 = vector.shape_cast %swap3A_127 : vector<1x8x512xi32> to vector<8x512xi32>
      %swap3A_129 = vector.shape_cast %sub3A_123 : vector<8x512xi32> to vector<1x8x512xi32>
      tpu.vector_store %arg4[%swap3A_124, %swap3A_125, %swap3A_126], %swap3A_129 {strides = array<i32>} : memref<1x8x512xi32, #tpu.memory_space<vmem>>, vector<1x8x512xi32>,
    } else {
    }
    return
  }
  func.func @transform_0(%arg0: i32, %arg1: i32) -> (i32, i32, i32) {
    %jit3A = arith.constant 2 : i32
    %div3A = arith.divsi %arg0, %jit3A : i32
    %sign3A = arith.constant 0 : i32
    %sign3A_0 = arith.cmpi sgt, %arg0, %sign3A : i32
    %sign3A_1 = arith.extui %sign3A_0 : i1 to i32
    %sign3A_2 = arith.constant 0 : i32
    %sign3A_3 = arith.cmpi slt, %arg0, %sign3A_2 : i32
    %sign3A_4 = arith.extui %sign3A_3 : i1 to i32
    %sign3A_5 = arith.subi %sign3A_1, %sign3A_4 : i32
    %sign3A_6 = arith.constant 0 : i32
    %sign3A_7 = arith.cmpi sgt, %jit3A, %sign3A_6 : i32
    %sign3A_8 = arith.extui %sign3A_7 : i1 to i32
    %sign3A_9 = arith.constant 0 : i32
    %sign3A_10 = arith.cmpi slt, %jit3A, %sign3A_9 : i32
    %sign3A_11 = arith.extui %sign3A_10 : i1 to i32
    %sign3A_12 = arith.subi %sign3A_8, %sign3A_11 : i32
    %ne3A = arith.cmpi ne, %sign3A_5, %sign3A_12 : i32
    %rem3A = arith.remsi %arg0, %jit3A : i32
    %ne3A_13 = arith.constant 0 : i32
    %ne3A_14 = arith.cmpi ne, %rem3A, %ne3A_13 : i32
    %and3A = arith.andi %ne3A, %ne3A_14 : i1
    %sub3A = arith.constant 1 : i32
    %sub3A_15 = arith.subi %div3A, %sub3A : i32
    %select_n3A = arith.select %and3A, %sub3A_15, %div3A : i32
    %jit3A_16 = arith.constant 2 : i32
    %eq3A = arith.constant 0 : i32
    %eq3A_17 = arith.cmpi eq, %jit3A_16, %eq3A : i32
    %jit3A_18 = arith.constant 1 : i32
    %select_n3A_19 = arith.select %eq3A_17, %jit3A_18, %jit3A_16 : i32
    %rem3A_20 = arith.remsi %arg0, %select_n3A_19 : i32
    %ne3A_21 = arith.constant 0 : i32
    %ne3A_22 = arith.cmpi ne, %rem3A_20, %ne3A_21 : i32
    %lt3A = arith.constant 0 : i32
    %lt3A_23 = arith.cmpi slt, %rem3A_20, %lt3A : i32
    %lt3A_24 = arith.constant 0 : i32
    %lt3A_25 = arith.cmpi slt, %select_n3A_19, %lt3A_24 : i32
    %ne3A_26 = arith.xori %lt3A_23, %lt3A_25 : i1
    %and3A_27 = arith.andi %ne3A_26, %ne3A_22 : i1
    %add3A = arith.addi %rem3A_20, %select_n3A_19 : i32
    %select_n3A_28 = arith.select %and3A_27, %add3A, %rem3A_20 : i32
    %c0_i32 = arith.constant 0 : i32
    %c0_i32_29 = arith.constant 0 : i32
    return %select_n3A, %c0_i32, %select_n3A_28 : i32, i32, i32
  }
  func.func @transform_1(%arg0: i32, %arg1: i32) -> (i32, i32) {
    %c0_i32 = arith.constant 0 : i32
    %c0_i32_0 = arith.constant 0 : i32
    return %arg1, %c0_i32 : i32, i32
  }
  func.func @transform_2(%arg0: i32, %arg1: i32) -> (i32, i32, i32) {
    %c0_i32 = arith.constant 0 : i32
    %c0_i32_0 = arith.constant 0 : i32
    %c0_i32_1 = arith.constant 0 : i32
    return %arg0, %c0_i32, %c0_i32_0 : i32, i32, i32
  }
}

module attributes {stable_mosaic.version = 14 : i64} {
  func.func @_rescore_body(%arg0: i32, %arg1: memref<1x256x512xf32, #tpu.memory_space<vmem>>, %arg2: memref<8x256x512xf32, #tpu.memory_space<vmem>>, %arg3: memref<1x8x512xi32, #tpu.memory_space<vmem>>, %arg4: memref<1x256x512xf32, #tpu.memory_space<vmem>>) attributes {dimension_semantics = [#tpu.dimension_semantics<arbitrary>], iteration_bounds = array<i64: 8>, scalar_prefetch = 0 : i64, scratch_operands = 0 : i64, tpu.core_type = #tpu.core_type<tc>, window_params = [{transform_indices = @transform_0, window_bounds = array<i64: 1, 256, 512>}, {transform_indices = @transform_1, window_bounds = array<i64: 8, 256, 512>}, {transform_indices = @transform_2, window_bounds = array<i64: 1, 8, 512>}, {transform_indices = @transform_3, window_bounds = array<i64: 1, 256, 512>}]} {
    %get3A = arith.constant 0 : index
    %get3A_0 = arith.constant 0 : index
    %get3A_1 = arith.constant 0 : index
    %get3A_2 = vector.load %arg1[%get3A, %get3A_0, %get3A_1] : memref<1x256x512xf32, #tpu.memory_space<vmem>>, vector<1x256x512xf32>
    %get3A_3 = vector.shape_cast %get3A_2 : vector<1x256x512xf32> to vector<256x512xf32>
    %get3A_4 = arith.constant 0 : index
    %get3A_5 = arith.constant 0 : index
    %get3A_6 = arith.constant 0 : index
    %get3A_7 = vector.load %arg2[%get3A_4, %get3A_5, %get3A_6] : memref<8x256x512xf32, #tpu.memory_space<vmem>>, vector<1x256x512xf32>
    %get3A_8 = vector.shape_cast %get3A_7 : vector<1x256x512xf32> to vector<256x512xf32>
    %sub3A = arith.subf %get3A_8, %get3A_3 : vector<256x512xf32>
    %mul3A = arith.mulf %sub3A, %sub3A : vector<256x512xf32>
    %slice3A = vector.extract_strided_slice %mul3A {offsets = [0, 0], sizes = [128, 512], strides = [1, 1]} : vector<256x512xf32> to vector<128x512xf32>
    %slice3A_9 = vector.extract_strided_slice %mul3A {offsets = [128, 0], sizes = [128, 512], strides = [1, 1]} : vector<256x512xf32> to vector<128x512xf32>
    %add3A = arith.addf %slice3A, %slice3A_9 : vector<128x512xf32>
    %slice3A_10 = vector.extract_strided_slice %add3A {offsets = [0, 0], sizes = [8, 512], strides = [1, 1]} : vector<128x512xf32> to vector<8x512xf32>
    %slice3A_11 = vector.extract_strided_slice %add3A {offsets = [8, 0], sizes = [8, 512], strides = [1, 1]} : vector<128x512xf32> to vector<8x512xf32>
    %add3A_12 = arith.addf %slice3A_10, %slice3A_11 : vector<8x512xf32>
    %slice3A_13 = vector.extract_strided_slice %add3A {offsets = [16, 0], sizes = [8, 512], strides = [1, 1]} : vector<128x512xf32> to vector<8x512xf32>
    %add3A_14 = arith.addf %add3A_12, %slice3A_13 : vector<8x512xf32>
    %slice3A_15 = vector.extract_strided_slice %add3A {offsets = [24, 0], sizes = [8, 512], strides = [1, 1]} : vector<128x512xf32> to vector<8x512xf32>
    %add3A_16 = arith.addf %add3A_14, %slice3A_15 : vector<8x512xf32>
    %slice3A_17 = vector.extract_strided_slice %add3A {offsets = [32, 0], sizes = [8, 512], strides = [1, 1]} : vector<128x512xf32> to vector<8x512xf32>
    %add3A_18 = arith.addf %add3A_16, %slice3A_17 : vector<8x512xf32>
    %slice3A_19 = vector.extract_strided_slice %add3A {offsets = [40, 0], sizes = [8, 512], strides = [1, 1]} : vector<128x512xf32> to vector<8x512xf32>
    %add3A_20 = arith.addf %add3A_18, %slice3A_19 : vector<8x512xf32>
    %slice3A_21 = vector.extract_strided_slice %add3A {offsets = [48, 0], sizes = [8, 512], strides = [1, 1]} : vector<128x512xf32> to vector<8x512xf32>
    %add3A_22 = arith.addf %add3A_20, %slice3A_21 : vector<8x512xf32>
    %slice3A_23 = vector.extract_strided_slice %add3A {offsets = [56, 0], sizes = [8, 512], strides = [1, 1]} : vector<128x512xf32> to vector<8x512xf32>
    %add3A_24 = arith.addf %add3A_22, %slice3A_23 : vector<8x512xf32>
    %slice3A_25 = vector.extract_strided_slice %add3A {offsets = [64, 0], sizes = [8, 512], strides = [1, 1]} : vector<128x512xf32> to vector<8x512xf32>
    %add3A_26 = arith.addf %add3A_24, %slice3A_25 : vector<8x512xf32>
    %slice3A_27 = vector.extract_strided_slice %add3A {offsets = [72, 0], sizes = [8, 512], strides = [1, 1]} : vector<128x512xf32> to vector<8x512xf32>
    %add3A_28 = arith.addf %add3A_26, %slice3A_27 : vector<8x512xf32>
    %slice3A_29 = vector.extract_strided_slice %add3A {offsets = [80, 0], sizes = [8, 512], strides = [1, 1]} : vector<128x512xf32> to vector<8x512xf32>
    %add3A_30 = arith.addf %add3A_28, %slice3A_29 : vector<8x512xf32>
    %slice3A_31 = vector.extract_strided_slice %add3A {offsets = [88, 0], sizes = [8, 512], strides = [1, 1]} : vector<128x512xf32> to vector<8x512xf32>
    %add3A_32 = arith.addf %add3A_30, %slice3A_31 : vector<8x512xf32>
    %slice3A_33 = vector.extract_strided_slice %add3A {offsets = [96, 0], sizes = [8, 512], strides = [1, 1]} : vector<128x512xf32> to vector<8x512xf32>
    %add3A_34 = arith.addf %add3A_32, %slice3A_33 : vector<8x512xf32>
    %slice3A_35 = vector.extract_strided_slice %add3A {offsets = [104, 0], sizes = [8, 512], strides = [1, 1]} : vector<128x512xf32> to vector<8x512xf32>
    %add3A_36 = arith.addf %add3A_34, %slice3A_35 : vector<8x512xf32>
    %slice3A_37 = vector.extract_strided_slice %add3A {offsets = [112, 0], sizes = [8, 512], strides = [1, 1]} : vector<128x512xf32> to vector<8x512xf32>
    %add3A_38 = arith.addf %add3A_36, %slice3A_37 : vector<8x512xf32>
    %slice3A_39 = vector.extract_strided_slice %add3A {offsets = [120, 0], sizes = [8, 512], strides = [1, 1]} : vector<128x512xf32> to vector<8x512xf32>
    %add3A_40 = arith.addf %add3A_38, %slice3A_39 : vector<8x512xf32>
    %slice3A_41 = vector.extract_strided_slice %add3A_40 {offsets = [4, 0], sizes = [4, 512], strides = [1, 1]} : vector<8x512xf32> to vector<4x512xf32>
    %slice3A_42 = vector.extract_strided_slice %add3A_40 {offsets = [0, 0], sizes = [4, 512], strides = [1, 1]} : vector<8x512xf32> to vector<4x512xf32>
    %concatenate3A = tpu.concatenate %slice3A_41, %slice3A_42 in 0 : vector<4x512xf32>, vector<4x512xf32> -> vector<8x512xf32>
    %add3A_43 = arith.addf %add3A_40, %concatenate3A : vector<8x512xf32>
    %slice3A_44 = vector.extract_strided_slice %add3A_43 {offsets = [2, 0], sizes = [6, 512], strides = [1, 1]} : vector<8x512xf32> to vector<6x512xf32>
    %slice3A_45 = vector.extract_strided_slice %add3A_43 {offsets = [0, 0], sizes = [2, 512], strides = [1, 1]} : vector<8x512xf32> to vector<2x512xf32>
    %concatenate3A_46 = tpu.concatenate %slice3A_44, %slice3A_45 in 0 : vector<6x512xf32>, vector<2x512xf32> -> vector<8x512xf32>
    %add3A_47 = arith.addf %add3A_43, %concatenate3A_46 : vector<8x512xf32>
    %slice3A_48 = vector.extract_strided_slice %add3A_47 {offsets = [1, 0], sizes = [7, 512], strides = [1, 1]} : vector<8x512xf32> to vector<7x512xf32>
    %slice3A_49 = vector.extract_strided_slice %add3A_47 {offsets = [0, 0], sizes = [1, 512], strides = [1, 1]} : vector<8x512xf32> to vector<1x512xf32>
    %concatenate3A_50 = tpu.concatenate %slice3A_48, %slice3A_49 in 0 : vector<7x512xf32>, vector<1x512xf32> -> vector<8x512xf32>
    %add3A_51 = arith.addf %add3A_47, %concatenate3A_50 : vector<8x512xf32>
    %slice3A_52 = vector.extract_strided_slice %add3A_51 {offsets = [0, 0], sizes = [1, 512], strides = [1, 1]} : vector<8x512xf32> to vector<1x512xf32>
    %get3A_53 = arith.constant 0 : index
    %get3A_54 = arith.constant 0 : index
    %get3A_55 = arith.constant 0 : index
    %get3A_56 = vector.load %arg3[%get3A_53, %get3A_54, %get3A_55] : memref<1x8x512xi32, #tpu.memory_space<vmem>>, vector<1x1x512xi32>
    %get3A_57 = vector.shape_cast %get3A_56 : vector<1x1x512xi32> to vector<1x512xi32>
    %broadcast_in_dim3A = arith.constant 0 : i32
    %broadcast_in_dim3A_58 = vector.broadcast %broadcast_in_dim3A : i32 to vector<1x512xi32>
    %get3A_59 = arith.constant 1 : index
    %get3A_60 = arith.constant 0 : index
    %get3A_61 = arith.constant 0 : index
    %get3A_62 = vector.load %arg2[%get3A_59, %get3A_60, %get3A_61] : memref<8x256x512xf32, #tpu.memory_space<vmem>>, vector<1x256x512xf32>
    %get3A_63 = vector.shape_cast %get3A_62 : vector<1x256x512xf32> to vector<256x512xf32>
    %sub3A_64 = arith.subf %get3A_63, %get3A_3 : vector<256x512xf32>
    %mul3A_65 = arith.mulf %sub3A_64, %sub3A_64 : vector<256x512xf32>
    %slice3A_66 = vector.extract_strided_slice %mul3A_65 {offsets = [0, 0], sizes = [128, 512], strides = [1, 1]} : vector<256x512xf32> to vector<128x512xf32>
    %slice3A_67 = vector.extract_strided_slice %mul3A_65 {offsets = [128, 0], sizes = [128, 512], strides = [1, 1]} : vector<256x512xf32> to vector<128x512xf32>
    %add3A_68 = arith.addf %slice3A_66, %slice3A_67 : vector<128x512xf32>
    %slice3A_69 = vector.extract_strided_slice %add3A_68 {offsets = [0, 0], sizes = [8, 512], strides = [1, 1]} : vector<128x512xf32> to vector<8x512xf32>
    %slice3A_70 = vector.extract_strided_slice %add3A_68 {offsets = [8, 0], sizes = [8, 512], strides = [1, 1]} : vector<128x512xf32> to vector<8x512xf32>
    %add3A_71 = arith.addf %slice3A_69, %slice3A_70 : vector<8x512xf32>
    %slice3A_72 = vector.extract_strided_slice %add3A_68 {offsets = [16, 0], sizes = [8, 512], strides = [1, 1]} : vector<128x512xf32> to vector<8x512xf32>
    %add3A_73 = arith.addf %add3A_71, %slice3A_72 : vector<8x512xf32>
    %slice3A_74 = vector.extract_strided_slice %add3A_68 {offsets = [24, 0], sizes = [8, 512], strides = [1, 1]} : vector<128x512xf32> to vector<8x512xf32>
    %add3A_75 = arith.addf %add3A_73, %slice3A_74 : vector<8x512xf32>
    %slice3A_76 = vector.extract_strided_slice %add3A_68 {offsets = [32, 0], sizes = [8, 512], strides = [1, 1]} : vector<128x512xf32> to vector<8x512xf32>
    %add3A_77 = arith.addf %add3A_75, %slice3A_76 : vector<8x512xf32>
    %slice3A_78 = vector.extract_strided_slice %add3A_68 {offsets = [40, 0], sizes = [8, 512], strides = [1, 1]} : vector<128x512xf32> to vector<8x512xf32>
    %add3A_79 = arith.addf %add3A_77, %slice3A_78 : vector<8x512xf32>
    %slice3A_80 = vector.extract_strided_slice %add3A_68 {offsets = [48, 0], sizes = [8, 512], strides = [1, 1]} : vector<128x512xf32> to vector<8x512xf32>
    %add3A_81 = arith.addf %add3A_79, %slice3A_80 : vector<8x512xf32>
    %slice3A_82 = vector.extract_strided_slice %add3A_68 {offsets = [56, 0], sizes = [8, 512], strides = [1, 1]} : vector<128x512xf32> to vector<8x512xf32>
    %add3A_83 = arith.addf %add3A_81, %slice3A_82 : vector<8x512xf32>
    %slice3A_84 = vector.extract_strided_slice %add3A_68 {offsets = [64, 0], sizes = [8, 512], strides = [1, 1]} : vector<128x512xf32> to vector<8x512xf32>
    %add3A_85 = arith.addf %add3A_83, %slice3A_84 : vector<8x512xf32>
    %slice3A_86 = vector.extract_strided_slice %add3A_68 {offsets = [72, 0], sizes = [8, 512], strides = [1, 1]} : vector<128x512xf32> to vector<8x512xf32>
    %add3A_87 = arith.addf %add3A_85, %slice3A_86 : vector<8x512xf32>
    %slice3A_88 = vector.extract_strided_slice %add3A_68 {offsets = [80, 0], sizes = [8, 512], strides = [1, 1]} : vector<128x512xf32> to vector<8x512xf32>
    %add3A_89 = arith.addf %add3A_87, %slice3A_88 : vector<8x512xf32>
    %slice3A_90 = vector.extract_strided_slice %add3A_68 {offsets = [88, 0], sizes = [8, 512], strides = [1, 1]} : vector<128x512xf32> to vector<8x512xf32>
    %add3A_91 = arith.addf %add3A_89, %slice3A_90 : vector<8x512xf32>
    %slice3A_92 = vector.extract_strided_slice %add3A_68 {offsets = [96, 0], sizes = [8, 512], strides = [1, 1]} : vector<128x512xf32> to vector<8x512xf32>
    %add3A_93 = arith.addf %add3A_91, %slice3A_92 : vector<8x512xf32>
    %slice3A_94 = vector.extract_strided_slice %add3A_68 {offsets = [104, 0], sizes = [8, 512], strides = [1, 1]} : vector<128x512xf32> to vector<8x512xf32>
    %add3A_95 = arith.addf %add3A_93, %slice3A_94 : vector<8x512xf32>
    %slice3A_96 = vector.extract_strided_slice %add3A_68 {offsets = [112, 0], sizes = [8, 512], strides = [1, 1]} : vector<128x512xf32> to vector<8x512xf32>
    %add3A_97 = arith.addf %add3A_95, %slice3A_96 : vector<8x512xf32>
    %slice3A_98 = vector.extract_strided_slice %add3A_68 {offsets = [120, 0], sizes = [8, 512], strides = [1, 1]} : vector<128x512xf32> to vector<8x512xf32>
    %add3A_99 = arith.addf %add3A_97, %slice3A_98 : vector<8x512xf32>
    %slice3A_100 = vector.extract_strided_slice %add3A_99 {offsets = [4, 0], sizes = [4, 512], strides = [1, 1]} : vector<8x512xf32> to vector<4x512xf32>
    %slice3A_101 = vector.extract_strided_slice %add3A_99 {offsets = [0, 0], sizes = [4, 512], strides = [1, 1]} : vector<8x512xf32> to vector<4x512xf32>
    %concatenate3A_102 = tpu.concatenate %slice3A_100, %slice3A_101 in 0 : vector<4x512xf32>, vector<4x512xf32> -> vector<8x512xf32>
    %add3A_103 = arith.addf %add3A_99, %concatenate3A_102 : vector<8x512xf32>
    %slice3A_104 = vector.extract_strided_slice %add3A_103 {offsets = [2, 0], sizes = [6, 512], strides = [1, 1]} : vector<8x512xf32> to vector<6x512xf32>
    %slice3A_105 = vector.extract_strided_slice %add3A_103 {offsets = [0, 0], sizes = [2, 512], strides = [1, 1]} : vector<8x512xf32> to vector<2x512xf32>
    %concatenate3A_106 = tpu.concatenate %slice3A_104, %slice3A_105 in 0 : vector<6x512xf32>, vector<2x512xf32> -> vector<8x512xf32>
    %add3A_107 = arith.addf %add3A_103, %concatenate3A_106 : vector<8x512xf32>
    %slice3A_108 = vector.extract_strided_slice %add3A_107 {offsets = [1, 0], sizes = [7, 512], strides = [1, 1]} : vector<8x512xf32> to vector<7x512xf32>
    %slice3A_109 = vector.extract_strided_slice %add3A_107 {offsets = [0, 0], sizes = [1, 512], strides = [1, 1]} : vector<8x512xf32> to vector<1x512xf32>
    %concatenate3A_110 = tpu.concatenate %slice3A_108, %slice3A_109 in 0 : vector<7x512xf32>, vector<1x512xf32> -> vector<8x512xf32>
    %add3A_111 = arith.addf %add3A_107, %concatenate3A_110 : vector<8x512xf32>
    %slice3A_112 = vector.extract_strided_slice %add3A_111 {offsets = [0, 0], sizes = [1, 512], strides = [1, 1]} : vector<8x512xf32> to vector<1x512xf32>
    %get3A_113 = arith.constant 0 : index
    %get3A_114 = arith.constant 1 : index
    %get3A_115 = arith.constant 0 : index
    %get3A_116 = vector.load %arg3[%get3A_113, %get3A_114, %get3A_115] : memref<1x8x512xi32, #tpu.memory_space<vmem>>, vector<1x1x512xi32>
    %get3A_117 = vector.shape_cast %get3A_116 : vector<1x1x512xi32> to vector<1x512xi32>
    %lt3A = arith.cmpf olt, %slice3A_112, %slice3A_52 : vector<1x512xf32>
    %eq3A = arith.cmpf oeq, %slice3A_112, %slice3A_52 : vector<1x512xf32>
    %lt3A_118 = arith.cmpi slt, %get3A_117, %get3A_57 : vector<1x512xi32>
    %and3A = arith.andi %eq3A, %lt3A_118 : vector<1x512xi1>
    %or3A = arith.ori %lt3A, %and3A : vector<1x512xi1>
    %select_n3A = arith.select %or3A, %slice3A_112, %slice3A_52 : vector<1x512xi1>, vector<1x512xf32>
    %select_n3A_119 = arith.select %or3A, %get3A_117, %get3A_57 : vector<1x512xi1>, vector<1x512xi32>
    %jit3A = arith.constant 1 : i32
    %broadcast_in_dim3A_120 = vector.broadcast %jit3A : i32 to vector<1x512xi32>
    %select_n3A_121 = arith.select %or3A, %broadcast_in_dim3A_120, %broadcast_in_dim3A_58 : vector<1x512xi1>, vector<1x512xi32>
    %get3A_122 = arith.constant 2 : index
    %get3A_123 = arith.constant 0 : index
    %get3A_124 = arith.constant 0 : index
    %get3A_125 = vector.load %arg2[%get3A_122, %get3A_123, %get3A_124] : memref<8x256x512xf32, #tpu.memory_space<vmem>>, vector<1x256x512xf32>
    %get3A_126 = vector.shape_cast %get3A_125 : vector<1x256x512xf32> to vector<256x512xf32>
    %sub3A_127 = arith.subf %get3A_126, %get3A_3 : vector<256x512xf32>
    %mul3A_128 = arith.mulf %sub3A_127, %sub3A_127 : vector<256x512xf32>
    %slice3A_129 = vector.extract_strided_slice %mul3A_128 {offsets = [0, 0], sizes = [128, 512], strides = [1, 1]} : vector<256x512xf32> to vector<128x512xf32>
    %slice3A_130 = vector.extract_strided_slice %mul3A_128 {offsets = [128, 0], sizes = [128, 512], strides = [1, 1]} : vector<256x512xf32> to vector<128x512xf32>
    %add3A_131 = arith.addf %slice3A_129, %slice3A_130 : vector<128x512xf32>
    %slice3A_132 = vector.extract_strided_slice %add3A_131 {offsets = [0, 0], sizes = [8, 512], strides = [1, 1]} : vector<128x512xf32> to vector<8x512xf32>
    %slice3A_133 = vector.extract_strided_slice %add3A_131 {offsets = [8, 0], sizes = [8, 512], strides = [1, 1]} : vector<128x512xf32> to vector<8x512xf32>
    %add3A_134 = arith.addf %slice3A_132, %slice3A_133 : vector<8x512xf32>
    %slice3A_135 = vector.extract_strided_slice %add3A_131 {offsets = [16, 0], sizes = [8, 512], strides = [1, 1]} : vector<128x512xf32> to vector<8x512xf32>
    %add3A_136 = arith.addf %add3A_134, %slice3A_135 : vector<8x512xf32>
    %slice3A_137 = vector.extract_strided_slice %add3A_131 {offsets = [24, 0], sizes = [8, 512], strides = [1, 1]} : vector<128x512xf32> to vector<8x512xf32>
    %add3A_138 = arith.addf %add3A_136, %slice3A_137 : vector<8x512xf32>
    %slice3A_139 = vector.extract_strided_slice %add3A_131 {offsets = [32, 0], sizes = [8, 512], strides = [1, 1]} : vector<128x512xf32> to vector<8x512xf32>
    %add3A_140 = arith.addf %add3A_138, %slice3A_139 : vector<8x512xf32>
    %slice3A_141 = vector.extract_strided_slice %add3A_131 {offsets = [40, 0], sizes = [8, 512], strides = [1, 1]} : vector<128x512xf32> to vector<8x512xf32>
    %add3A_142 = arith.addf %add3A_140, %slice3A_141 : vector<8x512xf32>
    %slice3A_143 = vector.extract_strided_slice %add3A_131 {offsets = [48, 0], sizes = [8, 512], strides = [1, 1]} : vector<128x512xf32> to vector<8x512xf32>
    %add3A_144 = arith.addf %add3A_142, %slice3A_143 : vector<8x512xf32>
    %slice3A_145 = vector.extract_strided_slice %add3A_131 {offsets = [56, 0], sizes = [8, 512], strides = [1, 1]} : vector<128x512xf32> to vector<8x512xf32>
    %add3A_146 = arith.addf %add3A_144, %slice3A_145 : vector<8x512xf32>
    %slice3A_147 = vector.extract_strided_slice %add3A_131 {offsets = [64, 0], sizes = [8, 512], strides = [1, 1]} : vector<128x512xf32> to vector<8x512xf32>
    %add3A_148 = arith.addf %add3A_146, %slice3A_147 : vector<8x512xf32>
    %slice3A_149 = vector.extract_strided_slice %add3A_131 {offsets = [72, 0], sizes = [8, 512], strides = [1, 1]} : vector<128x512xf32> to vector<8x512xf32>
    %add3A_150 = arith.addf %add3A_148, %slice3A_149 : vector<8x512xf32>
    %slice3A_151 = vector.extract_strided_slice %add3A_131 {offsets = [80, 0], sizes = [8, 512], strides = [1, 1]} : vector<128x512xf32> to vector<8x512xf32>
    %add3A_152 = arith.addf %add3A_150, %slice3A_151 : vector<8x512xf32>
    %slice3A_153 = vector.extract_strided_slice %add3A_131 {offsets = [88, 0], sizes = [8, 512], strides = [1, 1]} : vector<128x512xf32> to vector<8x512xf32>
    %add3A_154 = arith.addf %add3A_152, %slice3A_153 : vector<8x512xf32>
    %slice3A_155 = vector.extract_strided_slice %add3A_131 {offsets = [96, 0], sizes = [8, 512], strides = [1, 1]} : vector<128x512xf32> to vector<8x512xf32>
    %add3A_156 = arith.addf %add3A_154, %slice3A_155 : vector<8x512xf32>
    %slice3A_157 = vector.extract_strided_slice %add3A_131 {offsets = [104, 0], sizes = [8, 512], strides = [1, 1]} : vector<128x512xf32> to vector<8x512xf32>
    %add3A_158 = arith.addf %add3A_156, %slice3A_157 : vector<8x512xf32>
    %slice3A_159 = vector.extract_strided_slice %add3A_131 {offsets = [112, 0], sizes = [8, 512], strides = [1, 1]} : vector<128x512xf32> to vector<8x512xf32>
    %add3A_160 = arith.addf %add3A_158, %slice3A_159 : vector<8x512xf32>
    %slice3A_161 = vector.extract_strided_slice %add3A_131 {offsets = [120, 0], sizes = [8, 512], strides = [1, 1]} : vector<128x512xf32> to vector<8x512xf32>
    %add3A_162 = arith.addf %add3A_160, %slice3A_161 : vector<8x512xf32>
    %slice3A_163 = vector.extract_strided_slice %add3A_162 {offsets = [4, 0], sizes = [4, 512], strides = [1, 1]} : vector<8x512xf32> to vector<4x512xf32>
    %slice3A_164 = vector.extract_strided_slice %add3A_162 {offsets = [0, 0], sizes = [4, 512], strides = [1, 1]} : vector<8x512xf32> to vector<4x512xf32>
    %concatenate3A_165 = tpu.concatenate %slice3A_163, %slice3A_164 in 0 : vector<4x512xf32>, vector<4x512xf32> -> vector<8x512xf32>
    %add3A_166 = arith.addf %add3A_162, %concatenate3A_165 : vector<8x512xf32>
    %slice3A_167 = vector.extract_strided_slice %add3A_166 {offsets = [2, 0], sizes = [6, 512], strides = [1, 1]} : vector<8x512xf32> to vector<6x512xf32>
    %slice3A_168 = vector.extract_strided_slice %add3A_166 {offsets = [0, 0], sizes = [2, 512], strides = [1, 1]} : vector<8x512xf32> to vector<2x512xf32>
    %concatenate3A_169 = tpu.concatenate %slice3A_167, %slice3A_168 in 0 : vector<6x512xf32>, vector<2x512xf32> -> vector<8x512xf32>
    %add3A_170 = arith.addf %add3A_166, %concatenate3A_169 : vector<8x512xf32>
    %slice3A_171 = vector.extract_strided_slice %add3A_170 {offsets = [1, 0], sizes = [7, 512], strides = [1, 1]} : vector<8x512xf32> to vector<7x512xf32>
    %slice3A_172 = vector.extract_strided_slice %add3A_170 {offsets = [0, 0], sizes = [1, 512], strides = [1, 1]} : vector<8x512xf32> to vector<1x512xf32>
    %concatenate3A_173 = tpu.concatenate %slice3A_171, %slice3A_172 in 0 : vector<7x512xf32>, vector<1x512xf32> -> vector<8x512xf32>
    %add3A_174 = arith.addf %add3A_170, %concatenate3A_173 : vector<8x512xf32>
    %slice3A_175 = vector.extract_strided_slice %add3A_174 {offsets = [0, 0], sizes = [1, 512], strides = [1, 1]} : vector<8x512xf32> to vector<1x512xf32>
    %get3A_176 = arith.constant 0 : index
    %get3A_177 = arith.constant 2 : index
    %get3A_178 = arith.constant 0 : index
    %get3A_179 = vector.load %arg3[%get3A_176, %get3A_177, %get3A_178] : memref<1x8x512xi32, #tpu.memory_space<vmem>>, vector<1x1x512xi32>
    %get3A_180 = vector.shape_cast %get3A_179 : vector<1x1x512xi32> to vector<1x512xi32>
    %lt3A_181 = arith.cmpf olt, %slice3A_175, %select_n3A : vector<1x512xf32>
    %eq3A_182 = arith.cmpf oeq, %slice3A_175, %select_n3A : vector<1x512xf32>
    %lt3A_183 = arith.cmpi slt, %get3A_180, %select_n3A_119 : vector<1x512xi32>
    %and3A_184 = arith.andi %eq3A_182, %lt3A_183 : vector<1x512xi1>
    %or3A_185 = arith.ori %lt3A_181, %and3A_184 : vector<1x512xi1>
    %select_n3A_186 = arith.select %or3A_185, %slice3A_175, %select_n3A : vector<1x512xi1>, vector<1x512xf32>
    %select_n3A_187 = arith.select %or3A_185, %get3A_180, %select_n3A_119 : vector<1x512xi1>, vector<1x512xi32>
    %jit3A_188 = arith.constant 2 : i32
    %broadcast_in_dim3A_189 = vector.broadcast %jit3A_188 : i32 to vector<1x512xi32>
    %select_n3A_190 = arith.select %or3A_185, %broadcast_in_dim3A_189, %select_n3A_121 : vector<1x512xi1>, vector<1x512xi32>
    %get3A_191 = arith.constant 3 : index
    %get3A_192 = arith.constant 0 : index
    %get3A_193 = arith.constant 0 : index
    %get3A_194 = vector.load %arg2[%get3A_191, %get3A_192, %get3A_193] : memref<8x256x512xf32, #tpu.memory_space<vmem>>, vector<1x256x512xf32>
    %get3A_195 = vector.shape_cast %get3A_194 : vector<1x256x512xf32> to vector<256x512xf32>
    %sub3A_196 = arith.subf %get3A_195, %get3A_3 : vector<256x512xf32>
    %mul3A_197 = arith.mulf %sub3A_196, %sub3A_196 : vector<256x512xf32>
    %slice3A_198 = vector.extract_strided_slice %mul3A_197 {offsets = [0, 0], sizes = [128, 512], strides = [1, 1]} : vector<256x512xf32> to vector<128x512xf32>
    %slice3A_199 = vector.extract_strided_slice %mul3A_197 {offsets = [128, 0], sizes = [128, 512], strides = [1, 1]} : vector<256x512xf32> to vector<128x512xf32>
    %add3A_200 = arith.addf %slice3A_198, %slice3A_199 : vector<128x512xf32>
    %slice3A_201 = vector.extract_strided_slice %add3A_200 {offsets = [0, 0], sizes = [8, 512], strides = [1, 1]} : vector<128x512xf32> to vector<8x512xf32>
    %slice3A_202 = vector.extract_strided_slice %add3A_200 {offsets = [8, 0], sizes = [8, 512], strides = [1, 1]} : vector<128x512xf32> to vector<8x512xf32>
    %add3A_203 = arith.addf %slice3A_201, %slice3A_202 : vector<8x512xf32>
    %slice3A_204 = vector.extract_strided_slice %add3A_200 {offsets = [16, 0], sizes = [8, 512], strides = [1, 1]} : vector<128x512xf32> to vector<8x512xf32>
    %add3A_205 = arith.addf %add3A_203, %slice3A_204 : vector<8x512xf32>
    %slice3A_206 = vector.extract_strided_slice %add3A_200 {offsets = [24, 0], sizes = [8, 512], strides = [1, 1]} : vector<128x512xf32> to vector<8x512xf32>
    %add3A_207 = arith.addf %add3A_205, %slice3A_206 : vector<8x512xf32>
    %slice3A_208 = vector.extract_strided_slice %add3A_200 {offsets = [32, 0], sizes = [8, 512], strides = [1, 1]} : vector<128x512xf32> to vector<8x512xf32>
    %add3A_209 = arith.addf %add3A_207, %slice3A_208 : vector<8x512xf32>
    %slice3A_210 = vector.extract_strided_slice %add3A_200 {offsets = [40, 0], sizes = [8, 512], strides = [1, 1]} : vector<128x512xf32> to vector<8x512xf32>
    %add3A_211 = arith.addf %add3A_209, %slice3A_210 : vector<8x512xf32>
    %slice3A_212 = vector.extract_strided_slice %add3A_200 {offsets = [48, 0], sizes = [8, 512], strides = [1, 1]} : vector<128x512xf32> to vector<8x512xf32>
    %add3A_213 = arith.addf %add3A_211, %slice3A_212 : vector<8x512xf32>
    %slice3A_214 = vector.extract_strided_slice %add3A_200 {offsets = [56, 0], sizes = [8, 512], strides = [1, 1]} : vector<128x512xf32> to vector<8x512xf32>
    %add3A_215 = arith.addf %add3A_213, %slice3A_214 : vector<8x512xf32>
    %slice3A_216 = vector.extract_strided_slice %add3A_200 {offsets = [64, 0], sizes = [8, 512], strides = [1, 1]} : vector<128x512xf32> to vector<8x512xf32>
    %add3A_217 = arith.addf %add3A_215, %slice3A_216 : vector<8x512xf32>
    %slice3A_218 = vector.extract_strided_slice %add3A_200 {offsets = [72, 0], sizes = [8, 512], strides = [1, 1]} : vector<128x512xf32> to vector<8x512xf32>
    %add3A_219 = arith.addf %add3A_217, %slice3A_218 : vector<8x512xf32>
    %slice3A_220 = vector.extract_strided_slice %add3A_200 {offsets = [80, 0], sizes = [8, 512], strides = [1, 1]} : vector<128x512xf32> to vector<8x512xf32>
    %add3A_221 = arith.addf %add3A_219, %slice3A_220 : vector<8x512xf32>
    %slice3A_222 = vector.extract_strided_slice %add3A_200 {offsets = [88, 0], sizes = [8, 512], strides = [1, 1]} : vector<128x512xf32> to vector<8x512xf32>
    %add3A_223 = arith.addf %add3A_221, %slice3A_222 : vector<8x512xf32>
    %slice3A_224 = vector.extract_strided_slice %add3A_200 {offsets = [96, 0], sizes = [8, 512], strides = [1, 1]} : vector<128x512xf32> to vector<8x512xf32>
    %add3A_225 = arith.addf %add3A_223, %slice3A_224 : vector<8x512xf32>
    %slice3A_226 = vector.extract_strided_slice %add3A_200 {offsets = [104, 0], sizes = [8, 512], strides = [1, 1]} : vector<128x512xf32> to vector<8x512xf32>
    %add3A_227 = arith.addf %add3A_225, %slice3A_226 : vector<8x512xf32>
    %slice3A_228 = vector.extract_strided_slice %add3A_200 {offsets = [112, 0], sizes = [8, 512], strides = [1, 1]} : vector<128x512xf32> to vector<8x512xf32>
    %add3A_229 = arith.addf %add3A_227, %slice3A_228 : vector<8x512xf32>
    %slice3A_230 = vector.extract_strided_slice %add3A_200 {offsets = [120, 0], sizes = [8, 512], strides = [1, 1]} : vector<128x512xf32> to vector<8x512xf32>
    %add3A_231 = arith.addf %add3A_229, %slice3A_230 : vector<8x512xf32>
    %slice3A_232 = vector.extract_strided_slice %add3A_231 {offsets = [4, 0], sizes = [4, 512], strides = [1, 1]} : vector<8x512xf32> to vector<4x512xf32>
    %slice3A_233 = vector.extract_strided_slice %add3A_231 {offsets = [0, 0], sizes = [4, 512], strides = [1, 1]} : vector<8x512xf32> to vector<4x512xf32>
    %concatenate3A_234 = tpu.concatenate %slice3A_232, %slice3A_233 in 0 : vector<4x512xf32>, vector<4x512xf32> -> vector<8x512xf32>
    %add3A_235 = arith.addf %add3A_231, %concatenate3A_234 : vector<8x512xf32>
    %slice3A_236 = vector.extract_strided_slice %add3A_235 {offsets = [2, 0], sizes = [6, 512], strides = [1, 1]} : vector<8x512xf32> to vector<6x512xf32>
    %slice3A_237 = vector.extract_strided_slice %add3A_235 {offsets = [0, 0], sizes = [2, 512], strides = [1, 1]} : vector<8x512xf32> to vector<2x512xf32>
    %concatenate3A_238 = tpu.concatenate %slice3A_236, %slice3A_237 in 0 : vector<6x512xf32>, vector<2x512xf32> -> vector<8x512xf32>
    %add3A_239 = arith.addf %add3A_235, %concatenate3A_238 : vector<8x512xf32>
    %slice3A_240 = vector.extract_strided_slice %add3A_239 {offsets = [1, 0], sizes = [7, 512], strides = [1, 1]} : vector<8x512xf32> to vector<7x512xf32>
    %slice3A_241 = vector.extract_strided_slice %add3A_239 {offsets = [0, 0], sizes = [1, 512], strides = [1, 1]} : vector<8x512xf32> to vector<1x512xf32>
    %concatenate3A_242 = tpu.concatenate %slice3A_240, %slice3A_241 in 0 : vector<7x512xf32>, vector<1x512xf32> -> vector<8x512xf32>
    %add3A_243 = arith.addf %add3A_239, %concatenate3A_242 : vector<8x512xf32>
    %slice3A_244 = vector.extract_strided_slice %add3A_243 {offsets = [0, 0], sizes = [1, 512], strides = [1, 1]} : vector<8x512xf32> to vector<1x512xf32>
    %get3A_245 = arith.constant 0 : index
    %get3A_246 = arith.constant 3 : index
    %get3A_247 = arith.constant 0 : index
    %get3A_248 = vector.load %arg3[%get3A_245, %get3A_246, %get3A_247] : memref<1x8x512xi32, #tpu.memory_space<vmem>>, vector<1x1x512xi32>
    %get3A_249 = vector.shape_cast %get3A_248 : vector<1x1x512xi32> to vector<1x512xi32>
    %lt3A_250 = arith.cmpf olt, %slice3A_244, %select_n3A_186 : vector<1x512xf32>
    %eq3A_251 = arith.cmpf oeq, %slice3A_244, %select_n3A_186 : vector<1x512xf32>
    %lt3A_252 = arith.cmpi slt, %get3A_249, %select_n3A_187 : vector<1x512xi32>
    %and3A_253 = arith.andi %eq3A_251, %lt3A_252 : vector<1x512xi1>
    %or3A_254 = arith.ori %lt3A_250, %and3A_253 : vector<1x512xi1>
    %select_n3A_255 = arith.select %or3A_254, %slice3A_244, %select_n3A_186 : vector<1x512xi1>, vector<1x512xf32>
    %select_n3A_256 = arith.select %or3A_254, %get3A_249, %select_n3A_187 : vector<1x512xi1>, vector<1x512xi32>
    %jit3A_257 = arith.constant 3 : i32
    %broadcast_in_dim3A_258 = vector.broadcast %jit3A_257 : i32 to vector<1x512xi32>
    %select_n3A_259 = arith.select %or3A_254, %broadcast_in_dim3A_258, %select_n3A_190 : vector<1x512xi1>, vector<1x512xi32>
    %get3A_260 = arith.constant 4 : index
    %get3A_261 = arith.constant 0 : index
    %get3A_262 = arith.constant 0 : index
    %get3A_263 = vector.load %arg2[%get3A_260, %get3A_261, %get3A_262] : memref<8x256x512xf32, #tpu.memory_space<vmem>>, vector<1x256x512xf32>
    %get3A_264 = vector.shape_cast %get3A_263 : vector<1x256x512xf32> to vector<256x512xf32>
    %sub3A_265 = arith.subf %get3A_264, %get3A_3 : vector<256x512xf32>
    %mul3A_266 = arith.mulf %sub3A_265, %sub3A_265 : vector<256x512xf32>
    %slice3A_267 = vector.extract_strided_slice %mul3A_266 {offsets = [0, 0], sizes = [128, 512], strides = [1, 1]} : vector<256x512xf32> to vector<128x512xf32>
    %slice3A_268 = vector.extract_strided_slice %mul3A_266 {offsets = [128, 0], sizes = [128, 512], strides = [1, 1]} : vector<256x512xf32> to vector<128x512xf32>
    %add3A_269 = arith.addf %slice3A_267, %slice3A_268 : vector<128x512xf32>
    %slice3A_270 = vector.extract_strided_slice %add3A_269 {offsets = [0, 0], sizes = [8, 512], strides = [1, 1]} : vector<128x512xf32> to vector<8x512xf32>
    %slice3A_271 = vector.extract_strided_slice %add3A_269 {offsets = [8, 0], sizes = [8, 512], strides = [1, 1]} : vector<128x512xf32> to vector<8x512xf32>
    %add3A_272 = arith.addf %slice3A_270, %slice3A_271 : vector<8x512xf32>
    %slice3A_273 = vector.extract_strided_slice %add3A_269 {offsets = [16, 0], sizes = [8, 512], strides = [1, 1]} : vector<128x512xf32> to vector<8x512xf32>
    %add3A_274 = arith.addf %add3A_272, %slice3A_273 : vector<8x512xf32>
    %slice3A_275 = vector.extract_strided_slice %add3A_269 {offsets = [24, 0], sizes = [8, 512], strides = [1, 1]} : vector<128x512xf32> to vector<8x512xf32>
    %add3A_276 = arith.addf %add3A_274, %slice3A_275 : vector<8x512xf32>
    %slice3A_277 = vector.extract_strided_slice %add3A_269 {offsets = [32, 0], sizes = [8, 512], strides = [1, 1]} : vector<128x512xf32> to vector<8x512xf32>
    %add3A_278 = arith.addf %add3A_276, %slice3A_277 : vector<8x512xf32>
    %slice3A_279 = vector.extract_strided_slice %add3A_269 {offsets = [40, 0], sizes = [8, 512], strides = [1, 1]} : vector<128x512xf32> to vector<8x512xf32>
    %add3A_280 = arith.addf %add3A_278, %slice3A_279 : vector<8x512xf32>
    %slice3A_281 = vector.extract_strided_slice %add3A_269 {offsets = [48, 0], sizes = [8, 512], strides = [1, 1]} : vector<128x512xf32> to vector<8x512xf32>
    %add3A_282 = arith.addf %add3A_280, %slice3A_281 : vector<8x512xf32>
    %slice3A_283 = vector.extract_strided_slice %add3A_269 {offsets = [56, 0], sizes = [8, 512], strides = [1, 1]} : vector<128x512xf32> to vector<8x512xf32>
    %add3A_284 = arith.addf %add3A_282, %slice3A_283 : vector<8x512xf32>
    %slice3A_285 = vector.extract_strided_slice %add3A_269 {offsets = [64, 0], sizes = [8, 512], strides = [1, 1]} : vector<128x512xf32> to vector<8x512xf32>
    %add3A_286 = arith.addf %add3A_284, %slice3A_285 : vector<8x512xf32>
    %slice3A_287 = vector.extract_strided_slice %add3A_269 {offsets = [72, 0], sizes = [8, 512], strides = [1, 1]} : vector<128x512xf32> to vector<8x512xf32>
    %add3A_288 = arith.addf %add3A_286, %slice3A_287 : vector<8x512xf32>
    %slice3A_289 = vector.extract_strided_slice %add3A_269 {offsets = [80, 0], sizes = [8, 512], strides = [1, 1]} : vector<128x512xf32> to vector<8x512xf32>
    %add3A_290 = arith.addf %add3A_288, %slice3A_289 : vector<8x512xf32>
    %slice3A_291 = vector.extract_strided_slice %add3A_269 {offsets = [88, 0], sizes = [8, 512], strides = [1, 1]} : vector<128x512xf32> to vector<8x512xf32>
    %add3A_292 = arith.addf %add3A_290, %slice3A_291 : vector<8x512xf32>
    %slice3A_293 = vector.extract_strided_slice %add3A_269 {offsets = [96, 0], sizes = [8, 512], strides = [1, 1]} : vector<128x512xf32> to vector<8x512xf32>
    %add3A_294 = arith.addf %add3A_292, %slice3A_293 : vector<8x512xf32>
    %slice3A_295 = vector.extract_strided_slice %add3A_269 {offsets = [104, 0], sizes = [8, 512], strides = [1, 1]} : vector<128x512xf32> to vector<8x512xf32>
    %add3A_296 = arith.addf %add3A_294, %slice3A_295 : vector<8x512xf32>
    %slice3A_297 = vector.extract_strided_slice %add3A_269 {offsets = [112, 0], sizes = [8, 512], strides = [1, 1]} : vector<128x512xf32> to vector<8x512xf32>
    %add3A_298 = arith.addf %add3A_296, %slice3A_297 : vector<8x512xf32>
    %slice3A_299 = vector.extract_strided_slice %add3A_269 {offsets = [120, 0], sizes = [8, 512], strides = [1, 1]} : vector<128x512xf32> to vector<8x512xf32>
    %add3A_300 = arith.addf %add3A_298, %slice3A_299 : vector<8x512xf32>
    %slice3A_301 = vector.extract_strided_slice %add3A_300 {offsets = [4, 0], sizes = [4, 512], strides = [1, 1]} : vector<8x512xf32> to vector<4x512xf32>
    %slice3A_302 = vector.extract_strided_slice %add3A_300 {offsets = [0, 0], sizes = [4, 512], strides = [1, 1]} : vector<8x512xf32> to vector<4x512xf32>
    %concatenate3A_303 = tpu.concatenate %slice3A_301, %slice3A_302 in 0 : vector<4x512xf32>, vector<4x512xf32> -> vector<8x512xf32>
    %add3A_304 = arith.addf %add3A_300, %concatenate3A_303 : vector<8x512xf32>
    %slice3A_305 = vector.extract_strided_slice %add3A_304 {offsets = [2, 0], sizes = [6, 512], strides = [1, 1]} : vector<8x512xf32> to vector<6x512xf32>
    %slice3A_306 = vector.extract_strided_slice %add3A_304 {offsets = [0, 0], sizes = [2, 512], strides = [1, 1]} : vector<8x512xf32> to vector<2x512xf32>
    %concatenate3A_307 = tpu.concatenate %slice3A_305, %slice3A_306 in 0 : vector<6x512xf32>, vector<2x512xf32> -> vector<8x512xf32>
    %add3A_308 = arith.addf %add3A_304, %concatenate3A_307 : vector<8x512xf32>
    %slice3A_309 = vector.extract_strided_slice %add3A_308 {offsets = [1, 0], sizes = [7, 512], strides = [1, 1]} : vector<8x512xf32> to vector<7x512xf32>
    %slice3A_310 = vector.extract_strided_slice %add3A_308 {offsets = [0, 0], sizes = [1, 512], strides = [1, 1]} : vector<8x512xf32> to vector<1x512xf32>
    %concatenate3A_311 = tpu.concatenate %slice3A_309, %slice3A_310 in 0 : vector<7x512xf32>, vector<1x512xf32> -> vector<8x512xf32>
    %add3A_312 = arith.addf %add3A_308, %concatenate3A_311 : vector<8x512xf32>
    %slice3A_313 = vector.extract_strided_slice %add3A_312 {offsets = [0, 0], sizes = [1, 512], strides = [1, 1]} : vector<8x512xf32> to vector<1x512xf32>
    %get3A_314 = arith.constant 0 : index
    %get3A_315 = arith.constant 4 : index
    %get3A_316 = arith.constant 0 : index
    %get3A_317 = vector.load %arg3[%get3A_314, %get3A_315, %get3A_316] : memref<1x8x512xi32, #tpu.memory_space<vmem>>, vector<1x1x512xi32>
    %get3A_318 = vector.shape_cast %get3A_317 : vector<1x1x512xi32> to vector<1x512xi32>
    %lt3A_319 = arith.cmpf olt, %slice3A_313, %select_n3A_255 : vector<1x512xf32>
    %eq3A_320 = arith.cmpf oeq, %slice3A_313, %select_n3A_255 : vector<1x512xf32>
    %lt3A_321 = arith.cmpi slt, %get3A_318, %select_n3A_256 : vector<1x512xi32>
    %and3A_322 = arith.andi %eq3A_320, %lt3A_321 : vector<1x512xi1>
    %or3A_323 = arith.ori %lt3A_319, %and3A_322 : vector<1x512xi1>
    %select_n3A_324 = arith.select %or3A_323, %slice3A_313, %select_n3A_255 : vector<1x512xi1>, vector<1x512xf32>
    %select_n3A_325 = arith.select %or3A_323, %get3A_318, %select_n3A_256 : vector<1x512xi1>, vector<1x512xi32>
    %jit3A_326 = arith.constant 4 : i32
    %broadcast_in_dim3A_327 = vector.broadcast %jit3A_326 : i32 to vector<1x512xi32>
    %select_n3A_328 = arith.select %or3A_323, %broadcast_in_dim3A_327, %select_n3A_259 : vector<1x512xi1>, vector<1x512xi32>
    %get3A_329 = arith.constant 5 : index
    %get3A_330 = arith.constant 0 : index
    %get3A_331 = arith.constant 0 : index
    %get3A_332 = vector.load %arg2[%get3A_329, %get3A_330, %get3A_331] : memref<8x256x512xf32, #tpu.memory_space<vmem>>, vector<1x256x512xf32>
    %get3A_333 = vector.shape_cast %get3A_332 : vector<1x256x512xf32> to vector<256x512xf32>
    %sub3A_334 = arith.subf %get3A_333, %get3A_3 : vector<256x512xf32>
    %mul3A_335 = arith.mulf %sub3A_334, %sub3A_334 : vector<256x512xf32>
    %slice3A_336 = vector.extract_strided_slice %mul3A_335 {offsets = [0, 0], sizes = [128, 512], strides = [1, 1]} : vector<256x512xf32> to vector<128x512xf32>
    %slice3A_337 = vector.extract_strided_slice %mul3A_335 {offsets = [128, 0], sizes = [128, 512], strides = [1, 1]} : vector<256x512xf32> to vector<128x512xf32>
    %add3A_338 = arith.addf %slice3A_336, %slice3A_337 : vector<128x512xf32>
    %slice3A_339 = vector.extract_strided_slice %add3A_338 {offsets = [0, 0], sizes = [8, 512], strides = [1, 1]} : vector<128x512xf32> to vector<8x512xf32>
    %slice3A_340 = vector.extract_strided_slice %add3A_338 {offsets = [8, 0], sizes = [8, 512], strides = [1, 1]} : vector<128x512xf32> to vector<8x512xf32>
    %add3A_341 = arith.addf %slice3A_339, %slice3A_340 : vector<8x512xf32>
    %slice3A_342 = vector.extract_strided_slice %add3A_338 {offsets = [16, 0], sizes = [8, 512], strides = [1, 1]} : vector<128x512xf32> to vector<8x512xf32>
    %add3A_343 = arith.addf %add3A_341, %slice3A_342 : vector<8x512xf32>
    %slice3A_344 = vector.extract_strided_slice %add3A_338 {offsets = [24, 0], sizes = [8, 512], strides = [1, 1]} : vector<128x512xf32> to vector<8x512xf32>
    %add3A_345 = arith.addf %add3A_343, %slice3A_344 : vector<8x512xf32>
    %slice3A_346 = vector.extract_strided_slice %add3A_338 {offsets = [32, 0], sizes = [8, 512], strides = [1, 1]} : vector<128x512xf32> to vector<8x512xf32>
    %add3A_347 = arith.addf %add3A_345, %slice3A_346 : vector<8x512xf32>
    %slice3A_348 = vector.extract_strided_slice %add3A_338 {offsets = [40, 0], sizes = [8, 512], strides = [1, 1]} : vector<128x512xf32> to vector<8x512xf32>
    %add3A_349 = arith.addf %add3A_347, %slice3A_348 : vector<8x512xf32>
    %slice3A_350 = vector.extract_strided_slice %add3A_338 {offsets = [48, 0], sizes = [8, 512], strides = [1, 1]} : vector<128x512xf32> to vector<8x512xf32>
    %add3A_351 = arith.addf %add3A_349, %slice3A_350 : vector<8x512xf32>
    %slice3A_352 = vector.extract_strided_slice %add3A_338 {offsets = [56, 0], sizes = [8, 512], strides = [1, 1]} : vector<128x512xf32> to vector<8x512xf32>
    %add3A_353 = arith.addf %add3A_351, %slice3A_352 : vector<8x512xf32>
    %slice3A_354 = vector.extract_strided_slice %add3A_338 {offsets = [64, 0], sizes = [8, 512], strides = [1, 1]} : vector<128x512xf32> to vector<8x512xf32>
    %add3A_355 = arith.addf %add3A_353, %slice3A_354 : vector<8x512xf32>
    %slice3A_356 = vector.extract_strided_slice %add3A_338 {offsets = [72, 0], sizes = [8, 512], strides = [1, 1]} : vector<128x512xf32> to vector<8x512xf32>
    %add3A_357 = arith.addf %add3A_355, %slice3A_356 : vector<8x512xf32>
    %slice3A_358 = vector.extract_strided_slice %add3A_338 {offsets = [80, 0], sizes = [8, 512], strides = [1, 1]} : vector<128x512xf32> to vector<8x512xf32>
    %add3A_359 = arith.addf %add3A_357, %slice3A_358 : vector<8x512xf32>
    %slice3A_360 = vector.extract_strided_slice %add3A_338 {offsets = [88, 0], sizes = [8, 512], strides = [1, 1]} : vector<128x512xf32> to vector<8x512xf32>
    %add3A_361 = arith.addf %add3A_359, %slice3A_360 : vector<8x512xf32>
    %slice3A_362 = vector.extract_strided_slice %add3A_338 {offsets = [96, 0], sizes = [8, 512], strides = [1, 1]} : vector<128x512xf32> to vector<8x512xf32>
    %add3A_363 = arith.addf %add3A_361, %slice3A_362 : vector<8x512xf32>
    %slice3A_364 = vector.extract_strided_slice %add3A_338 {offsets = [104, 0], sizes = [8, 512], strides = [1, 1]} : vector<128x512xf32> to vector<8x512xf32>
    %add3A_365 = arith.addf %add3A_363, %slice3A_364 : vector<8x512xf32>
    %slice3A_366 = vector.extract_strided_slice %add3A_338 {offsets = [112, 0], sizes = [8, 512], strides = [1, 1]} : vector<128x512xf32> to vector<8x512xf32>
    %add3A_367 = arith.addf %add3A_365, %slice3A_366 : vector<8x512xf32>
    %slice3A_368 = vector.extract_strided_slice %add3A_338 {offsets = [120, 0], sizes = [8, 512], strides = [1, 1]} : vector<128x512xf32> to vector<8x512xf32>
    %add3A_369 = arith.addf %add3A_367, %slice3A_368 : vector<8x512xf32>
    %slice3A_370 = vector.extract_strided_slice %add3A_369 {offsets = [4, 0], sizes = [4, 512], strides = [1, 1]} : vector<8x512xf32> to vector<4x512xf32>
    %slice3A_371 = vector.extract_strided_slice %add3A_369 {offsets = [0, 0], sizes = [4, 512], strides = [1, 1]} : vector<8x512xf32> to vector<4x512xf32>
    %concatenate3A_372 = tpu.concatenate %slice3A_370, %slice3A_371 in 0 : vector<4x512xf32>, vector<4x512xf32> -> vector<8x512xf32>
    %add3A_373 = arith.addf %add3A_369, %concatenate3A_372 : vector<8x512xf32>
    %slice3A_374 = vector.extract_strided_slice %add3A_373 {offsets = [2, 0], sizes = [6, 512], strides = [1, 1]} : vector<8x512xf32> to vector<6x512xf32>
    %slice3A_375 = vector.extract_strided_slice %add3A_373 {offsets = [0, 0], sizes = [2, 512], strides = [1, 1]} : vector<8x512xf32> to vector<2x512xf32>
    %concatenate3A_376 = tpu.concatenate %slice3A_374, %slice3A_375 in 0 : vector<6x512xf32>, vector<2x512xf32> -> vector<8x512xf32>
    %add3A_377 = arith.addf %add3A_373, %concatenate3A_376 : vector<8x512xf32>
    %slice3A_378 = vector.extract_strided_slice %add3A_377 {offsets = [1, 0], sizes = [7, 512], strides = [1, 1]} : vector<8x512xf32> to vector<7x512xf32>
    %slice3A_379 = vector.extract_strided_slice %add3A_377 {offsets = [0, 0], sizes = [1, 512], strides = [1, 1]} : vector<8x512xf32> to vector<1x512xf32>
    %concatenate3A_380 = tpu.concatenate %slice3A_378, %slice3A_379 in 0 : vector<7x512xf32>, vector<1x512xf32> -> vector<8x512xf32>
    %add3A_381 = arith.addf %add3A_377, %concatenate3A_380 : vector<8x512xf32>
    %slice3A_382 = vector.extract_strided_slice %add3A_381 {offsets = [0, 0], sizes = [1, 512], strides = [1, 1]} : vector<8x512xf32> to vector<1x512xf32>
    %get3A_383 = arith.constant 0 : index
    %get3A_384 = arith.constant 5 : index
    %get3A_385 = arith.constant 0 : index
    %get3A_386 = vector.load %arg3[%get3A_383, %get3A_384, %get3A_385] : memref<1x8x512xi32, #tpu.memory_space<vmem>>, vector<1x1x512xi32>
    %get3A_387 = vector.shape_cast %get3A_386 : vector<1x1x512xi32> to vector<1x512xi32>
    %lt3A_388 = arith.cmpf olt, %slice3A_382, %select_n3A_324 : vector<1x512xf32>
    %eq3A_389 = arith.cmpf oeq, %slice3A_382, %select_n3A_324 : vector<1x512xf32>
    %lt3A_390 = arith.cmpi slt, %get3A_387, %select_n3A_325 : vector<1x512xi32>
    %and3A_391 = arith.andi %eq3A_389, %lt3A_390 : vector<1x512xi1>
    %or3A_392 = arith.ori %lt3A_388, %and3A_391 : vector<1x512xi1>
    %select_n3A_393 = arith.select %or3A_392, %slice3A_382, %select_n3A_324 : vector<1x512xi1>, vector<1x512xf32>
    %select_n3A_394 = arith.select %or3A_392, %get3A_387, %select_n3A_325 : vector<1x512xi1>, vector<1x512xi32>
    %jit3A_395 = arith.constant 5 : i32
    %broadcast_in_dim3A_396 = vector.broadcast %jit3A_395 : i32 to vector<1x512xi32>
    %select_n3A_397 = arith.select %or3A_392, %broadcast_in_dim3A_396, %select_n3A_328 : vector<1x512xi1>, vector<1x512xi32>
    %get3A_398 = arith.constant 6 : index
    %get3A_399 = arith.constant 0 : index
    %get3A_400 = arith.constant 0 : index
    %get3A_401 = vector.load %arg2[%get3A_398, %get3A_399, %get3A_400] : memref<8x256x512xf32, #tpu.memory_space<vmem>>, vector<1x256x512xf32>
    %get3A_402 = vector.shape_cast %get3A_401 : vector<1x256x512xf32> to vector<256x512xf32>
    %sub3A_403 = arith.subf %get3A_402, %get3A_3 : vector<256x512xf32>
    %mul3A_404 = arith.mulf %sub3A_403, %sub3A_403 : vector<256x512xf32>
    %slice3A_405 = vector.extract_strided_slice %mul3A_404 {offsets = [0, 0], sizes = [128, 512], strides = [1, 1]} : vector<256x512xf32> to vector<128x512xf32>
    %slice3A_406 = vector.extract_strided_slice %mul3A_404 {offsets = [128, 0], sizes = [128, 512], strides = [1, 1]} : vector<256x512xf32> to vector<128x512xf32>
    %add3A_407 = arith.addf %slice3A_405, %slice3A_406 : vector<128x512xf32>
    %slice3A_408 = vector.extract_strided_slice %add3A_407 {offsets = [0, 0], sizes = [8, 512], strides = [1, 1]} : vector<128x512xf32> to vector<8x512xf32>
    %slice3A_409 = vector.extract_strided_slice %add3A_407 {offsets = [8, 0], sizes = [8, 512], strides = [1, 1]} : vector<128x512xf32> to vector<8x512xf32>
    %add3A_410 = arith.addf %slice3A_408, %slice3A_409 : vector<8x512xf32>
    %slice3A_411 = vector.extract_strided_slice %add3A_407 {offsets = [16, 0], sizes = [8, 512], strides = [1, 1]} : vector<128x512xf32> to vector<8x512xf32>
    %add3A_412 = arith.addf %add3A_410, %slice3A_411 : vector<8x512xf32>
    %slice3A_413 = vector.extract_strided_slice %add3A_407 {offsets = [24, 0], sizes = [8, 512], strides = [1, 1]} : vector<128x512xf32> to vector<8x512xf32>
    %add3A_414 = arith.addf %add3A_412, %slice3A_413 : vector<8x512xf32>
    %slice3A_415 = vector.extract_strided_slice %add3A_407 {offsets = [32, 0], sizes = [8, 512], strides = [1, 1]} : vector<128x512xf32> to vector<8x512xf32>
    %add3A_416 = arith.addf %add3A_414, %slice3A_415 : vector<8x512xf32>
    %slice3A_417 = vector.extract_strided_slice %add3A_407 {offsets = [40, 0], sizes = [8, 512], strides = [1, 1]} : vector<128x512xf32> to vector<8x512xf32>
    %add3A_418 = arith.addf %add3A_416, %slice3A_417 : vector<8x512xf32>
    %slice3A_419 = vector.extract_strided_slice %add3A_407 {offsets = [48, 0], sizes = [8, 512], strides = [1, 1]} : vector<128x512xf32> to vector<8x512xf32>
    %add3A_420 = arith.addf %add3A_418, %slice3A_419 : vector<8x512xf32>
    %slice3A_421 = vector.extract_strided_slice %add3A_407 {offsets = [56, 0], sizes = [8, 512], strides = [1, 1]} : vector<128x512xf32> to vector<8x512xf32>
    %add3A_422 = arith.addf %add3A_420, %slice3A_421 : vector<8x512xf32>
    %slice3A_423 = vector.extract_strided_slice %add3A_407 {offsets = [64, 0], sizes = [8, 512], strides = [1, 1]} : vector<128x512xf32> to vector<8x512xf32>
    %add3A_424 = arith.addf %add3A_422, %slice3A_423 : vector<8x512xf32>
    %slice3A_425 = vector.extract_strided_slice %add3A_407 {offsets = [72, 0], sizes = [8, 512], strides = [1, 1]} : vector<128x512xf32> to vector<8x512xf32>
    %add3A_426 = arith.addf %add3A_424, %slice3A_425 : vector<8x512xf32>
    %slice3A_427 = vector.extract_strided_slice %add3A_407 {offsets = [80, 0], sizes = [8, 512], strides = [1, 1]} : vector<128x512xf32> to vector<8x512xf32>
    %add3A_428 = arith.addf %add3A_426, %slice3A_427 : vector<8x512xf32>
    %slice3A_429 = vector.extract_strided_slice %add3A_407 {offsets = [88, 0], sizes = [8, 512], strides = [1, 1]} : vector<128x512xf32> to vector<8x512xf32>
    %add3A_430 = arith.addf %add3A_428, %slice3A_429 : vector<8x512xf32>
    %slice3A_431 = vector.extract_strided_slice %add3A_407 {offsets = [96, 0], sizes = [8, 512], strides = [1, 1]} : vector<128x512xf32> to vector<8x512xf32>
    %add3A_432 = arith.addf %add3A_430, %slice3A_431 : vector<8x512xf32>
    %slice3A_433 = vector.extract_strided_slice %add3A_407 {offsets = [104, 0], sizes = [8, 512], strides = [1, 1]} : vector<128x512xf32> to vector<8x512xf32>
    %add3A_434 = arith.addf %add3A_432, %slice3A_433 : vector<8x512xf32>
    %slice3A_435 = vector.extract_strided_slice %add3A_407 {offsets = [112, 0], sizes = [8, 512], strides = [1, 1]} : vector<128x512xf32> to vector<8x512xf32>
    %add3A_436 = arith.addf %add3A_434, %slice3A_435 : vector<8x512xf32>
    %slice3A_437 = vector.extract_strided_slice %add3A_407 {offsets = [120, 0], sizes = [8, 512], strides = [1, 1]} : vector<128x512xf32> to vector<8x512xf32>
    %add3A_438 = arith.addf %add3A_436, %slice3A_437 : vector<8x512xf32>
    %slice3A_439 = vector.extract_strided_slice %add3A_438 {offsets = [4, 0], sizes = [4, 512], strides = [1, 1]} : vector<8x512xf32> to vector<4x512xf32>
    %slice3A_440 = vector.extract_strided_slice %add3A_438 {offsets = [0, 0], sizes = [4, 512], strides = [1, 1]} : vector<8x512xf32> to vector<4x512xf32>
    %concatenate3A_441 = tpu.concatenate %slice3A_439, %slice3A_440 in 0 : vector<4x512xf32>, vector<4x512xf32> -> vector<8x512xf32>
    %add3A_442 = arith.addf %add3A_438, %concatenate3A_441 : vector<8x512xf32>
    %slice3A_443 = vector.extract_strided_slice %add3A_442 {offsets = [2, 0], sizes = [6, 512], strides = [1, 1]} : vector<8x512xf32> to vector<6x512xf32>
    %slice3A_444 = vector.extract_strided_slice %add3A_442 {offsets = [0, 0], sizes = [2, 512], strides = [1, 1]} : vector<8x512xf32> to vector<2x512xf32>
    %concatenate3A_445 = tpu.concatenate %slice3A_443, %slice3A_444 in 0 : vector<6x512xf32>, vector<2x512xf32> -> vector<8x512xf32>
    %add3A_446 = arith.addf %add3A_442, %concatenate3A_445 : vector<8x512xf32>
    %slice3A_447 = vector.extract_strided_slice %add3A_446 {offsets = [1, 0], sizes = [7, 512], strides = [1, 1]} : vector<8x512xf32> to vector<7x512xf32>
    %slice3A_448 = vector.extract_strided_slice %add3A_446 {offsets = [0, 0], sizes = [1, 512], strides = [1, 1]} : vector<8x512xf32> to vector<1x512xf32>
    %concatenate3A_449 = tpu.concatenate %slice3A_447, %slice3A_448 in 0 : vector<7x512xf32>, vector<1x512xf32> -> vector<8x512xf32>
    %add3A_450 = arith.addf %add3A_446, %concatenate3A_449 : vector<8x512xf32>
    %slice3A_451 = vector.extract_strided_slice %add3A_450 {offsets = [0, 0], sizes = [1, 512], strides = [1, 1]} : vector<8x512xf32> to vector<1x512xf32>
    %get3A_452 = arith.constant 0 : index
    %get3A_453 = arith.constant 6 : index
    %get3A_454 = arith.constant 0 : index
    %get3A_455 = vector.load %arg3[%get3A_452, %get3A_453, %get3A_454] : memref<1x8x512xi32, #tpu.memory_space<vmem>>, vector<1x1x512xi32>
    %get3A_456 = vector.shape_cast %get3A_455 : vector<1x1x512xi32> to vector<1x512xi32>
    %lt3A_457 = arith.cmpf olt, %slice3A_451, %select_n3A_393 : vector<1x512xf32>
    %eq3A_458 = arith.cmpf oeq, %slice3A_451, %select_n3A_393 : vector<1x512xf32>
    %lt3A_459 = arith.cmpi slt, %get3A_456, %select_n3A_394 : vector<1x512xi32>
    %and3A_460 = arith.andi %eq3A_458, %lt3A_459 : vector<1x512xi1>
    %or3A_461 = arith.ori %lt3A_457, %and3A_460 : vector<1x512xi1>
    %select_n3A_462 = arith.select %or3A_461, %slice3A_451, %select_n3A_393 : vector<1x512xi1>, vector<1x512xf32>
    %select_n3A_463 = arith.select %or3A_461, %get3A_456, %select_n3A_394 : vector<1x512xi1>, vector<1x512xi32>
    %jit3A_464 = arith.constant 6 : i32
    %broadcast_in_dim3A_465 = vector.broadcast %jit3A_464 : i32 to vector<1x512xi32>
    %select_n3A_466 = arith.select %or3A_461, %broadcast_in_dim3A_465, %select_n3A_397 : vector<1x512xi1>, vector<1x512xi32>
    %get3A_467 = arith.constant 7 : index
    %get3A_468 = arith.constant 0 : index
    %get3A_469 = arith.constant 0 : index
    %get3A_470 = vector.load %arg2[%get3A_467, %get3A_468, %get3A_469] : memref<8x256x512xf32, #tpu.memory_space<vmem>>, vector<1x256x512xf32>
    %get3A_471 = vector.shape_cast %get3A_470 : vector<1x256x512xf32> to vector<256x512xf32>
    %sub3A_472 = arith.subf %get3A_471, %get3A_3 : vector<256x512xf32>
    %mul3A_473 = arith.mulf %sub3A_472, %sub3A_472 : vector<256x512xf32>
    %slice3A_474 = vector.extract_strided_slice %mul3A_473 {offsets = [0, 0], sizes = [128, 512], strides = [1, 1]} : vector<256x512xf32> to vector<128x512xf32>
    %slice3A_475 = vector.extract_strided_slice %mul3A_473 {offsets = [128, 0], sizes = [128, 512], strides = [1, 1]} : vector<256x512xf32> to vector<128x512xf32>
    %add3A_476 = arith.addf %slice3A_474, %slice3A_475 : vector<128x512xf32>
    %slice3A_477 = vector.extract_strided_slice %add3A_476 {offsets = [0, 0], sizes = [8, 512], strides = [1, 1]} : vector<128x512xf32> to vector<8x512xf32>
    %slice3A_478 = vector.extract_strided_slice %add3A_476 {offsets = [8, 0], sizes = [8, 512], strides = [1, 1]} : vector<128x512xf32> to vector<8x512xf32>
    %add3A_479 = arith.addf %slice3A_477, %slice3A_478 : vector<8x512xf32>
    %slice3A_480 = vector.extract_strided_slice %add3A_476 {offsets = [16, 0], sizes = [8, 512], strides = [1, 1]} : vector<128x512xf32> to vector<8x512xf32>
    %add3A_481 = arith.addf %add3A_479, %slice3A_480 : vector<8x512xf32>
    %slice3A_482 = vector.extract_strided_slice %add3A_476 {offsets = [24, 0], sizes = [8, 512], strides = [1, 1]} : vector<128x512xf32> to vector<8x512xf32>
    %add3A_483 = arith.addf %add3A_481, %slice3A_482 : vector<8x512xf32>
    %slice3A_484 = vector.extract_strided_slice %add3A_476 {offsets = [32, 0], sizes = [8, 512], strides = [1, 1]} : vector<128x512xf32> to vector<8x512xf32>
    %add3A_485 = arith.addf %add3A_483, %slice3A_484 : vector<8x512xf32>
    %slice3A_486 = vector.extract_strided_slice %add3A_476 {offsets = [40, 0], sizes = [8, 512], strides = [1, 1]} : vector<128x512xf32> to vector<8x512xf32>
    %add3A_487 = arith.addf %add3A_485, %slice3A_486 : vector<8x512xf32>
    %slice3A_488 = vector.extract_strided_slice %add3A_476 {offsets = [48, 0], sizes = [8, 512], strides = [1, 1]} : vector<128x512xf32> to vector<8x512xf32>
    %add3A_489 = arith.addf %add3A_487, %slice3A_488 : vector<8x512xf32>
    %slice3A_490 = vector.extract_strided_slice %add3A_476 {offsets = [56, 0], sizes = [8, 512], strides = [1, 1]} : vector<128x512xf32> to vector<8x512xf32>
    %add3A_491 = arith.addf %add3A_489, %slice3A_490 : vector<8x512xf32>
    %slice3A_492 = vector.extract_strided_slice %add3A_476 {offsets = [64, 0], sizes = [8, 512], strides = [1, 1]} : vector<128x512xf32> to vector<8x512xf32>
    %add3A_493 = arith.addf %add3A_491, %slice3A_492 : vector<8x512xf32>
    %slice3A_494 = vector.extract_strided_slice %add3A_476 {offsets = [72, 0], sizes = [8, 512], strides = [1, 1]} : vector<128x512xf32> to vector<8x512xf32>
    %add3A_495 = arith.addf %add3A_493, %slice3A_494 : vector<8x512xf32>
    %slice3A_496 = vector.extract_strided_slice %add3A_476 {offsets = [80, 0], sizes = [8, 512], strides = [1, 1]} : vector<128x512xf32> to vector<8x512xf32>
    %add3A_497 = arith.addf %add3A_495, %slice3A_496 : vector<8x512xf32>
    %slice3A_498 = vector.extract_strided_slice %add3A_476 {offsets = [88, 0], sizes = [8, 512], strides = [1, 1]} : vector<128x512xf32> to vector<8x512xf32>
    %add3A_499 = arith.addf %add3A_497, %slice3A_498 : vector<8x512xf32>
    %slice3A_500 = vector.extract_strided_slice %add3A_476 {offsets = [96, 0], sizes = [8, 512], strides = [1, 1]} : vector<128x512xf32> to vector<8x512xf32>
    %add3A_501 = arith.addf %add3A_499, %slice3A_500 : vector<8x512xf32>
    %slice3A_502 = vector.extract_strided_slice %add3A_476 {offsets = [104, 0], sizes = [8, 512], strides = [1, 1]} : vector<128x512xf32> to vector<8x512xf32>
    %add3A_503 = arith.addf %add3A_501, %slice3A_502 : vector<8x512xf32>
    %slice3A_504 = vector.extract_strided_slice %add3A_476 {offsets = [112, 0], sizes = [8, 512], strides = [1, 1]} : vector<128x512xf32> to vector<8x512xf32>
    %add3A_505 = arith.addf %add3A_503, %slice3A_504 : vector<8x512xf32>
    %slice3A_506 = vector.extract_strided_slice %add3A_476 {offsets = [120, 0], sizes = [8, 512], strides = [1, 1]} : vector<128x512xf32> to vector<8x512xf32>
    %add3A_507 = arith.addf %add3A_505, %slice3A_506 : vector<8x512xf32>
    %slice3A_508 = vector.extract_strided_slice %add3A_507 {offsets = [4, 0], sizes = [4, 512], strides = [1, 1]} : vector<8x512xf32> to vector<4x512xf32>
    %slice3A_509 = vector.extract_strided_slice %add3A_507 {offsets = [0, 0], sizes = [4, 512], strides = [1, 1]} : vector<8x512xf32> to vector<4x512xf32>
    %concatenate3A_510 = tpu.concatenate %slice3A_508, %slice3A_509 in 0 : vector<4x512xf32>, vector<4x512xf32> -> vector<8x512xf32>
    %add3A_511 = arith.addf %add3A_507, %concatenate3A_510 : vector<8x512xf32>
    %slice3A_512 = vector.extract_strided_slice %add3A_511 {offsets = [2, 0], sizes = [6, 512], strides = [1, 1]} : vector<8x512xf32> to vector<6x512xf32>
    %slice3A_513 = vector.extract_strided_slice %add3A_511 {offsets = [0, 0], sizes = [2, 512], strides = [1, 1]} : vector<8x512xf32> to vector<2x512xf32>
    %concatenate3A_514 = tpu.concatenate %slice3A_512, %slice3A_513 in 0 : vector<6x512xf32>, vector<2x512xf32> -> vector<8x512xf32>
    %add3A_515 = arith.addf %add3A_511, %concatenate3A_514 : vector<8x512xf32>
    %slice3A_516 = vector.extract_strided_slice %add3A_515 {offsets = [1, 0], sizes = [7, 512], strides = [1, 1]} : vector<8x512xf32> to vector<7x512xf32>
    %slice3A_517 = vector.extract_strided_slice %add3A_515 {offsets = [0, 0], sizes = [1, 512], strides = [1, 1]} : vector<8x512xf32> to vector<1x512xf32>
    %concatenate3A_518 = tpu.concatenate %slice3A_516, %slice3A_517 in 0 : vector<7x512xf32>, vector<1x512xf32> -> vector<8x512xf32>
    %add3A_519 = arith.addf %add3A_515, %concatenate3A_518 : vector<8x512xf32>
    %slice3A_520 = vector.extract_strided_slice %add3A_519 {offsets = [0, 0], sizes = [1, 512], strides = [1, 1]} : vector<8x512xf32> to vector<1x512xf32>
    %get3A_521 = arith.constant 0 : index
    %get3A_522 = arith.constant 7 : index
    %get3A_523 = arith.constant 0 : index
    %get3A_524 = vector.load %arg3[%get3A_521, %get3A_522, %get3A_523] : memref<1x8x512xi32, #tpu.memory_space<vmem>>, vector<1x1x512xi32>
    %get3A_525 = vector.shape_cast %get3A_524 : vector<1x1x512xi32> to vector<1x512xi32>
    %lt3A_526 = arith.cmpf olt, %slice3A_520, %select_n3A_462 : vector<1x512xf32>
    %eq3A_527 = arith.cmpf oeq, %slice3A_520, %select_n3A_462 : vector<1x512xf32>
    %lt3A_528 = arith.cmpi slt, %get3A_525, %select_n3A_463 : vector<1x512xi32>
    %and3A_529 = arith.andi %eq3A_527, %lt3A_528 : vector<1x512xi1>
    %or3A_530 = arith.ori %lt3A_526, %and3A_529 : vector<1x512xi1>
    %jit3A_531 = arith.constant 7 : i32
    %broadcast_in_dim3A_532 = vector.broadcast %jit3A_531 : i32 to vector<1x512xi32>
    %select_n3A_533 = arith.select %or3A_530, %broadcast_in_dim3A_532, %select_n3A_466 : vector<1x512xi1>, vector<1x512xi32>
    %get3A_534 = arith.constant 0 : index
    %get3A_535 = arith.constant 0 : index
    %get3A_536 = arith.constant 0 : index
    %get3A_537 = vector.load %arg2[%get3A_534, %get3A_535, %get3A_536] : memref<8x256x512xf32, #tpu.memory_space<vmem>>, vector<1x256x512xf32>
    %get3A_538 = vector.shape_cast %get3A_537 : vector<1x256x512xf32> to vector<256x512xf32>
    %eq3A_539 = arith.constant 1 : i32
    %eq3A_540 = vector.broadcast %eq3A_539 : i32 to vector<1x512xi32>
    %eq3A_541 = arith.cmpi eq, %select_n3A_533, %eq3A_540 : vector<1x512xi32>
    %get3A_542 = arith.constant 1 : index
    %get3A_543 = arith.constant 0 : index
    %get3A_544 = arith.constant 0 : index
    %get3A_545 = vector.load %arg2[%get3A_542, %get3A_543, %get3A_544] : memref<8x256x512xf32, #tpu.memory_space<vmem>>, vector<1x256x512xf32>
    %get3A_546 = vector.shape_cast %get3A_545 : vector<1x256x512xf32> to vector<256x512xf32>
    %broadcast_in_dim3A_547 = vector.shape_cast %eq3A_541 : vector<1x512xi1> to vector<1x512xi1>
    %broadcast_in_dim3A_548 = vector.broadcast %broadcast_in_dim3A_547 : vector<1x512xi1> to vector<256x512xi1>
    %select_n3A_549 = arith.select %broadcast_in_dim3A_548, %get3A_546, %get3A_538 : vector<256x512xi1>, vector<256x512xf32>
    %eq3A_550 = arith.constant 2 : i32
    %eq3A_551 = vector.broadcast %eq3A_550 : i32 to vector<1x512xi32>
    %eq3A_552 = arith.cmpi eq, %select_n3A_533, %eq3A_551 : vector<1x512xi32>
    %get3A_553 = arith.constant 2 : index
    %get3A_554 = arith.constant 0 : index
    %get3A_555 = arith.constant 0 : index
    %get3A_556 = vector.load %arg2[%get3A_553, %get3A_554, %get3A_555] : memref<8x256x512xf32, #tpu.memory_space<vmem>>, vector<1x256x512xf32>
    %get3A_557 = vector.shape_cast %get3A_556 : vector<1x256x512xf32> to vector<256x512xf32>
    %broadcast_in_dim3A_558 = vector.shape_cast %eq3A_552 : vector<1x512xi1> to vector<1x512xi1>
    %broadcast_in_dim3A_559 = vector.broadcast %broadcast_in_dim3A_558 : vector<1x512xi1> to vector<256x512xi1>
    %select_n3A_560 = arith.select %broadcast_in_dim3A_559, %get3A_557, %select_n3A_549 : vector<256x512xi1>, vector<256x512xf32>
    %eq3A_561 = arith.constant 3 : i32
    %eq3A_562 = vector.broadcast %eq3A_561 : i32 to vector<1x512xi32>
    %eq3A_563 = arith.cmpi eq, %select_n3A_533, %eq3A_562 : vector<1x512xi32>
    %get3A_564 = arith.constant 3 : index
    %get3A_565 = arith.constant 0 : index
    %get3A_566 = arith.constant 0 : index
    %get3A_567 = vector.load %arg2[%get3A_564, %get3A_565, %get3A_566] : memref<8x256x512xf32, #tpu.memory_space<vmem>>, vector<1x256x512xf32>
    %get3A_568 = vector.shape_cast %get3A_567 : vector<1x256x512xf32> to vector<256x512xf32>
    %broadcast_in_dim3A_569 = vector.shape_cast %eq3A_563 : vector<1x512xi1> to vector<1x512xi1>
    %broadcast_in_dim3A_570 = vector.broadcast %broadcast_in_dim3A_569 : vector<1x512xi1> to vector<256x512xi1>
    %select_n3A_571 = arith.select %broadcast_in_dim3A_570, %get3A_568, %select_n3A_560 : vector<256x512xi1>, vector<256x512xf32>
    %eq3A_572 = arith.constant 4 : i32
    %eq3A_573 = vector.broadcast %eq3A_572 : i32 to vector<1x512xi32>
    %eq3A_574 = arith.cmpi eq, %select_n3A_533, %eq3A_573 : vector<1x512xi32>
    %get3A_575 = arith.constant 4 : index
    %get3A_576 = arith.constant 0 : index
    %get3A_577 = arith.constant 0 : index
    %get3A_578 = vector.load %arg2[%get3A_575, %get3A_576, %get3A_577] : memref<8x256x512xf32, #tpu.memory_space<vmem>>, vector<1x256x512xf32>
    %get3A_579 = vector.shape_cast %get3A_578 : vector<1x256x512xf32> to vector<256x512xf32>
    %broadcast_in_dim3A_580 = vector.shape_cast %eq3A_574 : vector<1x512xi1> to vector<1x512xi1>
    %broadcast_in_dim3A_581 = vector.broadcast %broadcast_in_dim3A_580 : vector<1x512xi1> to vector<256x512xi1>
    %select_n3A_582 = arith.select %broadcast_in_dim3A_581, %get3A_579, %select_n3A_571 : vector<256x512xi1>, vector<256x512xf32>
    %eq3A_583 = arith.constant 5 : i32
    %eq3A_584 = vector.broadcast %eq3A_583 : i32 to vector<1x512xi32>
    %eq3A_585 = arith.cmpi eq, %select_n3A_533, %eq3A_584 : vector<1x512xi32>
    %get3A_586 = arith.constant 5 : index
    %get3A_587 = arith.constant 0 : index
    %get3A_588 = arith.constant 0 : index
    %get3A_589 = vector.load %arg2[%get3A_586, %get3A_587, %get3A_588] : memref<8x256x512xf32, #tpu.memory_space<vmem>>, vector<1x256x512xf32>
    %get3A_590 = vector.shape_cast %get3A_589 : vector<1x256x512xf32> to vector<256x512xf32>
    %broadcast_in_dim3A_591 = vector.shape_cast %eq3A_585 : vector<1x512xi1> to vector<1x512xi1>
    %broadcast_in_dim3A_592 = vector.broadcast %broadcast_in_dim3A_591 : vector<1x512xi1> to vector<256x512xi1>
    %select_n3A_593 = arith.select %broadcast_in_dim3A_592, %get3A_590, %select_n3A_582 : vector<256x512xi1>, vector<256x512xf32>
    %eq3A_594 = arith.constant 6 : i32
    %eq3A_595 = vector.broadcast %eq3A_594 : i32 to vector<1x512xi32>
    %eq3A_596 = arith.cmpi eq, %select_n3A_533, %eq3A_595 : vector<1x512xi32>
    %get3A_597 = arith.constant 6 : index
    %get3A_598 = arith.constant 0 : index
    %get3A_599 = arith.constant 0 : index
    %get3A_600 = vector.load %arg2[%get3A_597, %get3A_598, %get3A_599] : memref<8x256x512xf32, #tpu.memory_space<vmem>>, vector<1x256x512xf32>
    %get3A_601 = vector.shape_cast %get3A_600 : vector<1x256x512xf32> to vector<256x512xf32>
    %broadcast_in_dim3A_602 = vector.shape_cast %eq3A_596 : vector<1x512xi1> to vector<1x512xi1>
    %broadcast_in_dim3A_603 = vector.broadcast %broadcast_in_dim3A_602 : vector<1x512xi1> to vector<256x512xi1>
    %select_n3A_604 = arith.select %broadcast_in_dim3A_603, %get3A_601, %select_n3A_593 : vector<256x512xi1>, vector<256x512xf32>
    %eq3A_605 = arith.constant 7 : i32
    %eq3A_606 = vector.broadcast %eq3A_605 : i32 to vector<1x512xi32>
    %eq3A_607 = arith.cmpi eq, %select_n3A_533, %eq3A_606 : vector<1x512xi32>
    %get3A_608 = arith.constant 7 : index
    %get3A_609 = arith.constant 0 : index
    %get3A_610 = arith.constant 0 : index
    %get3A_611 = vector.load %arg2[%get3A_608, %get3A_609, %get3A_610] : memref<8x256x512xf32, #tpu.memory_space<vmem>>, vector<1x256x512xf32>
    %get3A_612 = vector.shape_cast %get3A_611 : vector<1x256x512xf32> to vector<256x512xf32>
    %broadcast_in_dim3A_613 = vector.shape_cast %eq3A_607 : vector<1x512xi1> to vector<1x512xi1>
    %broadcast_in_dim3A_614 = vector.broadcast %broadcast_in_dim3A_613 : vector<1x512xi1> to vector<256x512xi1>
    %select_n3A_615 = arith.select %broadcast_in_dim3A_614, %get3A_612, %select_n3A_604 : vector<256x512xi1>, vector<256x512xf32>
    %swap3A = arith.constant 0 : index
    %swap3A_616 = arith.constant 0 : index
    %swap3A_617 = arith.constant 0 : index
    %swap3A_618 = vector.load %arg4[%swap3A, %swap3A_616, %swap3A_617] : memref<1x256x512xf32, #tpu.memory_space<vmem>>, vector<1x256x512xf32>
    %swap3A_619 = vector.shape_cast %swap3A_618 : vector<1x256x512xf32> to vector<256x512xf32>
    %swap3A_620 = vector.shape_cast %select_n3A_615 : vector<256x512xf32> to vector<1x256x512xf32>
    tpu.vector_store %arg4[%swap3A, %swap3A_616, %swap3A_617], %swap3A_620 {strides = array<i32>} : memref<1x256x512xf32, #tpu.memory_space<vmem>>, vector<1x256x512xf32>,
    return
  }
  func.func @transform_0(%arg0: i32) -> (i32, i32, i32) {
    %jit3A = arith.constant 2 : i32
    %div3A = arith.divsi %arg0, %jit3A : i32
    %sign3A = arith.constant 0 : i32
    %sign3A_0 = arith.cmpi sgt, %arg0, %sign3A : i32
    %sign3A_1 = arith.extui %sign3A_0 : i1 to i32
    %sign3A_2 = arith.constant 0 : i32
    %sign3A_3 = arith.cmpi slt, %arg0, %sign3A_2 : i32
    %sign3A_4 = arith.extui %sign3A_3 : i1 to i32
    %sign3A_5 = arith.subi %sign3A_1, %sign3A_4 : i32
    %sign3A_6 = arith.constant 0 : i32
    %sign3A_7 = arith.cmpi sgt, %jit3A, %sign3A_6 : i32
    %sign3A_8 = arith.extui %sign3A_7 : i1 to i32
    %sign3A_9 = arith.constant 0 : i32
    %sign3A_10 = arith.cmpi slt, %jit3A, %sign3A_9 : i32
    %sign3A_11 = arith.extui %sign3A_10 : i1 to i32
    %sign3A_12 = arith.subi %sign3A_8, %sign3A_11 : i32
    %ne3A = arith.cmpi ne, %sign3A_5, %sign3A_12 : i32
    %rem3A = arith.remsi %arg0, %jit3A : i32
    %ne3A_13 = arith.constant 0 : i32
    %ne3A_14 = arith.cmpi ne, %rem3A, %ne3A_13 : i32
    %and3A = arith.andi %ne3A, %ne3A_14 : i1
    %sub3A = arith.constant 1 : i32
    %sub3A_15 = arith.subi %div3A, %sub3A : i32
    %select_n3A = arith.select %and3A, %sub3A_15, %div3A : i32
    %jit3A_16 = arith.constant 2 : i32
    %eq3A = arith.constant 0 : i32
    %eq3A_17 = arith.cmpi eq, %jit3A_16, %eq3A : i32
    %jit3A_18 = arith.constant 1 : i32
    %select_n3A_19 = arith.select %eq3A_17, %jit3A_18, %jit3A_16 : i32
    %rem3A_20 = arith.remsi %arg0, %select_n3A_19 : i32
    %ne3A_21 = arith.constant 0 : i32
    %ne3A_22 = arith.cmpi ne, %rem3A_20, %ne3A_21 : i32
    %lt3A = arith.constant 0 : i32
    %lt3A_23 = arith.cmpi slt, %rem3A_20, %lt3A : i32
    %lt3A_24 = arith.constant 0 : i32
    %lt3A_25 = arith.cmpi slt, %select_n3A_19, %lt3A_24 : i32
    %ne3A_26 = arith.xori %lt3A_23, %lt3A_25 : i1
    %and3A_27 = arith.andi %ne3A_26, %ne3A_22 : i1
    %add3A = arith.addi %rem3A_20, %select_n3A_19 : i32
    %select_n3A_28 = arith.select %and3A_27, %add3A, %rem3A_20 : i32
    %c0_i32 = arith.constant 0 : i32
    %c0_i32_29 = arith.constant 0 : i32
    return %select_n3A, %c0_i32, %select_n3A_28 : i32, i32, i32
  }
  func.func @transform_1(%arg0: i32) -> (i32, i32, i32) {
    %c0_i32 = arith.constant 0 : i32
    %c0_i32_0 = arith.constant 0 : i32
    %c0_i32_1 = arith.constant 0 : i32
    return %c0_i32, %c0_i32_0, %arg0 : i32, i32, i32
  }
  func.func @transform_2(%arg0: i32) -> (i32, i32, i32) {
    %c0_i32 = arith.constant 0 : i32
    %c0_i32_0 = arith.constant 0 : i32
    %c0_i32_1 = arith.constant 0 : i32
    return %arg0, %c0_i32, %c0_i32_0 : i32, i32, i32
  }
  func.func @transform_3(%arg0: i32) -> (i32, i32, i32) {
    %c0_i32 = arith.constant 0 : i32
    %c0_i32_0 = arith.constant 0 : i32
    %c0_i32_1 = arith.constant 0 : i32
    return %arg0, %c0_i32, %c0_i32_0 : i32, i32, i32
  }
}

</mosaic_0001>

<sc_bundles>
// kernel: kernel.5.cloned.1.call-start
scs
__scs_entry_jumppad:
0x0: {  	(pc) =	sbr.rel $0x88, $3  }
0x1: {  	(tag) =	ssettag $0x0;
	lr =	simm.s32 $0x1  }
0x2: {  	[smem:$0x3F9F] =	sst lr;
	_ =	strace $0xD0000000  }
0x3: {  	_ = 	snop  }
0x4: {  	_ = 	snop  }
0x5: {  	_ = 	snop  }
0x6: {  	_ = 	snop  }
0x7: {  	_ = 	snop  }
__scs_overlays_trampoline_lowered:
0x8: {  	[smem:$0x3FAE] =	sst s0  }
0x9: {  	[smem:$0x3FAF] =	sst s1  }
0xa: {  	[smem:$0x3FB0] =	sst s2  }
0xb: {  	[smem:$0x3FB1] =	sst s3  }
0xc: {  	[smem:$0x3FB2] =	sst s4  }
0xd: {  	[smem:$0x3FB3] =	sst s5  }
0xe: {  	[smem:$0x3FB4] =	sst s6  }
0xf: {  	[smem:$0x3FB5] =	sst s7  }
0x10: {  	[smem:$0x3FB6] =	sst s8  }
0x11: {  	[smem:$0x3FB7] =	sst s9;
	s0 =	simm.s32 @!p0 $0x0  }
0x12: {  	s1 =	sld [smem:$0x3F9D];
	s0 =	simm.s32 @p0 $0x1  }
0x13: {  	[smem:$0x3FB8] =	sst s0;
	s0 =	simm.s32 @!p1 $0x0  }
0x14: {  	s2 =	sld [smem:$0x3F9C];
	s0 =	simm.s32 @p1 $0x1  }
0x15: {  	[smem:$0x3FB9] =	sst s0;
	s0 =	simm.s32 @!p2 $0x0  }
0x16: {  	s3 =	sld [smem:$0x3FDB];
	s0 =	simm.s32 @p2 $0x1  }
0x17: {  	s4 =	simm.s32 $0x1BF5;
	[smem:$0x3FBB] =	sst s0  }
0x18: {  	s0 =	sld [smem:$0x3F9E];
	_ =	swait.ge [sflag:s4], $0x0  }
0x19: {  	s7 =	sld [smem:$0x3F9F]  }
0x1a: {  	s8 =	sadd.s32 $0xFFFFE003, lr  }
0x1b: {  	s9 =	sadd.s32 $0xFFFFFEF7, lr;
	s5 =	simm.s32 $0xFFFFFFFF;
	p2 =	slt.u32 s8, $0xFFFFF086  }
0x1c: {  	p1 =	slt.u32 s9, $0xF7A;
	s5 =	simm.s32 @!p2 $0x0  }
0x1d: {  	s5 =	simm.s32 @p1 $0x1;
	p0 =	seq.s32 s7, s2  }
0x1e: {  	s7 =	smul.u32 @!p0 $0xF7A, s2;
	p2 =	seq.s32 @!p0 s5, $0x0  }
0x1f: {  	s9 =	smul.u32 $0xF7A, s1;
	s8 =	simm.s32 @!p0 $0x1BF5;
	p2 =	por !p2, p0  }
0x20: {  	[sflag:s8] =	ssyncset.s32 @!p0 $0xFFFFF086;
	s6 =	sadd.s32 @!p0 s3, s7;
	s7 =	simm.s32 @!p0 $0x108  }
0x21: {  	s3 =	sadd.s32 s3, s9;
	s6 =	sadd.s32 @!p0 $0x88, s6;
	s7 =	simm.s32 @p2 $0x1082  }
0x22: {  	[simem:s7], [sflag:s8] =	dma.local @!p0 [hbm:s6], $0xF7A  }
0x23: {  	s9 =	sor.u32 $0xD0000000, s2;
	s6 =	simm.s32 $0x108;
	_ =	swait.ge @!p0 [sflag:s8], $0x0  }
0x24: {  	s3 =	sadd.s32 $0x88, s3;
	s6 =	simm.s32 @!p1 $0x1082;
	[sflag:s4] =	ssyncset.s32 $0xFFFFF086  }
0x25: {  	[simem:s6], [sflag:s4] =	dma.local [hbm:s3], $0xF7A  }
0x26: {  	[smem:$0x3F9F] =	sst s1;
	(tag) =	ssettag s2;
	_ =	strace s9  }
0x27: {  	s1 =	sld [smem:$0x3FAF]  }
0x28: {  	s2 =	sld [smem:$0x3FB0]  }
0x29: {  	s4 =	sld [smem:$0x3FB2]  }
0x2a: {  	p0 =	seq.s32 s5, $0x0;
	s5 =	sld [smem:$0x3FB3]  }
0x2b: {  	s6 =	sld [smem:$0x3FB4]  }
0x2c: {  	s7 =	sld [smem:$0x3FB5]  }
0x2d: {  	s3 =	simm.s32 $0x108;
	s8 =	sld [smem:$0x3FB6]  }
0x2e: {  	s3 =	simm.s32 @!p0 $0x1082;
	s9 =	sld [smem:$0x3FB7]  }
0x2f: {  	lr =	sadd.s32 s0, s3;
	s0 =	sld [smem:$0x3FAE]  }
0x30: {  	s3 =	sld [smem:$0x3FB1]  }
0x31: {  	[smem:$0x3FBA] =	sst s10  }
0x32: {  	s10 =	sld [smem:$0x3FB8];
	_ =	sdelay $0x3  }
0x33: {  	p0 =	seq.s32 s10, $0x1;
	s10 =	sld [smem:$0x3FBA];
	_ =	sdelay $0x3  }
0x34: {  	[smem:$0x3FBA] =	sst s10  }
0x35: {  	s10 =	sld [smem:$0x3FB9];
	_ =	sdelay $0x3  }
0x36: {  	p1 =	seq.s32 s10, $0x1;
	s10 =	sld [smem:$0x3FBA];
	_ =	sdelay $0x3  }
0x37: {  	[smem:$0x3FBA] =	sst s10  }
0x38: {  	s10 =	sld [smem:$0x3FBB]  }
0x39: {  	_ = 	snop;
	(pc) =	sbr.ind lr, $3  }
0x3a: {  	_ = 	snop  }
0x3b: {  	_ = 	snop  }
0x3c: {  	p2 =	seq.s32 s10, $0x1;
	s10 =	sld [smem:$0x3FBA]  }
0x3d: {  	_ =	shalt  }
0x3e: {  	_ =	shalt  }
0x3f: {  	_ =	shalt  }
0x40: {  	_ =	shalt  }
0x41: {  	_ =	shalt  }
0x42: {  	_ =	shalt  }
0x43: {  	_ =	shalt  }
0x44: {  	_ =	shalt  }
0x45: {  	_ =	shalt  }
0x46: {  	_ =	shalt  }
0x47: {  	_ =	shalt  }
0x48: {  	_ =	shalt  }
0x49: {  	_ =	shalt  }
0x4a: {  	_ =	shalt  }
0x4b: {  	_ =	shalt  }
0x4c: {  	_ =	shalt  }
0x4d: {  	_ =	shalt  }
0x4e: {  	_ =	shalt  }
0x4f: {  	_ =	shalt  }
0x50: {  	_ =	shalt  }
0x51: {  	_ =	shalt  }
0x52: {  	_ =	shalt  }
0x53: {  	_ =	shalt  }
0x54: {  	_ =	shalt  }
0x55: {  	_ =	shalt  }
0x56: {  	_ =	shalt  }
0x57: {  	_ =	shalt  }
0x58: {  	_ =	shalt  }
0x59: {  	_ =	shalt  }
0x5a: {  	_ =	shalt  }
0x5b: {  	_ =	shalt  }
0x5c: {  	_ =	shalt  }
0x5d: {  	_ =	shalt  }
0x5e: {  	_ =	shalt  }
0x5f: {  	_ =	shalt  }
0x60: {  	_ =	shalt  }
0x61: {  	_ =	shalt  }
0x62: {  	_ =	shalt  }
0x63: {  	_ =	shalt  }
0x64: {  	_ =	shalt  }
0x65: {  	_ =	shalt  }
0x66: {  	_ =	shalt  }
0x67: {  	_ =	shalt  }
0x68: {  	_ =	shalt  }
0x69: {  	_ =	shalt  }
0x6a: {  	_ =	shalt  }
0x6b: {  	_ =	shalt  }
0x6c: {  	_ =	shalt  }
0x6d: {  	_ =	shalt  }
0x6e: {  	_ =	shalt  }
0x6f: {  	_ =	shalt  }
0x70: {  	_ =	shalt  }
0x71: {  	_ =	shalt  }
0x72: {  	_ =	shalt  }
0x73: {  	_ =	shalt  }
0x74: {  	_ =	shalt  }
0x75: {  	_ =	shalt  }
0x76: {  	_ =	shalt  }
0x77: {  	_ =	shalt  }
0x78: {  	_ =	shalt  }
0x79: {  	_ =	shalt  }
0x7a: {  	_ =	shalt  }
0x7b: {  	_ =	shalt  }
0x7c: {  	_ =	shalt  }
0x7d: {  	_ =	shalt  }
0x7e: {  	_ =	shalt  }
0x7f: {  	_ =	shalt  }
0x80: {  	_ =	shalt  }
0x81: {  	_ =	shalt  }
0x82: {  	_ =	shalt  }
0x83: {  	_ =	shalt  }
0x84: {  	_ =	shalt  }
0x85: {  	_ =	shalt  }
0x86: {  	_ =	shalt  }
0x87: {  	_ =	shalt  }
.Lfunc_end0:
.L_simem_size_0:
called_computation.1_lowered:
.L_overlay_start_0:
0x88: {  	s2 =	sld [smem:$0x3FD9]  }
0x89: {  	s3 =	sld [smem:$0x3FFE];
	_ =	sdelay $0x1  }
0x8a: {  	s1 =	srdreg.scid  }
0x8b: {  	s0 =	sand.u32 $0x1, s1  }
0x8c: {  	s17 =	sshll.u32 s0, $0xA;
	s2 =	sadd.s32 s3, s2  }
0x8d: {  	s2 =	sadd.s32 s2, s17  }
0x8e: {  	[smem:$0x3FC6] =	sst s2  }
0x8f: {  	_ = 	snop  }
0x90: {  	s2 =	sld [smem:$0x3FC8]  }
0x91: {  	s18 =	sld [smem:$0x3FD0];
	(tm) =	ssettm $0x1  }
0x92: {  	s4 =	sld [smem:$0x3FFB];
	_ =	sdelay $0x3  }
0x93: {  	_ =	strace s4  }
0x94: {  	s4 =	sld [smem:$0x3FFC];
	_ =	sdelay $0x3  }
0x95: {  	_ =	strace s4  }
0x96: {  	s4 =	sld [smem:$0x3FFD];
	_ =	sdelay $0x3  }
0x97: {  	_ =	strace s4  }
0x98: {  	_ =	strace $0x8FFFFFFF  }
0x99: {  	s19 =	sld [smem:$0x3FDB];
	_ =	sdelay $0x1  }
0x9a: {  	s5 =	simm.s32 $_scs_section_size  }
0x9b: {  	s6 =	simm.s32 $_size__tile_overlayer_lowered;
	s7 =	simm.s32 $_tile_overlayer_lowered  }
0x9c: {  	s22 =	simm.s32 $0x1BFF;
	s21 =	sshll.u32 s7, $0x1;
	s4 =	sadd.s32 s5, s19  }
0x9d: {  	s8 =	simm.s32 $0x0;
	s20 =	sshll.u32 s6, $0x1;
	s6 =	sadd.s32 s21, s4  }
0x9e: {  	[timem:s8], [sflag:s22] =	dma.local [hbm:s6], s20  }
0x9f: {  	_ =	swait.ge [sflag:s22], s20  }
0xa0: {  	s5 =	ssub.s32 $0x0, s20;
	[sflag:s22] =	ssyncset.done $0x0  }
0xa1: {  	[sflag:s22] =	ssyncadd.s32 s5;
	_ =	sdelay $0x1  }
0xa2: {  	s23 =	simm.s32 $0x1B8B  }
0xa3: {  	_ =	swait.ge [sflag:s23], $0x1  }
0xa4: {  	[sflag:s23] =	ssyncset.done $0x0  }
0xa5: {  	s25 =	simm.s32 $0x1B8E;
	s24 =	sld [smem:$0x3FFE];
	[sflag:s23] =	ssyncadd.s32 $0xFFFFFFFF  }
0xa6: {  	s26 =	simm.s32 $execute0_lowered;
	[smem:$0x3FD2] =	sst s25  }
0xa7: {  	s6 =	sshll.u32 s26, $0x1;
	_ =	strace $0x80000046;
	[dreg:$0x1] =	wrdreg $0xFFFFFFFF  }
0xa8: {  	s28 =	simm.s32 $_size_execute0_lowered;
	s4 =	sadd.s32 s4, s6;
	[dreg:$0x0] =	wrdreg $0x0  }
0xa9: {  	s6 =	sshll.u32 s28, $0x1;
	[dreg:$0x2] =	wrdreg s4  }
0xaa: {  	[dreg:$0x3] =	wrdreg s6  }
0xab: {  	[dreg:$0x4] =	wrdreg $0xC0  }
0xac: {  	_ =	task [dreg:s8], $0x5FFFF  }
0xad: {  	[dreg:$0x1] =	wrdreg $0xFFFFFFFF  }
0xae: {  	[dreg:$0x0] =	wrdreg $0x60  }
0xaf: {  	[dreg:$0x2] =	wrdreg s2  }
0xb0: {  	[dreg:$0x3] =	wrdreg s18  }
0xb1: {  	[dreg:$0x4] =	wrdreg s24  }
0xb2: {  	[dreg:$0x5] =	wrdreg $0x9  }
0xb3: {  	_ =	task.clear_ibuf [dreg:s8], $0x6FFFF;
	_ =	strace $0x90000046  }
0xb4: {  	s29 =	simm.s32 $0x9;
	_ =	strace $0x80000048  }
0xb5: {  	_ =	swait.ge [sflag:s29], $0x1  }
0xb6: {  	[sflag:s29] =	ssyncadd.s32 $0xFFFFFFFF  }
0xb7: {  	_ =	strace $0x90000048  }
0xb8: {  	_ =	sfence  }
0xb9: {  	s30 =	sld [smem:$0x0];
	_ =	sdelay $0x2  }
0xba: {  	s31 =	sshll.u32 s1, $0xD;
	s1 =	sshrl.u32 s1, $0x2  }
0xbb: {  	s3 =	sand.u32 $0x4000, s31;
	s1 =	sadd.s32 s1, s30  }
0xbc: {  	s0 =	sor.u32 s3, s0;
	s1 =	sshll.u32 s1, $0x11  }
0xbd: {  	s0 =	sor.u32 s1, s0  }
0xbe: {  	s0 =	sadd.s32 $0x8F2B, s0  }
0xbf: {  	[sflag:s0] =	ssyncadd.remote.s32 $0x1  }
0xc0: {  	_ =	sfence.sel $0xFFFF  }
0xc1: {  	[dreg:$0x0] =	wrdreg $0xFFFFFFFF;
	(pc) =	sbr.abs _section_cstart, $3  }
0xc2: {  	[dreg:$0x1] =	wrdreg $0xFFFFFFFF  }
0xc3: {  	_ =	task.clear_ibuf [dreg:s8], $0x2FFFF;
	_ =	strace $0x9FFFFFFF  }
0xc4: {  	(tm) =	ssettm $0x7FFFFFFF  }
0xc5: {  	_ =	shalt  }
tec
execute0_lowered:
.L_overlay_start_1:
0x0: {  	(tag) =	ssettag $0x1  }
0x1: {  	s1 =	rddreg [dreg:$0x0]  }
0x2: {  	s0 =	rddreg [dreg:$0x1]  }
0x3: {  	s4 =	rddreg [dreg:$0x2]  }
0x4: {  	s3 =	srdreg.scid;
	s2 =	stileid.u32  }
0x5: {  	s28 =	simm.s32 $0x180;
	s29 =	simm.s32 $0x200;
	s30 =	simm.s32 $0x280  }
0x6: {  	s31 =	simm.s32 $0x300;
	s5 =	sand.u32 $0x1, s3;
	s3 =	simm.s32 $0x0  }
0x7: {  	s6 =	sshll.u32 s2, $0xB;
	s7 =	sshll.u32 s5, $0xA;
	[smem:$0x7FF] =	sst s3  }
0x8: {  	s5 =	ssub.s32 $0x2, s5;
	s6 =	sor.u32 s7, s6;
	_ =	strace $0x80000047  }
0x9: {  	s7 =	sadd.s32 $0xA00, s4;
	s14 =	sshrl.u32 s5, $0x1;
	s17 =	sshrl.u32 s6, $0x3  }
0xa: {  	s8 =	sshll.u32 s6, $0x5;
	s9 =	sor.u32 $0x80, s6;
	s23 =	sor.u32 $0x100, s6  }
0xb: {  	s25 =	sor.u32 $0x180, s6;
	s13 =	sor.u32 $0x200, s6;
	s4 =	sadd.s32 s0, s17  }
0xc: {  	s18 =	sadd.s32 s7, s8;
	s19 =	sshrl.u32 s9, $0x3;
	s21 =	sshll.u32 s9, $0x5  }
0xd: {  	s24 =	sshrl.u32 s23, $0x3;
	s8 =	sshll.u32 s23, $0x5;
	s2 =	sshrl.u32 s25, $0x3  }
0xe: {  	s11 =	sshll.u32 s25, $0x5;
	s15 =	sshrl.u32 s13, $0x3;
	[dreg:$0x4] =	wrdreg s4  }
0xf: {  	s9 =	ssub.s32 s5, s14;
	[dreg:$0x5] =	wrdreg s18;
	s20 =	sadd.s32 s0, s19  }
0x10: {  	s14 =	simm.s32 $0x3400;
	s22 =	sadd.s32 s7, s21;
	[dreg:$0x6] =	wrdreg s20  }
0x11: {  	s4 =	sadd.s32 s0, s24;
	s26 =	sadd.s32 s7, s8;
	[dreg:$0x7] =	wrdreg s22  }
0x12: {  	s10 =	sadd.s32 s0, s2;
	s12 =	sadd.s32 s7, s11;
	[dreg:$0x8] =	wrdreg s4  }
0x13: {  	s8 =	sshll.u32 s13, $0x5;
	s21 =	sor.u32 $0x300, s6;
	[dreg:$0x9] =	wrdreg s26  }
0x14: {  	s11 =	simm.s32 $0x1C00;
	s13 =	simm.s32 $0x2C00;
	[dreg:$0xa] =	wrdreg s10  }
0x15: {  	[dreg:$0xb] =	wrdreg s12;
	s4 =	sadd.s32 s0, s15;
	s10 =	sor.u32 $0x280, s6  }
0x16: {  	s16 =	sadd.s32 s7, s8;
	s22 =	sshrl.u32 s21, $0x3;
	s23 =	sshll.u32 s21, $0x5  }
0x17: {  	s6 =	sor.u32 $0x380, s6;
	s8 =	simm.s32 $0x400;
	s12 =	simm.s32 $0x2400  }
0x18: {  	s15 =	simm.s32 $0x3C00;
	s21 =	simm.s32 $0x6C00;
	[dreg:$0xc] =	wrdreg s4  }
0x19: {  	s17 =	sshrl.u32 s10, $0x3;
	[dreg:$0xd] =	wrdreg s16;
	s19 =	sshll.u32 s10, $0x5  }
0x1a: {  	s4 =	sadd.s32 s0, s22;
	s24 =	sadd.s32 s7, s23;
	s25 =	sshrl.u32 s6, $0x3  }
0x1b: {  	s26 =	sshll.u32 s6, $0x5;
	s6 =	smax.u32 s9, $0x1;
	s9 =	simm.s32 $0xC00  }
0x1c: {  	s10 =	simm.s32 $0x1400;
	s16 =	simm.s32 $0x4400;
	s22 =	simm.s32 $0x7400  }
0x1d: {  	s23 =	simm.s32 $0x7C00;
	s18 =	sadd.s32 s0, s17;
	[dreg:$0x10] =	wrdreg s4  }
0x1e: {  	s20 =	sadd.s32 s7, s19;
	[dreg:$0x11] =	wrdreg s24;
	s4 =	sadd.s32 s0, s25  }
0x1f: {  	s5 =	sadd.s32 s7, s26;
	s7 =	simm.s32 $0x2;
	s17 =	simm.s32 $0x4C00  }
0x20: {  	v2 =	vlaneseq.u32;
	s19 =	simm.s32 $0x5C00;
	s24 =	simm.s32 $0x1;
	s25 =	simm.s32 $0x80  }
0x21: {  	vm0 =	vmmov $0xffff;
	v1 =	vshrl.u32 v2, $0x3;
	s26 =	simm.s32 $0x100;
	s0 =	simm.s32 $0x380;
	[dreg:$0xe] =	wrdreg s18  }
0x22: {  	v0 =	vand.u32 $0x7, v2;
	v2 =	vor.u32 $0x8, v2;
	v1 =	vmul.u32 $0x8, v1;
	[dreg:$0xf] =	wrdreg s20;
	s18 =	simm.s32 $0x5400;
	s20 =	simm.s32 $0x6400  }
.LBB2_1:
0x23: {  	s2 =	rddreg [dreg:$0x4]  }
0x24: {  	[tilespmem:s3], [sflag:$0x2] =	stream.linear.gather [hbm4b:s2+s3], $0x80, $0x38;
	[tilespmem:$0x8400] =	vst v63  }
0x25: {  	_ =	swait.ge [sflag:s7], $0x80  }
0x26: {  	[sflag:s7] =	ssyncset.done $0x0  }
0x27: {  	[sflag:s7] =	ssyncadd.s32 $0xFFFFFF80  }
0x28: {  	v3 =	vld [tilespmem:$0x0];
	_ =	sdelay $0x4  }
0x29: {  	v4 =	vshll.u32 v3, $0x1  }
0x2a: {  	v3 =	vand.u32 $0x7, v3;
	v4 =	vand.u32 $0xFFFFFFF0, v4  }
0x2b: {  	v3 =	vor.u32 v3, v4  }
0x2c: {  	v4 =	vperm.xlane v3, v0;
	_ =	sdelay $0x1  }
0x2d: {  	v3 =	vperm.xlane v3, v2;
	v4 =	vadd.s32 v1, v4;
	_ =	sdelay $0x1  }
0x2e: {  	v3 =	vadd.s32 v1, v3;
	_ =	sdelay $0x2  }
0x2f: {  	[tilespmem:s8], [sflag:$0x1] =	stream.indirect_vreg.gather [hbm4b:s1+s3], $0x80, v4, vm0, $0xb8;
	[tilespmem:$0x8400] =	vst v63  }
0x30: {  	_ = 	snop  }
0x31: {  	[tilespmem:s9], [sflag:$0x1] =	stream.indirect_vreg.gather [hbm4b:s1+s3], $0x80, v3, vm0, $0xb8;
	[tilespmem:$0x8400] =	vst v63  }
0x32: {  	v3 =	vld [tilespmem:$0x10];
	_ =	sdelay $0x4  }
0x33: {  	v57 =	vshll.u32 v3, $0x1  }
0x34: {  	v3 =	vand.u32 $0x7, v3;
	v4 =	vand.u32 $0xFFFFFFF0, v57  }
0x35: {  	v3 =	vor.u32 v3, v4  }
0x36: {  	v4 =	vperm.xlane v3, v0;
	_ =	sdelay $0x1  }
0x37: {  	v3 =	vperm.xlane v3, v2;
	v4 =	vadd.s32 v1, v4;
	_ =	sdelay $0x1  }
0x38: {  	v3 =	vadd.s32 v1, v3;
	_ =	sdelay $0x2  }
0x39: {  	[tilespmem:s10], [sflag:$0x1] =	stream.indirect_vreg.gather [hbm4b:s1+s3], $0x80, v4, vm0, $0xb8;
	[tilespmem:$0x8400] =	vst v63  }
0x3a: {  	_ = 	snop  }
0x3b: {  	[tilespmem:s11], [sflag:$0x1] =	stream.indirect_vreg.gather [hbm4b:s1+s3], $0x80, v3, vm0, $0xb8;
	[tilespmem:$0x8400] =	vst v63  }
0x3c: {  	v3 =	vld [tilespmem:$0x20];
	_ =	sdelay $0x4  }
0x3d: {  	v58 =	vshll.u32 v3, $0x1  }
0x3e: {  	v3 =	vand.u32 $0x7, v3;
	v4 =	vand.u32 $0xFFFFFFF0, v58  }
0x3f: {  	v3 =	vor.u32 v3, v4  }
0x40: {  	v4 =	vperm.xlane v3, v0;
	_ =	sdelay $0x1  }
0x41: {  	v3 =	vperm.xlane v3, v2;
	v4 =	vadd.s32 v1, v4;
	_ =	sdelay $0x1  }
0x42: {  	v3 =	vadd.s32 v1, v3;
	_ =	sdelay $0x2  }
0x43: {  	[tilespmem:s12], [sflag:$0x1] =	stream.indirect_vreg.gather [hbm4b:s1+s3], $0x80, v4, vm0, $0xb8;
	[tilespmem:$0x8400] =	vst v63  }
0x44: {  	_ = 	snop  }
0x45: {  	[tilespmem:s13], [sflag:$0x1] =	stream.indirect_vreg.gather [hbm4b:s1+s3], $0x80, v3, vm0, $0xb8;
	[tilespmem:$0x8400] =	vst v63  }
0x46: {  	v3 =	vld [tilespmem:$0x30];
	_ =	sdelay $0x4  }
0x47: {  	v59 =	vshll.u32 v3, $0x1  }
0x48: {  	v3 =	vand.u32 $0x7, v3;
	v4 =	vand.u32 $0xFFFFFFF0, v59  }
0x49: {  	v3 =	vor.u32 v3, v4  }
0x4a: {  	v4 =	vperm.xlane v3, v0;
	_ =	sdelay $0x1  }
0x4b: {  	v3 =	vperm.xlane v3, v2;
	v4 =	vadd.s32 v1, v4;
	_ =	sdelay $0x1  }
0x4c: {  	v3 =	vadd.s32 v1, v3;
	_ =	sdelay $0x2  }
0x4d: {  	[tilespmem:s14], [sflag:$0x1] =	stream.indirect_vreg.gather [hbm4b:s1+s3], $0x80, v4, vm0, $0xb8;
	[tilespmem:$0x8400] =	vst v63  }
0x4e: {  	_ = 	snop  }
0x4f: {  	[tilespmem:s15], [sflag:$0x1] =	stream.indirect_vreg.gather [hbm4b:s1+s3], $0x80, v3, vm0, $0xb8;
	[tilespmem:$0x8400] =	vst v63  }
0x50: {  	v3 =	vld [tilespmem:$0x40];
	_ =	sdelay $0x4  }
0x51: {  	v60 =	vshll.u32 v3, $0x1  }
0x52: {  	v3 =	vand.u32 $0x7, v3;
	v4 =	vand.u32 $0xFFFFFFF0, v60  }
0x53: {  	v3 =	vor.u32 v3, v4  }
0x54: {  	v4 =	vperm.xlane v3, v0;
	_ =	sdelay $0x1  }
0x55: {  	v3 =	vperm.xlane v3, v2;
	v4 =	vadd.s32 v1, v4;
	_ =	sdelay $0x1  }
0x56: {  	v3 =	vadd.s32 v1, v3;
	_ =	sdelay $0x2  }
0x57: {  	[tilespmem:s16], [sflag:$0x1] =	stream.indirect_vreg.gather [hbm4b:s1+s3], $0x80, v4, vm0, $0xb8;
	[tilespmem:$0x8400] =	vst v63  }
0x58: {  	_ = 	snop  }
0x59: {  	[tilespmem:s17], [sflag:$0x1] =	stream.indirect_vreg.gather [hbm4b:s1+s3], $0x80, v3, vm0, $0xb8;
	[tilespmem:$0x8400] =	vst v63  }
0x5a: {  	v3 =	vld [tilespmem:$0x50];
	_ =	sdelay $0x4  }
0x5b: {  	v61 =	vshll.u32 v3, $0x1  }
0x5c: {  	v3 =	vand.u32 $0x7, v3;
	v4 =	vand.u32 $0xFFFFFFF0, v61  }
0x5d: {  	v3 =	vor.u32 v3, v4  }
0x5e: {  	v4 =	vperm.xlane v3, v0;
	_ =	sdelay $0x1  }
0x5f: {  	v3 =	vperm.xlane v3, v2;
	v4 =	vadd.s32 v1, v4;
	_ =	sdelay $0x1  }
0x60: {  	v3 =	vadd.s32 v1, v3;
	_ =	sdelay $0x2  }
0x61: {  	[tilespmem:s18], [sflag:$0x1] =	stream.indirect_vreg.gather [hbm4b:s1+s3], $0x80, v4, vm0, $0xb8;
	[tilespmem:$0x8400] =	vst v63  }
0x62: {  	_ = 	snop  }
0x63: {  	[tilespmem:s19], [sflag:$0x1] =	stream.indirect_vreg.gather [hbm4b:s1+s3], $0x80, v3, vm0, $0xb8;
	[tilespmem:$0x8400] =	vst v63  }
0x64: {  	v3 =	vld [tilespmem:$0x60];
	_ =	sdelay $0x4  }
0x65: {  	v62 =	vshll.u32 v3, $0x1  }
0x66: {  	v3 =	vand.u32 $0x7, v3;
	v4 =	vand.u32 $0xFFFFFFF0, v62  }
0x67: {  	v3 =	vor.u32 v3, v4  }
0x68: {  	v4 =	vperm.xlane v3, v0;
	_ =	sdelay $0x1  }
0x69: {  	v3 =	vperm.xlane v3, v2;
	v4 =	vadd.s32 v1, v4;
	_ =	sdelay $0x1  }
0x6a: {  	v3 =	vadd.s32 v1, v3;
	_ =	sdelay $0x2  }
0x6b: {  	[tilespmem:s20], [sflag:$0x1] =	stream.indirect_vreg.gather [hbm4b:s1+s3], $0x80, v4, vm0, $0xb8;
	[tilespmem:$0x8400] =	vst v63  }
0x6c: {  	_ = 	snop  }
0x6d: {  	[tilespmem:s21], [sflag:$0x1] =	stream.indirect_vreg.gather [hbm4b:s1+s3], $0x80, v3, vm0, $0xb8;
	[tilespmem:$0x8400] =	vst v63  }
0x6e: {  	v3 =	vld [tilespmem:$0x70];
	_ =	sdelay $0x4  }
0x6f: {  	v63 =	vshll.u32 v3, $0x1  }
0x70: {  	v3 =	vand.u32 $0x7, v3;
	v4 =	vand.u32 $0xFFFFFFF0, v63  }
0x71: {  	v3 =	vor.u32 v3, v4  }
0x72: {  	v4 =	vperm.xlane v3, v0;
	_ =	sdelay $0x1  }
0x73: {  	v3 =	vperm.xlane v3, v2;
	v4 =	vadd.s32 v1, v4;
	_ =	sdelay $0x1  }
0x74: {  	v3 =	vadd.s32 v1, v3;
	_ =	sdelay $0x2  }
0x75: {  	[tilespmem:s22], [sflag:$0x1] =	stream.indirect_vreg.gather [hbm4b:s1+s3], $0x80, v4, vm0, $0xb8;
	[tilespmem:$0x8400] =	vst v63  }
0x76: {  	_ = 	snop  }
0x77: {  	[tilespmem:s23], [sflag:$0x1] =	stream.indirect_vreg.gather [hbm4b:s1+s3], $0x80, v3, vm0, $0xb8;
	[tilespmem:$0x8400] =	vst v63  }
0x78: {  	_ =	swait.ge [sflag:s24], $0x8000  }
0x79: {  	[sflag:s24] =	ssyncset.done $0x0  }
0x7a: {  	s2 =	rddreg [dreg:$0x5];
	[sflag:s24] =	ssyncadd.s32 $0xFFFF8000  }
0x7b: {  	[hbm4b:s2+s3] =	stream.linear.scatter [tilespmem:s8], [sflag:$0x2], $0x8000, $0x38;
	[tilespmem:$0x8400] =	vst v63  }
0x7c: {  	_ =	swait.ge [sflag:s7], $0x8000  }
0x7d: {  	[sflag:s7] =	ssyncset.done $0x0  }
0x7e: {  	s2 =	rddreg [dreg:$0x6];
	[sflag:s7] =	ssyncadd.s32 $0xFFFF8000  }
0x7f: {  	[tilespmem:s25], [sflag:$0x2] =	stream.linear.gather [hbm4b:s2+s3], $0x80, $0x38;
	[tilespmem:$0x8400] =	vst v63  }
0x80: {  	_ =	swait.ge [sflag:s7], $0x80  }
0x81: {  	[sflag:s7] =	ssyncset.done $0x0  }
0x82: {  	[sflag:s7] =	ssyncadd.s32 $0xFFFFFF80  }
0x83: {  	v3 =	vld [tilespmem:$0x80];
	_ =	sdelay $0x4  }
0x84: {  	v8 =	vshll.u32 v3, $0x1  }
0x85: {  	v3 =	vand.u32 $0x7, v3;
	v4 =	vand.u32 $0xFFFFFFF0, v8  }
0x86: {  	v3 =	vor.u32 v3, v4  }
0x87: {  	v4 =	vperm.xlane v3, v0;
	_ =	sdelay $0x1  }
0x88: {  	v3 =	vperm.xlane v3, v2;
	v4 =	vadd.s32 v1, v4;
	_ =	sdelay $0x1  }
0x89: {  	v3 =	vadd.s32 v1, v3;
	_ =	sdelay $0x2  }
0x8a: {  	[tilespmem:s8], [sflag:$0x1] =	stream.indirect_vreg.gather [hbm4b:s1+s3], $0x80, v4, vm0, $0xb8;
	[tilespmem:$0x8400] =	vst v63  }
0x8b: {  	_ = 	snop  }
0x8c: {  	[tilespmem:s9], [sflag:$0x1] =	stream.indirect_vreg.gather [hbm4b:s1+s3], $0x80, v3, vm0, $0xb8;
	[tilespmem:$0x8400] =	vst v63  }
0x8d: {  	v3 =	vld [tilespmem:$0x90];
	_ =	sdelay $0x4  }
0x8e: {  	v9 =	vshll.u32 v3, $0x1  }
0x8f: {  	v3 =	vand.u32 $0x7, v3;
	v4 =	vand.u32 $0xFFFFFFF0, v9  }
0x90: {  	v3 =	vor.u32 v3, v4  }
0x91: {  	v4 =	vperm.xlane v3, v0;
	_ =	sdelay $0x1  }
0x92: {  	v3 =	vperm.xlane v3, v2;
	v4 =	vadd.s32 v1, v4;
	_ =	sdelay $0x1  }
0x93: {  	v3 =	vadd.s32 v1, v3;
	_ =	sdelay $0x2  }
0x94: {  	[tilespmem:s10], [sflag:$0x1] =	stream.indirect_vreg.gather [hbm4b:s1+s3], $0x80, v4, vm0, $0xb8;
	[tilespmem:$0x8400] =	vst v63  }
0x95: {  	_ = 	snop  }
0x96: {  	[tilespmem:s11], [sflag:$0x1] =	stream.indirect_vreg.gather [hbm4b:s1+s3], $0x80, v3, vm0, $0xb8;
	[tilespmem:$0x8400] =	vst v63  }
0x97: {  	v3 =	vld [tilespmem:$0xA0];
	_ =	sdelay $0x4  }
0x98: {  	v10 =	vshll.u32 v3, $0x1  }
0x99: {  	v3 =	vand.u32 $0x7, v3;
	v4 =	vand.u32 $0xFFFFFFF0, v10  }
0x9a: {  	v3 =	vor.u32 v3, v4  }
0x9b: {  	v4 =	vperm.xlane v3, v0;
	_ =	sdelay $0x1  }
0x9c: {  	v3 =	vperm.xlane v3, v2;
	v4 =	vadd.s32 v1, v4;
	_ =	sdelay $0x1  }
0x9d: {  	v3 =	vadd.s32 v1, v3;
	_ =	sdelay $0x2  }
0x9e: {  	[tilespmem:s12], [sflag:$0x1] =	stream.indirect_vreg.gather [hbm4b:s1+s3], $0x80, v4, vm0, $0xb8;
	[tilespmem:$0x8400] =	vst v63  }
0x9f: {  	_ = 	snop  }
0xa0: {  	[tilespmem:s13], [sflag:$0x1] =	stream.indirect_vreg.gather [hbm4b:s1+s3], $0x80, v3, vm0, $0xb8;
	[tilespmem:$0x8400] =	vst v63  }
0xa1: {  	v3 =	vld [tilespmem:$0xB0];
	_ =	sdelay $0x4  }
0xa2: {  	v11 =	vshll.u32 v3, $0x1  }
0xa3: {  	v3 =	vand.u32 $0x7, v3;
	v4 =	vand.u32 $0xFFFFFFF0, v11  }
0xa4: {  	v3 =	vor.u32 v3, v4  }
0xa5: {  	v4 =	vperm.xlane v3, v0;
	_ =	sdelay $0x1  }
0xa6: {  	v3 =	vperm.xlane v3, v2;
	v4 =	vadd.s32 v1, v4;
	_ =	sdelay $0x1  }
0xa7: {  	v3 =	vadd.s32 v1, v3;
	_ =	sdelay $0x2  }
0xa8: {  	[tilespmem:s14], [sflag:$0x1] =	stream.indirect_vreg.gather [hbm4b:s1+s3], $0x80, v4, vm0, $0xb8;
	[tilespmem:$0x8400] =	vst v63  }
0xa9: {  	_ = 	snop  }
0xaa: {  	[tilespmem:s15], [sflag:$0x1] =	stream.indirect_vreg.gather [hbm4b:s1+s3], $0x80, v3, vm0, $0xb8;
	[tilespmem:$0x8400] =	vst v63  }
0xab: {  	v3 =	vld [tilespmem:$0xC0];
	_ =	sdelay $0x4  }
0xac: {  	v12 =	vshll.u32 v3, $0x1  }
0xad: {  	v3 =	vand.u32 $0x7, v3;
	v4 =	vand.u32 $0xFFFFFFF0, v12  }
0xae: {  	v3 =	vor.u32 v3, v4  }
0xaf: {  	v4 =	vperm.xlane v3, v0;
	_ =	sdelay $0x1  }
0xb0: {  	v3 =	vperm.xlane v3, v2;
	v4 =	vadd.s32 v1, v4;
	_ =	sdelay $0x1  }
0xb1: {  	v3 =	vadd.s32 v1, v3;
	_ =	sdelay $0x2  }
0xb2: {  	[tilespmem:s16], [sflag:$0x1] =	stream.indirect_vreg.gather [hbm4b:s1+s3], $0x80, v4, vm0, $0xb8;
	[tilespmem:$0x8400] =	vst v63  }
0xb3: {  	_ = 	snop  }
0xb4: {  	[tilespmem:s17], [sflag:$0x1] =	stream.indirect_vreg.gather [hbm4b:s1+s3], $0x80, v3, vm0, $0xb8;
	[tilespmem:$0x8400] =	vst v63  }
0xb5: {  	v3 =	vld [tilespmem:$0xD0];
	_ =	sdelay $0x4  }
0xb6: {  	v13 =	vshll.u32 v3, $0x1  }
0xb7: {  	v3 =	vand.u32 $0x7, v3;
	v4 =	vand.u32 $0xFFFFFFF0, v13  }
0xb8: {  	v3 =	vor.u32 v3, v4  }
0xb9: {  	v4 =	vperm.xlane v3, v0;
	_ =	sdelay $0x1  }
0xba: {  	v3 =	vperm.xlane v3, v2;
	v4 =	vadd.s32 v1, v4;
	_ =	sdelay $0x1  }
0xbb: {  	v3 =	vadd.s32 v1, v3;
	_ =	sdelay $0x2  }
0xbc: {  	[tilespmem:s18], [sflag:$0x1] =	stream.indirect_vreg.gather [hbm4b:s1+s3], $0x80, v4, vm0, $0xb8;
	[tilespmem:$0x8400] =	vst v63  }
0xbd: {  	_ = 	snop  }
0xbe: {  	[tilespmem:s19], [sflag:$0x1] =	stream.indirect_vreg.gather [hbm4b:s1+s3], $0x80, v3, vm0, $0xb8;
	[tilespmem:$0x8400] =	vst v63  }
0xbf: {  	v3 =	vld [tilespmem:$0xE0];
	_ =	sdelay $0x4  }
0xc0: {  	v14 =	vshll.u32 v3, $0x1  }
0xc1: {  	v3 =	vand.u32 $0x7, v3;
	v4 =	vand.u32 $0xFFFFFFF0, v14  }
0xc2: {  	v3 =	vor.u32 v3, v4  }
0xc3: {  	v4 =	vperm.xlane v3, v0;
	_ =	sdelay $0x1  }
0xc4: {  	v3 =	vperm.xlane v3, v2;
	v4 =	vadd.s32 v1, v4;
	_ =	sdelay $0x1  }
0xc5: {  	v3 =	vadd.s32 v1, v3;
	_ =	sdelay $0x2  }
0xc6: {  	[tilespmem:s20], [sflag:$0x1] =	stream.indirect_vreg.gather [hbm4b:s1+s3], $0x80, v4, vm0, $0xb8;
	[tilespmem:$0x8400] =	vst v63  }
0xc7: {  	_ = 	snop  }
0xc8: {  	[tilespmem:s21], [sflag:$0x1] =	stream.indirect_vreg.gather [hbm4b:s1+s3], $0x80, v3, vm0, $0xb8;
	[tilespmem:$0x8400] =	vst v63  }
0xc9: {  	v3 =	vld [tilespmem:$0xF0];
	_ =	sdelay $0x4  }
0xca: {  	v15 =	vshll.u32 v3, $0x1  }
0xcb: {  	v3 =	vand.u32 $0x7, v3;
	v4 =	vand.u32 $0xFFFFFFF0, v15  }
0xcc: {  	v3 =	vor.u32 v3, v4  }
0xcd: {  	v4 =	vperm.xlane v3, v0;
	_ =	sdelay $0x1  }
0xce: {  	v3 =	vperm.xlane v3, v2;
	v4 =	vadd.s32 v1, v4;
	_ =	sdelay $0x1  }
0xcf: {  	v3 =	vadd.s32 v1, v3;
	_ =	sdelay $0x2  }
0xd0: {  	[tilespmem:s22], [sflag:$0x1] =	stream.indirect_vreg.gather [hbm4b:s1+s3], $0x80, v4, vm0, $0xb8;
	[tilespmem:$0x8400] =	vst v63  }
0xd1: {  	_ = 	snop  }
0xd2: {  	[tilespmem:s23], [sflag:$0x1] =	stream.indirect_vreg.gather [hbm4b:s1+s3], $0x80, v3, vm0, $0xb8;
	[tilespmem:$0x8400] =	vst v63  }
0xd3: {  	_ =	swait.ge [sflag:s24], $0x8000  }
0xd4: {  	[sflag:s24] =	ssyncset.done $0x0  }
0xd5: {  	s2 =	rddreg [dreg:$0x7];
	[sflag:s24] =	ssyncadd.s32 $0xFFFF8000  }
0xd6: {  	[hbm4b:s2+s3] =	stream.linear.scatter [tilespmem:s8], [sflag:$0x2], $0x8000, $0x38;
	[tilespmem:$0x8400] =	vst v63  }
0xd7: {  	_ =	swait.ge [sflag:s7], $0x8000  }
0xd8: {  	[sflag:s7] =	ssyncset.done $0x0  }
0xd9: {  	s2 =	rddreg [dreg:$0x8];
	[sflag:s7] =	ssyncadd.s32 $0xFFFF8000  }
0xda: {  	[tilespmem:s26], [sflag:$0x2] =	stream.linear.gather [hbm4b:s2+s3], $0x80, $0x38;
	[tilespmem:$0x8400] =	vst v63  }
0xdb: {  	_ =	swait.ge [sflag:s7], $0x80  }
0xdc: {  	[sflag:s7] =	ssyncset.done $0x0  }
0xdd: {  	[sflag:s7] =	ssyncadd.s32 $0xFFFFFF80  }
0xde: {  	v3 =	vld [tilespmem:$0x100];
	_ =	sdelay $0x4  }
0xdf: {  	v16 =	vshll.u32 v3, $0x1  }
0xe0: {  	v3 =	vand.u32 $0x7, v3;
	v4 =	vand.u32 $0xFFFFFFF0, v16  }
0xe1: {  	v3 =	vor.u32 v3, v4  }
0xe2: {  	v4 =	vperm.xlane v3, v0;
	_ =	sdelay $0x1  }
0xe3: {  	v3 =	vperm.xlane v3, v2;
	v4 =	vadd.s32 v1, v4;
	_ =	sdelay $0x1  }
0xe4: {  	v3 =	vadd.s32 v1, v3;
	_ =	sdelay $0x2  }
0xe5: {  	[tilespmem:s8], [sflag:$0x1] =	stream.indirect_vreg.gather [hbm4b:s1+s3], $0x80, v4, vm0, $0xb8;
	[tilespmem:$0x8400] =	vst v63  }
0xe6: {  	_ = 	snop  }
0xe7: {  	[tilespmem:s9], [sflag:$0x1] =	stream.indirect_vreg.gather [hbm4b:s1+s3], $0x80, v3, vm0, $0xb8;
	[tilespmem:$0x8400] =	vst v63  }
0xe8: {  	v3 =	vld [tilespmem:$0x110];
	_ =	sdelay $0x4  }
0xe9: {  	v17 =	vshll.u32 v3, $0x1  }
0xea: {  	v3 =	vand.u32 $0x7, v3;
	v4 =	vand.u32 $0xFFFFFFF0, v17  }
0xeb: {  	v3 =	vor.u32 v3, v4  }
0xec: {  	v4 =	vperm.xlane v3, v0;
	_ =	sdelay $0x1  }
0xed: {  	v3 =	vperm.xlane v3, v2;
	v4 =	vadd.s32 v1, v4;
	_ =	sdelay $0x1  }
0xee: {  	v3 =	vadd.s32 v1, v3;
	_ =	sdelay $0x2  }
0xef: {  	[tilespmem:s10], [sflag:$0x1] =	stream.indirect_vreg.gather [hbm4b:s1+s3], $0x80, v4, vm0, $0xb8;
	[tilespmem:$0x8400] =	vst v63  }
0xf0: {  	_ = 	snop  }
0xf1: {  	[tilespmem:s11], [sflag:$0x1] =	stream.indirect_vreg.gather [hbm4b:s1+s3], $0x80, v3, vm0, $0xb8;
	[tilespmem:$0x8400] =	vst v63  }
0xf2: {  	v3 =	vld [tilespmem:$0x120];
	_ =	sdelay $0x4  }
0xf3: {  	v18 =	vshll.u32 v3, $0x1  }
0xf4: {  	v3 =	vand.u32 $0x7, v3;
	v4 =	vand.u32 $0xFFFFFFF0, v18  }
0xf5: {  	v3 =	vor.u32 v3, v4  }
0xf6: {  	v4 =	vperm.xlane v3, v0;
	_ =	sdelay $0x1  }
0xf7: {  	v3 =	vperm.xlane v3, v2;
	v4 =	vadd.s32 v1, v4;
	_ =	sdelay $0x1  }
0xf8: {  	v3 =	vadd.s32 v1, v3;
	_ =	sdelay $0x2  }
0xf9: {  	[tilespmem:s12], [sflag:$0x1] =	stream.indirect_vreg.gather [hbm4b:s1+s3], $0x80, v4, vm0, $0xb8;
	[tilespmem:$0x8400] =	vst v63  }
0xfa: {  	_ = 	snop  }
0xfb: {  	[tilespmem:s13], [sflag:$0x1] =	stream.indirect_vreg.gather [hbm4b:s1+s3], $0x80, v3, vm0, $0xb8;
	[tilespmem:$0x8400] =	vst v63  }
0xfc: {  	v3 =	vld [tilespmem:$0x130];
	_ =	sdelay $0x4  }
0xfd: {  	v19 =	vshll.u32 v3, $0x1  }
0xfe: {  	v3 =	vand.u32 $0x7, v3;
	v4 =	vand.u32 $0xFFFFFFF0, v19  }
0xff: {  	v3 =	vor.u32 v3, v4  }
0x100: {  	v4 =	vperm.xlane v3, v0;
	_ =	sdelay $0x1  }
0x101: {  	v3 =	vperm.xlane v3, v2;
	v4 =	vadd.s32 v1, v4;
	_ =	sdelay $0x1  }
0x102: {  	v3 =	vadd.s32 v1, v3;
	_ =	sdelay $0x2  }
0x103: {  	[tilespmem:s14], [sflag:$0x1] =	stream.indirect_vreg.gather [hbm4b:s1+s3], $0x80, v4, vm0, $0xb8;
	[tilespmem:$0x8400] =	vst v63  }
0x104: {  	_ = 	snop  }
0x105: {  	[tilespmem:s15], [sflag:$0x1] =	stream.indirect_vreg.gather [hbm4b:s1+s3], $0x80, v3, vm0, $0xb8;
	[tilespmem:$0x8400] =	vst v63  }
0x106: {  	v3 =	vld [tilespmem:$0x140];
	_ =	sdelay $0x4  }
0x107: {  	v20 =	vshll.u32 v3, $0x1  }
0x108: {  	v3 =	vand.u32 $0x7, v3;
	v4 =	vand.u32 $0xFFFFFFF0, v20  }
0x109: {  	v3 =	vor.u32 v3, v4  }
0x10a: {  	v4 =	vperm.xlane v3, v0;
	_ =	sdelay $0x1  }
0x10b: {  	v3 =	vperm.xlane v3, v2;
	v4 =	vadd.s32 v1, v4;
	_ =	sdelay $0x1  }
0x10c: {  	v3 =	vadd.s32 v1, v3;
	_ =	sdelay $0x2  }
0x10d: {  	[tilespmem:s16], [sflag:$0x1] =	stream.indirect_vreg.gather [hbm4b:s1+s3], $0x80, v4, vm0, $0xb8;
	[tilespmem:$0x8400] =	vst v63  }
0x10e: {  	_ = 	snop  }
0x10f: {  	[tilespmem:s17], [sflag:$0x1] =	stream.indirect_vreg.gather [hbm4b:s1+s3], $0x80, v3, vm0, $0xb8;
	[tilespmem:$0x8400] =	vst v63  }
0x110: {  	v3 =	vld [tilespmem:$0x150];
	_ =	sdelay $0x4  }
0x111: {  	v21 =	vshll.u32 v3, $0x1  }
0x112: {  	v3 =	vand.u32 $0x7, v3;
	v4 =	vand.u32 $0xFFFFFFF0, v21  }
0x113: {  	v3 =	vor.u32 v3, v4  }
0x114: {  	v4 =	vperm.xlane v3, v0;
	_ =	sdelay $0x1  }
0x115: {  	v3 =	vperm.xlane v3, v2;
	v4 =	vadd.s32 v1, v4;
	_ =	sdelay $0x1  }
0x116: {  	v3 =	vadd.s32 v1, v3;
	_ =	sdelay $0x2  }
0x117: {  	[tilespmem:s18], [sflag:$0x1] =	stream.indirect_vreg.gather [hbm4b:s1+s3], $0x80, v4, vm0, $0xb8;
	[tilespmem:$0x8400] =	vst v63  }
0x118: {  	_ = 	snop  }
0x119: {  	[tilespmem:s19], [sflag:$0x1] =	stream.indirect_vreg.gather [hbm4b:s1+s3], $0x80, v3, vm0, $0xb8;
	[tilespmem:$0x8400] =	vst v63  }
0x11a: {  	v3 =	vld [tilespmem:$0x160];
	_ =	sdelay $0x4  }
0x11b: {  	v22 =	vshll.u32 v3, $0x1  }
0x11c: {  	v3 =	vand.u32 $0x7, v3;
	v4 =	vand.u32 $0xFFFFFFF0, v22  }
0x11d: {  	v3 =	vor.u32 v3, v4  }
0x11e: {  	v4 =	vperm.xlane v3, v0;
	_ =	sdelay $0x1  }
0x11f: {  	v3 =	vperm.xlane v3, v2;
	v4 =	vadd.s32 v1, v4;
	_ =	sdelay $0x1  }
0x120: {  	v3 =	vadd.s32 v1, v3;
	_ =	sdelay $0x2  }
0x121: {  	[tilespmem:s20], [sflag:$0x1] =	stream.indirect_vreg.gather [hbm4b:s1+s3], $0x80, v4, vm0, $0xb8;
	[tilespmem:$0x8400] =	vst v63  }
0x122: {  	_ = 	snop  }
0x123: {  	[tilespmem:s21], [sflag:$0x1] =	stream.indirect_vreg.gather [hbm4b:s1+s3], $0x80, v3, vm0, $0xb8;
	[tilespmem:$0x8400] =	vst v63  }
0x124: {  	v3 =	vld [tilespmem:$0x170];
	_ =	sdelay $0x4  }
0x125: {  	v23 =	vshll.u32 v3, $0x1  }
0x126: {  	v3 =	vand.u32 $0x7, v3;
	v4 =	vand.u32 $0xFFFFFFF0, v23  }
0x127: {  	v3 =	vor.u32 v3, v4  }
0x128: {  	v4 =	vperm.xlane v3, v0;
	_ =	sdelay $0x1  }
0x129: {  	v3 =	vperm.xlane v3, v2;
	v4 =	vadd.s32 v1, v4;
	_ =	sdelay $0x1  }
0x12a: {  	v3 =	vadd.s32 v1, v3;
	_ =	sdelay $0x2  }
0x12b: {  	[tilespmem:s22], [sflag:$0x1] =	stream.indirect_vreg.gather [hbm4b:s1+s3], $0x80, v4, vm0, $0xb8;
	[tilespmem:$0x8400] =	vst v63  }
0x12c: {  	_ = 	snop  }
0x12d: {  	[tilespmem:s23], [sflag:$0x1] =	stream.indirect_vreg.gather [hbm4b:s1+s3], $0x80, v3, vm0, $0xb8;
	[tilespmem:$0x8400] =	vst v63  }
0x12e: {  	_ =	swait.ge [sflag:s24], $0x8000  }
0x12f: {  	[sflag:s24] =	ssyncset.done $0x0  }
0x130: {  	s2 =	rddreg [dreg:$0x9];
	[sflag:s24] =	ssyncadd.s32 $0xFFFF8000  }
0x131: {  	[hbm4b:s2+s3] =	stream.linear.scatter [tilespmem:s8], [sflag:$0x2], $0x8000, $0x38;
	[tilespmem:$0x8400] =	vst v63  }
0x132: {  	_ =	swait.ge [sflag:s7], $0x8000  }
0x133: {  	[sflag:s7] =	ssyncset.done $0x0  }
0x134: {  	s2 =	rddreg [dreg:$0xa];
	[sflag:s7] =	ssyncadd.s32 $0xFFFF8000  }
0x135: {  	[tilespmem:s28], [sflag:$0x2] =	stream.linear.gather [hbm4b:s2+s3], $0x80, $0x38;
	[tilespmem:$0x8400] =	vst v63  }
0x136: {  	_ =	swait.ge [sflag:s7], $0x80  }
0x137: {  	[sflag:s7] =	ssyncset.done $0x0  }
0x138: {  	[sflag:s7] =	ssyncadd.s32 $0xFFFFFF80  }
0x139: {  	v3 =	vld [tilespmem:$0x180];
	_ =	sdelay $0x4  }
0x13a: {  	v24 =	vshll.u32 v3, $0x1  }
0x13b: {  	v3 =	vand.u32 $0x7, v3;
	v4 =	vand.u32 $0xFFFFFFF0, v24  }
0x13c: {  	v3 =	vor.u32 v3, v4  }
0x13d: {  	v4 =	vperm.xlane v3, v0;
	_ =	sdelay $0x1  }
0x13e: {  	v3 =	vperm.xlane v3, v2;
	v4 =	vadd.s32 v1, v4;
	_ =	sdelay $0x1  }
0x13f: {  	v3 =	vadd.s32 v1, v3;
	_ =	sdelay $0x2  }
0x140: {  	[tilespmem:s8], [sflag:$0x1] =	stream.indirect_vreg.gather [hbm4b:s1+s3], $0x80, v4, vm0, $0xb8;
	[tilespmem:$0x8400] =	vst v63  }
0x141: {  	_ = 	snop  }
0x142: {  	[tilespmem:s9], [sflag:$0x1] =	stream.indirect_vreg.gather [hbm4b:s1+s3], $0x80, v3, vm0, $0xb8;
	[tilespmem:$0x8400] =	vst v63  }
0x143: {  	v3 =	vld [tilespmem:$0x190];
	_ =	sdelay $0x4  }
0x144: {  	v25 =	vshll.u32 v3, $0x1  }
0x145: {  	v3 =	vand.u32 $0x7, v3;
	v4 =	vand.u32 $0xFFFFFFF0, v25  }
0x146: {  	v3 =	vor.u32 v3, v4  }
0x147: {  	v4 =	vperm.xlane v3, v0;
	_ =	sdelay $0x1  }
0x148: {  	v3 =	vperm.xlane v3, v2;
	v4 =	vadd.s32 v1, v4;
	_ =	sdelay $0x1  }
0x149: {  	v3 =	vadd.s32 v1, v3;
	_ =	sdelay $0x2  }
0x14a: {  	[tilespmem:s10], [sflag:$0x1] =	stream.indirect_vreg.gather [hbm4b:s1+s3], $0x80, v4, vm0, $0xb8;
	[tilespmem:$0x8400] =	vst v63  }
0x14b: {  	_ = 	snop  }
0x14c: {  	[tilespmem:s11], [sflag:$0x1] =	stream.indirect_vreg.gather [hbm4b:s1+s3], $0x80, v3, vm0, $0xb8;
	[tilespmem:$0x8400] =	vst v63  }
0x14d: {  	v3 =	vld [tilespmem:$0x1A0];
	_ =	sdelay $0x4  }
0x14e: {  	v26 =	vshll.u32 v3, $0x1  }
0x14f: {  	v3 =	vand.u32 $0x7, v3;
	v4 =	vand.u32 $0xFFFFFFF0, v26  }
0x150: {  	v3 =	vor.u32 v3, v4  }
0x151: {  	v4 =	vperm.xlane v3, v0;
	_ =	sdelay $0x1  }
0x152: {  	v3 =	vperm.xlane v3, v2;
	v4 =	vadd.s32 v1, v4;
	_ =	sdelay $0x1  }
0x153: {  	v3 =	vadd.s32 v1, v3;
	_ =	sdelay $0x2  }
0x154: {  	[tilespmem:s12], [sflag:$0x1] =	stream.indirect_vreg.gather [hbm4b:s1+s3], $0x80, v4, vm0, $0xb8;
	[tilespmem:$0x8400] =	vst v63  }
0x155: {  	_ = 	snop  }
0x156: {  	[tilespmem:s13], [sflag:$0x1] =	stream.indirect_vreg.gather [hbm4b:s1+s3], $0x80, v3, vm0, $0xb8;
	[tilespmem:$0x8400] =	vst v63  }
0x157: {  	v3 =	vld [tilespmem:$0x1B0];
	_ =	sdelay $0x4  }
0x158: {  	v27 =	vshll.u32 v3, $0x1  }
0x159: {  	v3 =	vand.u32 $0x7, v3;
	v4 =	vand.u32 $0xFFFFFFF0, v27  }
0x15a: {  	v3 =	vor.u32 v3, v4  }
0x15b: {  	v4 =	vperm.xlane v3, v0;
	_ =	sdelay $0x1  }
0x15c: {  	v3 =	vperm.xlane v3, v2;
	v4 =	vadd.s32 v1, v4;
	_ =	sdelay $0x1  }
0x15d: {  	v3 =	vadd.s32 v1, v3;
	_ =	sdelay $0x2  }
0x15e: {  	[tilespmem:s14], [sflag:$0x1] =	stream.indirect_vreg.gather [hbm4b:s1+s3], $0x80, v4, vm0, $0xb8;
	[tilespmem:$0x8400] =	vst v63  }
0x15f: {  	_ = 	snop  }
0x160: {  	[tilespmem:s15], [sflag:$0x1] =	stream.indirect_vreg.gather [hbm4b:s1+s3], $0x80, v3, vm0, $0xb8;
	[tilespmem:$0x8400] =	vst v63  }
0x161: {  	v3 =	vld [tilespmem:$0x1C0];
	_ =	sdelay $0x4  }
0x162: {  	v28 =	vshll.u32 v3, $0x1  }
0x163: {  	v3 =	vand.u32 $0x7, v3;
	v4 =	vand.u32 $0xFFFFFFF0, v28  }
0x164: {  	v3 =	vor.u32 v3, v4  }
0x165: {  	v4 =	vperm.xlane v3, v0;
	_ =	sdelay $0x1  }
0x166: {  	v3 =	vperm.xlane v3, v2;
	v4 =	vadd.s32 v1, v4;
	_ =	sdelay $0x1  }
0x167: {  	v3 =	vadd.s32 v1, v3;
	_ =	sdelay $0x2  }
0x168: {  	[tilespmem:s16], [sflag:$0x1] =	stream.indirect_vreg.gather [hbm4b:s1+s3], $0x80, v4, vm0, $0xb8;
	[tilespmem:$0x8400] =	vst v63  }
0x169: {  	_ = 	snop  }
0x16a: {  	[tilespmem:s17], [sflag:$0x1] =	stream.indirect_vreg.gather [hbm4b:s1+s3], $0x80, v3, vm0, $0xb8;
	[tilespmem:$0x8400] =	vst v63  }
0x16b: {  	v3 =	vld [tilespmem:$0x1D0];
	_ =	sdelay $0x4  }
0x16c: {  	v29 =	vshll.u32 v3, $0x1  }
0x16d: {  	v3 =	vand.u32 $0x7, v3;
	v4 =	vand.u32 $0xFFFFFFF0, v29  }
0x16e: {  	v3 =	vor.u32 v3, v4  }
0x16f: {  	v4 =	vperm.xlane v3, v0;
	_ =	sdelay $0x1  }
0x170: {  	v3 =	vperm.xlane v3, v2;
	v4 =	vadd.s32 v1, v4;
	_ =	sdelay $0x1  }
0x171: {  	v3 =	vadd.s32 v1, v3;
	_ =	sdelay $0x2  }
0x172: {  	[tilespmem:s18], [sflag:$0x1] =	stream.indirect_vreg.gather [hbm4b:s1+s3], $0x80, v4, vm0, $0xb8;
	[tilespmem:$0x8400] =	vst v63  }
0x173: {  	_ = 	snop  }
0x174: {  	[tilespmem:s19], [sflag:$0x1] =	stream.indirect_vreg.gather [hbm4b:s1+s3], $0x80, v3, vm0, $0xb8;
	[tilespmem:$0x8400] =	vst v63  }
0x175: {  	v3 =	vld [tilespmem:$0x1E0];
	_ =	sdelay $0x4  }
0x176: {  	v30 =	vshll.u32 v3, $0x1  }
0x177: {  	v3 =	vand.u32 $0x7, v3;
	v4 =	vand.u32 $0xFFFFFFF0, v30  }
0x178: {  	v3 =	vor.u32 v3, v4  }
0x179: {  	v4 =	vperm.xlane v3, v0;
	_ =	sdelay $0x1  }
0x17a: {  	v3 =	vperm.xlane v3, v2;
	v4 =	vadd.s32 v1, v4;
	_ =	sdelay $0x1  }
0x17b: {  	v3 =	vadd.s32 v1, v3;
	_ =	sdelay $0x2  }
0x17c: {  	[tilespmem:s20], [sflag:$0x1] =	stream.indirect_vreg.gather [hbm4b:s1+s3], $0x80, v4, vm0, $0xb8;
	[tilespmem:$0x8400] =	vst v63  }
0x17d: {  	_ = 	snop  }
0x17e: {  	[tilespmem:s21], [sflag:$0x1] =	stream.indirect_vreg.gather [hbm4b:s1+s3], $0x80, v3, vm0, $0xb8;
	[tilespmem:$0x8400] =	vst v63  }
0x17f: {  	v3 =	vld [tilespmem:$0x1F0];
	_ =	sdelay $0x4  }
0x180: {  	v31 =	vshll.u32 v3, $0x1  }
0x181: {  	v3 =	vand.u32 $0x7, v3;
	v4 =	vand.u32 $0xFFFFFFF0, v31  }
0x182: {  	v3 =	vor.u32 v3, v4  }
0x183: {  	v4 =	vperm.xlane v3, v0;
	_ =	sdelay $0x1  }
0x184: {  	v3 =	vperm.xlane v3, v2;
	v4 =	vadd.s32 v1, v4;
	_ =	sdelay $0x1  }
0x185: {  	v3 =	vadd.s32 v1, v3;
	_ =	sdelay $0x2  }
0x186: {  	[tilespmem:s22], [sflag:$0x1] =	stream.indirect_vreg.gather [hbm4b:s1+s3], $0x80, v4, vm0, $0xb8;
	[tilespmem:$0x8400] =	vst v63  }
0x187: {  	_ = 	snop  }
0x188: {  	[tilespmem:s23], [sflag:$0x1] =	stream.indirect_vreg.gather [hbm4b:s1+s3], $0x80, v3, vm0, $0xb8;
	[tilespmem:$0x8400] =	vst v63  }
0x189: {  	_ =	swait.ge [sflag:s24], $0x8000  }
0x18a: {  	[sflag:s24] =	ssyncset.done $0x0  }
0x18b: {  	s2 =	rddreg [dreg:$0xb];
	[sflag:s24] =	ssyncadd.s32 $0xFFFF8000  }
0x18c: {  	[hbm4b:s2+s3] =	stream.linear.scatter [tilespmem:s8], [sflag:$0x2], $0x8000, $0x38;
	[tilespmem:$0x8400] =	vst v63  }
0x18d: {  	_ =	swait.ge [sflag:s7], $0x8000  }
0x18e: {  	[sflag:s7] =	ssyncset.done $0x0  }
0x18f: {  	s2 =	rddreg [dreg:$0xc];
	[sflag:s7] =	ssyncadd.s32 $0xFFFF8000  }
0x190: {  	[tilespmem:s29], [sflag:$0x2] =	stream.linear.gather [hbm4b:s2+s3], $0x80, $0x38;
	[tilespmem:$0x8400] =	vst v63  }
0x191: {  	_ =	swait.ge [sflag:s7], $0x80  }
0x192: {  	[sflag:s7] =	ssyncset.done $0x0  }
0x193: {  	[sflag:s7] =	ssyncadd.s32 $0xFFFFFF80  }
0x194: {  	v3 =	vld [tilespmem:$0x200];
	_ =	sdelay $0x4  }
0x195: {  	v32 =	vshll.u32 v3, $0x1  }
0x196: {  	v3 =	vand.u32 $0x7, v3;
	v4 =	vand.u32 $0xFFFFFFF0, v32  }
0x197: {  	v3 =	vor.u32 v3, v4  }
0x198: {  	v4 =	vperm.xlane v3, v0;
	_ =	sdelay $0x1  }
0x199: {  	v3 =	vperm.xlane v3, v2;
	v4 =	vadd.s32 v1, v4;
	_ =	sdelay $0x1  }
0x19a: {  	v3 =	vadd.s32 v1, v3;
	_ =	sdelay $0x2  }
0x19b: {  	[tilespmem:s8], [sflag:$0x1] =	stream.indirect_vreg.gather [hbm4b:s1+s3], $0x80, v4, vm0, $0xb8;
	[tilespmem:$0x8400] =	vst v63  }
0x19c: {  	_ = 	snop  }
0x19d: {  	[tilespmem:s9], [sflag:$0x1] =	stream.indirect_vreg.gather [hbm4b:s1+s3], $0x80, v3, vm0, $0xb8;
	[tilespmem:$0x8400] =	vst v63  }
0x19e: {  	v3 =	vld [tilespmem:$0x210];
	_ =	sdelay $0x4  }
0x19f: {  	v33 =	vshll.u32 v3, $0x1  }
0x1a0: {  	v3 =	vand.u32 $0x7, v3;
	v4 =	vand.u32 $0xFFFFFFF0, v33  }
0x1a1: {  	v3 =	vor.u32 v3, v4  }
0x1a2: {  	v4 =	vperm.xlane v3, v0;
	_ =	sdelay $0x1  }
0x1a3: {  	v3 =	vperm.xlane v3, v2;
	v4 =	vadd.s32 v1, v4;
	_ =	sdelay $0x1  }
0x1a4: {  	v3 =	vadd.s32 v1, v3;
	_ =	sdelay $0x2  }
0x1a5: {  	[tilespmem:s10], [sflag:$0x1] =	stream.indirect_vreg.gather [hbm4b:s1+s3], $0x80, v4, vm0, $0xb8;
	[tilespmem:$0x8400] =	vst v63  }
0x1a6: {  	_ = 	snop  }
0x1a7: {  	[tilespmem:s11], [sflag:$0x1] =	stream.indirect_vreg.gather [hbm4b:s1+s3], $0x80, v3, vm0, $0xb8;
	[tilespmem:$0x8400] =	vst v63  }
0x1a8: {  	v3 =	vld [tilespmem:$0x220];
	_ =	sdelay $0x4  }
0x1a9: {  	v34 =	vshll.u32 v3, $0x1  }
0x1aa: {  	v3 =	vand.u32 $0x7, v3;
	v4 =	vand.u32 $0xFFFFFFF0, v34  }
0x1ab: {  	v3 =	vor.u32 v3, v4  }
0x1ac: {  	v4 =	vperm.xlane v3, v0;
	_ =	sdelay $0x1  }
0x1ad: {  	v3 =	vperm.xlane v3, v2;
	v4 =	vadd.s32 v1, v4;
	_ =	sdelay $0x1  }
0x1ae: {  	v3 =	vadd.s32 v1, v3;
	_ =	sdelay $0x2  }
0x1af: {  	[tilespmem:s12], [sflag:$0x1] =	stream.indirect_vreg.gather [hbm4b:s1+s3], $0x80, v4, vm0, $0xb8;
	[tilespmem:$0x8400] =	vst v63  }
0x1b0: {  	_ = 	snop  }
0x1b1: {  	[tilespmem:s13], [sflag:$0x1] =	stream.indirect_vreg.gather [hbm4b:s1+s3], $0x80, v3, vm0, $0xb8;
	[tilespmem:$0x8400] =	vst v63  }
0x1b2: {  	v3 =	vld [tilespmem:$0x230];
	_ =	sdelay $0x4  }
0x1b3: {  	v35 =	vshll.u32 v3, $0x1  }
0x1b4: {  	v3 =	vand.u32 $0x7, v3;
	v4 =	vand.u32 $0xFFFFFFF0, v35  }
0x1b5: {  	v3 =	vor.u32 v3, v4  }
0x1b6: {  	v4 =	vperm.xlane v3, v0;
	_ =	sdelay $0x1  }
0x1b7: {  	v3 =	vperm.xlane v3, v2;
	v4 =	vadd.s32 v1, v4;
	_ =	sdelay $0x1  }
0x1b8: {  	v3 =	vadd.s32 v1, v3;
	_ =	sdelay $0x2  }
0x1b9: {  	[tilespmem:s14], [sflag:$0x1] =	stream.indirect_vreg.gather [hbm4b:s1+s3], $0x80, v4, vm0, $0xb8;
	[tilespmem:$0x8400] =	vst v63  }
0x1ba: {  	_ = 	snop  }
0x1bb: {  	[tilespmem:s15], [sflag:$0x1] =	stream.indirect_vreg.gather [hbm4b:s1+s3], $0x80, v3, vm0, $0xb8;
	[tilespmem:$0x8400] =	vst v63  }
0x1bc: {  	v3 =	vld [tilespmem:$0x240];
	_ =	sdelay $0x4  }
0x1bd: {  	v36 =	vshll.u32 v3, $0x1  }
0x1be: {  	v3 =	vand.u32 $0x7, v3;
	v4 =	vand.u32 $0xFFFFFFF0, v36  }
0x1bf: {  	v3 =	vor.u32 v3, v4  }
0x1c0: {  	v4 =	vperm.xlane v3, v0;
	_ =	sdelay $0x1  }
0x1c1: {  	v3 =	vperm.xlane v3, v2;
	v4 =	vadd.s32 v1, v4;
	_ =	sdelay $0x1  }
0x1c2: {  	v3 =	vadd.s32 v1, v3;
	_ =	sdelay $0x2  }
0x1c3: {  	[tilespmem:s16], [sflag:$0x1] =	stream.indirect_vreg.gather [hbm4b:s1+s3], $0x80, v4, vm0, $0xb8;
	[tilespmem:$0x8400] =	vst v63  }
0x1c4: {  	_ = 	snop  }
0x1c5: {  	[tilespmem:s17], [sflag:$0x1] =	stream.indirect_vreg.gather [hbm4b:s1+s3], $0x80, v3, vm0, $0xb8;
	[tilespmem:$0x8400] =	vst v63  }
0x1c6: {  	v3 =	vld [tilespmem:$0x250];
	_ =	sdelay $0x4  }
0x1c7: {  	v37 =	vshll.u32 v3, $0x1  }
0x1c8: {  	v3 =	vand.u32 $0x7, v3;
	v4 =	vand.u32 $0xFFFFFFF0, v37  }
0x1c9: {  	v3 =	vor.u32 v3, v4  }
0x1ca: {  	v4 =	vperm.xlane v3, v0;
	_ =	sdelay $0x1  }
0x1cb: {  	v3 =	vperm.xlane v3, v2;
	v4 =	vadd.s32 v1, v4;
	_ =	sdelay $0x1  }
0x1cc: {  	v3 =	vadd.s32 v1, v3;
	_ =	sdelay $0x2  }
0x1cd: {  	[tilespmem:s18], [sflag:$0x1] =	stream.indirect_vreg.gather [hbm4b:s1+s3], $0x80, v4, vm0, $0xb8;
	[tilespmem:$0x8400] =	vst v63  }
0x1ce: {  	_ = 	snop  }
0x1cf: {  	[tilespmem:s19], [sflag:$0x1] =	stream.indirect_vreg.gather [hbm4b:s1+s3], $0x80, v3, vm0, $0xb8;
	[tilespmem:$0x8400] =	vst v63  }
0x1d0: {  	v3 =	vld [tilespmem:$0x260];
	_ =	sdelay $0x4  }
0x1d1: {  	v38 =	vshll.u32 v3, $0x1  }
0x1d2: {  	v3 =	vand.u32 $0x7, v3;
	v4 =	vand.u32 $0xFFFFFFF0, v38  }
0x1d3: {  	v3 =	vor.u32 v3, v4  }
0x1d4: {  	v4 =	vperm.xlane v3, v0;
	_ =	sdelay $0x1  }
0x1d5: {  	v3 =	vperm.xlane v3, v2;
	v4 =	vadd.s32 v1, v4;
	_ =	sdelay $0x1  }
0x1d6: {  	v3 =	vadd.s32 v1, v3;
	_ =	sdelay $0x2  }
0x1d7: {  	[tilespmem:s20], [sflag:$0x1] =	stream.indirect_vreg.gather [hbm4b:s1+s3], $0x80, v4, vm0, $0xb8;
	[tilespmem:$0x8400] =	vst v63  }
0x1d8: {  	_ = 	snop  }
0x1d9: {  	[tilespmem:s21], [sflag:$0x1] =	stream.indirect_vreg.gather [hbm4b:s1+s3], $0x80, v3, vm0, $0xb8;
	[tilespmem:$0x8400] =	vst v63  }
0x1da: {  	v3 =	vld [tilespmem:$0x270];
	_ =	sdelay $0x4  }
0x1db: {  	v39 =	vshll.u32 v3, $0x1  }
0x1dc: {  	v3 =	vand.u32 $0x7, v3;
	v4 =	vand.u32 $0xFFFFFFF0, v39  }
0x1dd: {  	v3 =	vor.u32 v3, v4  }
0x1de: {  	v4 =	vperm.xlane v3, v0;
	_ =	sdelay $0x1  }
0x1df: {  	v3 =	vperm.xlane v3, v2;
	v4 =	vadd.s32 v1, v4;
	_ =	sdelay $0x1  }
0x1e0: {  	v3 =	vadd.s32 v1, v3;
	_ =	sdelay $0x2  }
0x1e1: {  	[tilespmem:s22], [sflag:$0x1] =	stream.indirect_vreg.gather [hbm4b:s1+s3], $0x80, v4, vm0, $0xb8;
	[tilespmem:$0x8400] =	vst v63  }
0x1e2: {  	_ = 	snop  }
0x1e3: {  	[tilespmem:s23], [sflag:$0x1] =	stream.indirect_vreg.gather [hbm4b:s1+s3], $0x80, v3, vm0, $0xb8;
	[tilespmem:$0x8400] =	vst v63  }
0x1e4: {  	_ =	swait.ge [sflag:s24], $0x8000  }
0x1e5: {  	[sflag:s24] =	ssyncset.done $0x0  }
0x1e6: {  	s2 =	rddreg [dreg:$0xd];
	[sflag:s24] =	ssyncadd.s32 $0xFFFF8000  }
0x1e7: {  	[hbm4b:s2+s3] =	stream.linear.scatter [tilespmem:s8], [sflag:$0x2], $0x8000, $0x38;
	[tilespmem:$0x8400] =	vst v63  }
0x1e8: {  	_ =	swait.ge [sflag:s7], $0x8000  }
0x1e9: {  	[sflag:s7] =	ssyncset.done $0x0  }
0x1ea: {  	s2 =	rddreg [dreg:$0xe];
	[sflag:s7] =	ssyncadd.s32 $0xFFFF8000  }
0x1eb: {  	[tilespmem:s30], [sflag:$0x2] =	stream.linear.gather [hbm4b:s2+s3], $0x80, $0x38;
	[tilespmem:$0x8400] =	vst v63  }
0x1ec: {  	_ =	swait.ge [sflag:s7], $0x80  }
0x1ed: {  	[sflag:s7] =	ssyncset.done $0x0  }
0x1ee: {  	[sflag:s7] =	ssyncadd.s32 $0xFFFFFF80  }
0x1ef: {  	v3 =	vld [tilespmem:$0x280];
	_ =	sdelay $0x4  }
0x1f0: {  	v40 =	vshll.u32 v3, $0x1  }
0x1f1: {  	v3 =	vand.u32 $0x7, v3;
	v4 =	vand.u32 $0xFFFFFFF0, v40  }
0x1f2: {  	v3 =	vor.u32 v3, v4  }
0x1f3: {  	v4 =	vperm.xlane v3, v0;
	_ =	sdelay $0x1  }
0x1f4: {  	v3 =	vperm.xlane v3, v2;
	v4 =	vadd.s32 v1, v4;
	_ =	sdelay $0x1  }
0x1f5: {  	v3 =	vadd.s32 v1, v3;
	_ =	sdelay $0x2  }
0x1f6: {  	[tilespmem:s8], [sflag:$0x1] =	stream.indirect_vreg.gather [hbm4b:s1+s3], $0x80, v4, vm0, $0xb8;
	[tilespmem:$0x8400] =	vst v63  }
0x1f7: {  	_ = 	snop  }
0x1f8: {  	[tilespmem:s9], [sflag:$0x1] =	stream.indirect_vreg.gather [hbm4b:s1+s3], $0x80, v3, vm0, $0xb8;
	[tilespmem:$0x8400] =	vst v63  }
0x1f9: {  	v3 =	vld [tilespmem:$0x290];
	_ =	sdelay $0x4  }
0x1fa: {  	v41 =	vshll.u32 v3, $0x1  }
0x1fb: {  	v3 =	vand.u32 $0x7, v3;
	v4 =	vand.u32 $0xFFFFFFF0, v41  }
0x1fc: {  	v3 =	vor.u32 v3, v4  }
0x1fd: {  	v4 =	vperm.xlane v3, v0;
	_ =	sdelay $0x1  }
0x1fe: {  	v3 =	vperm.xlane v3, v2;
	v4 =	vadd.s32 v1, v4;
	_ =	sdelay $0x1  }
0x1ff: {  	v3 =	vadd.s32 v1, v3;
	_ =	sdelay $0x2  }
0x200: {  	[tilespmem:s10], [sflag:$0x1] =	stream.indirect_vreg.gather [hbm4b:s1+s3], $0x80, v4, vm0, $0xb8;
	[tilespmem:$0x8400] =	vst v63  }
0x201: {  	_ = 	snop  }
0x202: {  	[tilespmem:s11], [sflag:$0x1] =	stream.indirect_vreg.gather [hbm4b:s1+s3], $0x80, v3, vm0, $0xb8;
	[tilespmem:$0x8400] =	vst v63  }
0x203: {  	v3 =	vld [tilespmem:$0x2A0];
	_ =	sdelay $0x4  }
0x204: {  	v42 =	vshll.u32 v3, $0x1  }
0x205: {  	v3 =	vand.u32 $0x7, v3;
	v4 =	vand.u32 $0xFFFFFFF0, v42  }
0x206: {  	v3 =	vor.u32 v3, v4  }
0x207: {  	v4 =	vperm.xlane v3, v0;
	_ =	sdelay $0x1  }
0x208: {  	v3 =	vperm.xlane v3, v2;
	v4 =	vadd.s32 v1, v4;
	_ =	sdelay $0x1  }
0x209: {  	v3 =	vadd.s32 v1, v3;
	_ =	sdelay $0x2  }
0x20a: {  	[tilespmem:s12], [sflag:$0x1] =	stream.indirect_vreg.gather [hbm4b:s1+s3], $0x80, v4, vm0, $0xb8;
	[tilespmem:$0x8400] =	vst v63  }
0x20b: {  	_ = 	snop  }
0x20c: {  	[tilespmem:s13], [sflag:$0x1] =	stream.indirect_vreg.gather [hbm4b:s1+s3], $0x80, v3, vm0, $0xb8;
	[tilespmem:$0x8400] =	vst v63  }
0x20d: {  	v3 =	vld [tilespmem:$0x2B0];
	_ =	sdelay $0x4  }
0x20e: {  	v43 =	vshll.u32 v3, $0x1  }
0x20f: {  	v3 =	vand.u32 $0x7, v3;
	v4 =	vand.u32 $0xFFFFFFF0, v43  }
0x210: {  	v3 =	vor.u32 v3, v4  }
0x211: {  	v4 =	vperm.xlane v3, v0;
	_ =	sdelay $0x1  }
0x212: {  	v3 =	vperm.xlane v3, v2;
	v4 =	vadd.s32 v1, v4;
	_ =	sdelay $0x1  }
0x213: {  	v3 =	vadd.s32 v1, v3;
	_ =	sdelay $0x2  }
0x214: {  	[tilespmem:s14], [sflag:$0x1] =	stream.indirect_vreg.gather [hbm4b:s1+s3], $0x80, v4, vm0, $0xb8;
	[tilespmem:$0x8400] =	vst v63  }
0x215: {  	_ = 	snop  }
0x216: {  	[tilespmem:s15], [sflag:$0x1] =	stream.indirect_vreg.gather [hbm4b:s1+s3], $0x80, v3, vm0, $0xb8;
	[tilespmem:$0x8400] =	vst v63  }
0x217: {  	v3 =	vld [tilespmem:$0x2C0];
	_ =	sdelay $0x4  }
0x218: {  	v44 =	vshll.u32 v3, $0x1  }
0x219: {  	v3 =	vand.u32 $0x7, v3;
	v4 =	vand.u32 $0xFFFFFFF0, v44  }
0x21a: {  	v3 =	vor.u32 v3, v4  }
0x21b: {  	v4 =	vperm.xlane v3, v0;
	_ =	sdelay $0x1  }
0x21c: {  	v3 =	vperm.xlane v3, v2;
	v4 =	vadd.s32 v1, v4;
	_ =	sdelay $0x1  }
0x21d: {  	v3 =	vadd.s32 v1, v3;
	_ =	sdelay $0x2  }
0x21e: {  	[tilespmem:s16], [sflag:$0x1] =	stream.indirect_vreg.gather [hbm4b:s1+s3], $0x80, v4, vm0, $0xb8;
	[tilespmem:$0x8400] =	vst v63  }
0x21f: {  	_ = 	snop  }
0x220: {  	[tilespmem:s17], [sflag:$0x1] =	stream.indirect_vreg.gather [hbm4b:s1+s3], $0x80, v3, vm0, $0xb8;
	[tilespmem:$0x8400] =	vst v63  }
0x221: {  	v3 =	vld [tilespmem:$0x2D0];
	_ =	sdelay $0x4  }
0x222: {  	v45 =	vshll.u32 v3, $0x1  }
0x223: {  	v3 =	vand.u32 $0x7, v3;
	v4 =	vand.u32 $0xFFFFFFF0, v45  }
0x224: {  	v3 =	vor.u32 v3, v4  }
0x225: {  	v4 =	vperm.xlane v3, v0;
	_ =	sdelay $0x1  }
0x226: {  	v3 =	vperm.xlane v3, v2;
	v4 =	vadd.s32 v1, v4;
	_ =	sdelay $0x1  }
0x227: {  	v3 =	vadd.s32 v1, v3;
	_ =	sdelay $0x2  }
0x228: {  	[tilespmem:s18], [sflag:$0x1] =	stream.indirect_vreg.gather [hbm4b:s1+s3], $0x80, v4, vm0, $0xb8;
	[tilespmem:$0x8400] =	vst v63  }
0x229: {  	_ = 	snop  }
0x22a: {  	[tilespmem:s19], [sflag:$0x1] =	stream.indirect_vreg.gather [hbm4b:s1+s3], $0x80, v3, vm0, $0xb8;
	[tilespmem:$0x8400] =	vst v63  }
0x22b: {  	v3 =	vld [tilespmem:$0x2E0];
	_ =	sdelay $0x4  }
0x22c: {  	v46 =	vshll.u32 v3, $0x1  }
0x22d: {  	v3 =	vand.u32 $0x7, v3;
	v4 =	vand.u32 $0xFFFFFFF0, v46  }
0x22e: {  	v3 =	vor.u32 v3, v4  }
0x22f: {  	v4 =	vperm.xlane v3, v0;
	_ =	sdelay $0x1  }
0x230: {  	v3 =	vperm.xlane v3, v2;
	v4 =	vadd.s32 v1, v4;
	_ =	sdelay $0x1  }
0x231: {  	v3 =	vadd.s32 v1, v3;
	_ =	sdelay $0x2  }
0x232: {  	[tilespmem:s20], [sflag:$0x1] =	stream.indirect_vreg.gather [hbm4b:s1+s3], $0x80, v4, vm0, $0xb8;
	[tilespmem:$0x8400] =	vst v63  }
0x233: {  	_ = 	snop  }
0x234: {  	[tilespmem:s21], [sflag:$0x1] =	stream.indirect_vreg.gather [hbm4b:s1+s3], $0x80, v3, vm0, $0xb8;
	[tilespmem:$0x8400] =	vst v63  }
0x235: {  	v3 =	vld [tilespmem:$0x2F0];
	_ =	sdelay $0x4  }
0x236: {  	v47 =	vshll.u32 v3, $0x1  }
0x237: {  	v3 =	vand.u32 $0x7, v3;
	v4 =	vand.u32 $0xFFFFFFF0, v47  }
0x238: {  	v3 =	vor.u32 v3, v4  }
0x239: {  	v4 =	vperm.xlane v3, v0;
	_ =	sdelay $0x1  }
0x23a: {  	v3 =	vperm.xlane v3, v2;
	v4 =	vadd.s32 v1, v4;
	_ =	sdelay $0x1  }
0x23b: {  	v3 =	vadd.s32 v1, v3;
	_ =	sdelay $0x2  }
0x23c: {  	[tilespmem:s22], [sflag:$0x1] =	stream.indirect_vreg.gather [hbm4b:s1+s3], $0x80, v4, vm0, $0xb8;
	[tilespmem:$0x8400] =	vst v63  }
0x23d: {  	_ = 	snop  }
0x23e: {  	[tilespmem:s23], [sflag:$0x1] =	stream.indirect_vreg.gather [hbm4b:s1+s3], $0x80, v3, vm0, $0xb8;
	[tilespmem:$0x8400] =	vst v63  }
0x23f: {  	_ =	swait.ge [sflag:s24], $0x8000  }
0x240: {  	[sflag:s24] =	ssyncset.done $0x0  }
0x241: {  	s2 =	rddreg [dreg:$0xf];
	[sflag:s24] =	ssyncadd.s32 $0xFFFF8000  }
0x242: {  	[hbm4b:s2+s3] =	stream.linear.scatter [tilespmem:s8], [sflag:$0x2], $0x8000, $0x38;
	[tilespmem:$0x8400] =	vst v63  }
0x243: {  	_ =	swait.ge [sflag:s7], $0x8000  }
0x244: {  	[sflag:s7] =	ssyncset.done $0x0  }
0x245: {  	s2 =	rddreg [dreg:$0x10];
	[sflag:s7] =	ssyncadd.s32 $0xFFFF8000  }
0x246: {  	[tilespmem:s31], [sflag:$0x2] =	stream.linear.gather [hbm4b:s2+s3], $0x80, $0x38;
	[tilespmem:$0x8400] =	vst v63  }
0x247: {  	_ =	swait.ge [sflag:s7], $0x80  }
0x248: {  	[sflag:s7] =	ssyncset.done $0x0  }
0x249: {  	[sflag:s7] =	ssyncadd.s32 $0xFFFFFF80  }
0x24a: {  	v3 =	vld [tilespmem:$0x300];
	_ =	sdelay $0x4  }
0x24b: {  	v48 =	vshll.u32 v3, $0x1  }
0x24c: {  	v3 =	vand.u32 $0x7, v3;
	v4 =	vand.u32 $0xFFFFFFF0, v48  }
0x24d: {  	v3 =	vor.u32 v3, v4  }
0x24e: {  	v4 =	vperm.xlane v3, v0;
	_ =	sdelay $0x1  }
0x24f: {  	v3 =	vperm.xlane v3, v2;
	v4 =	vadd.s32 v1, v4;
	_ =	sdelay $0x1  }
0x250: {  	v3 =	vadd.s32 v1, v3;
	_ =	sdelay $0x2  }
0x251: {  	[tilespmem:s8], [sflag:$0x1] =	stream.indirect_vreg.gather [hbm4b:s1+s3], $0x80, v4, vm0, $0xb8;
	[tilespmem:$0x8400] =	vst v63  }
0x252: {  	_ = 	snop  }
0x253: {  	[tilespmem:s9], [sflag:$0x1] =	stream.indirect_vreg.gather [hbm4b:s1+s3], $0x80, v3, vm0, $0xb8;
	[tilespmem:$0x8400] =	vst v63  }
0x254: {  	v3 =	vld [tilespmem:$0x310];
	_ =	sdelay $0x4  }
0x255: {  	v49 =	vshll.u32 v3, $0x1  }
0x256: {  	v3 =	vand.u32 $0x7, v3;
	v4 =	vand.u32 $0xFFFFFFF0, v49  }
0x257: {  	v3 =	vor.u32 v3, v4  }
0x258: {  	v4 =	vperm.xlane v3, v0;
	_ =	sdelay $0x1  }
0x259: {  	v3 =	vperm.xlane v3, v2;
	v4 =	vadd.s32 v1, v4;
	_ =	sdelay $0x1  }
0x25a: {  	v3 =	vadd.s32 v1, v3;
	_ =	sdelay $0x2  }
0x25b: {  	[tilespmem:s10], [sflag:$0x1] =	stream.indirect_vreg.gather [hbm4b:s1+s3], $0x80, v4, vm0, $0xb8;
	[tilespmem:$0x8400] =	vst v63  }
0x25c: {  	_ = 	snop  }
0x25d: {  	[tilespmem:s11], [sflag:$0x1] =	stream.indirect_vreg.gather [hbm4b:s1+s3], $0x80, v3, vm0, $0xb8;
	[tilespmem:$0x8400] =	vst v63  }
0x25e: {  	v3 =	vld [tilespmem:$0x320];
	_ =	sdelay $0x4  }
0x25f: {  	v50 =	vshll.u32 v3, $0x1  }
0x260: {  	v3 =	vand.u32 $0x7, v3;
	v4 =	vand.u32 $0xFFFFFFF0, v50  }
0x261: {  	v3 =	vor.u32 v3, v4  }
0x262: {  	v4 =	vperm.xlane v3, v0;
	_ =	sdelay $0x1  }
0x263: {  	v3 =	vperm.xlane v3, v2;
	v4 =	vadd.s32 v1, v4;
	_ =	sdelay $0x1  }
0x264: {  	v3 =	vadd.s32 v1, v3;
	_ =	sdelay $0x2  }
0x265: {  	[tilespmem:s12], [sflag:$0x1] =	stream.indirect_vreg.gather [hbm4b:s1+s3], $0x80, v4, vm0, $0xb8;
	[tilespmem:$0x8400] =	vst v63  }
0x266: {  	_ = 	snop  }
0x267: {  	[tilespmem:s13], [sflag:$0x1] =	stream.indirect_vreg.gather [hbm4b:s1+s3], $0x80, v3, vm0, $0xb8;
	[tilespmem:$0x8400] =	vst v63  }
0x268: {  	v3 =	vld [tilespmem:$0x330];
	_ =	sdelay $0x4  }
0x269: {  	v51 =	vshll.u32 v3, $0x1  }
0x26a: {  	v3 =	vand.u32 $0x7, v3;
	v4 =	vand.u32 $0xFFFFFFF0, v51  }
0x26b: {  	v3 =	vor.u32 v3, v4  }
0x26c: {  	v4 =	vperm.xlane v3, v0;
	_ =	sdelay $0x1  }
0x26d: {  	v3 =	vperm.xlane v3, v2;
	v4 =	vadd.s32 v1, v4;
	_ =	sdelay $0x1  }
0x26e: {  	v3 =	vadd.s32 v1, v3;
	_ =	sdelay $0x2  }
0x26f: {  	[tilespmem:s14], [sflag:$0x1] =	stream.indirect_vreg.gather [hbm4b:s1+s3], $0x80, v4, vm0, $0xb8;
	[tilespmem:$0x8400] =	vst v63  }
0x270: {  	_ = 	snop  }
0x271: {  	[tilespmem:s15], [sflag:$0x1] =	stream.indirect_vreg.gather [hbm4b:s1+s3], $0x80, v3, vm0, $0xb8;
	[tilespmem:$0x8400] =	vst v63  }
0x272: {  	v3 =	vld [tilespmem:$0x340];
	_ =	sdelay $0x4  }
0x273: {  	v52 =	vshll.u32 v3, $0x1  }
0x274: {  	v3 =	vand.u32 $0x7, v3;
	v4 =	vand.u32 $0xFFFFFFF0, v52  }
0x275: {  	v3 =	vor.u32 v3, v4  }
0x276: {  	v4 =	vperm.xlane v3, v0;
	_ =	sdelay $0x1  }
0x277: {  	v3 =	vperm.xlane v3, v2;
	v4 =	vadd.s32 v1, v4;
	_ =	sdelay $0x1  }
0x278: {  	v3 =	vadd.s32 v1, v3;
	_ =	sdelay $0x2  }
0x279: {  	[tilespmem:s16], [sflag:$0x1] =	stream.indirect_vreg.gather [hbm4b:s1+s3], $0x80, v4, vm0, $0xb8;
	[tilespmem:$0x8400] =	vst v63  }
0x27a: {  	_ = 	snop  }
0x27b: {  	[tilespmem:s17], [sflag:$0x1] =	stream.indirect_vreg.gather [hbm4b:s1+s3], $0x80, v3, vm0, $0xb8;
	[tilespmem:$0x8400] =	vst v63  }
0x27c: {  	v3 =	vld [tilespmem:$0x350];
	_ =	sdelay $0x4  }
0x27d: {  	v53 =	vshll.u32 v3, $0x1  }
0x27e: {  	v3 =	vand.u32 $0x7, v3;
	v4 =	vand.u32 $0xFFFFFFF0, v53  }
0x27f: {  	v3 =	vor.u32 v3, v4  }
0x280: {  	v4 =	vperm.xlane v3, v0;
	_ =	sdelay $0x1  }
0x281: {  	v3 =	vperm.xlane v3, v2;
	v4 =	vadd.s32 v1, v4;
	_ =	sdelay $0x1  }
0x282: {  	v3 =	vadd.s32 v1, v3;
	_ =	sdelay $0x2  }
0x283: {  	[tilespmem:s18], [sflag:$0x1] =	stream.indirect_vreg.gather [hbm4b:s1+s3], $0x80, v4, vm0, $0xb8;
	[tilespmem:$0x8400] =	vst v63  }
0x284: {  	_ = 	snop  }
0x285: {  	[tilespmem:s19], [sflag:$0x1] =	stream.indirect_vreg.gather [hbm4b:s1+s3], $0x80, v3, vm0, $0xb8;
	[tilespmem:$0x8400] =	vst v63  }
0x286: {  	v3 =	vld [tilespmem:$0x360];
	_ =	sdelay $0x4  }
0x287: {  	v54 =	vshll.u32 v3, $0x1  }
0x288: {  	v3 =	vand.u32 $0x7, v3;
	v4 =	vand.u32 $0xFFFFFFF0, v54  }
0x289: {  	v3 =	vor.u32 v3, v4  }
0x28a: {  	v4 =	vperm.xlane v3, v0;
	_ =	sdelay $0x1  }
0x28b: {  	v3 =	vperm.xlane v3, v2;
	v4 =	vadd.s32 v1, v4;
	_ =	sdelay $0x1  }
0x28c: {  	v3 =	vadd.s32 v1, v3;
	_ =	sdelay $0x2  }
0x28d: {  	[tilespmem:s20], [sflag:$0x1] =	stream.indirect_vreg.gather [hbm4b:s1+s3], $0x80, v4, vm0, $0xb8;
	[tilespmem:$0x8400] =	vst v63  }
0x28e: {  	_ = 	snop  }
0x28f: {  	[tilespmem:s21], [sflag:$0x1] =	stream.indirect_vreg.gather [hbm4b:s1+s3], $0x80, v3, vm0, $0xb8;
	[tilespmem:$0x8400] =	vst v63  }
0x290: {  	v3 =	vld [tilespmem:$0x370];
	_ =	sdelay $0x4  }
0x291: {  	v55 =	vshll.u32 v3, $0x1  }
0x292: {  	v3 =	vand.u32 $0x7, v3;
	v4 =	vand.u32 $0xFFFFFFF0, v55  }
0x293: {  	v3 =	vor.u32 v3, v4  }
0x294: {  	v4 =	vperm.xlane v3, v0;
	_ =	sdelay $0x1  }
0x295: {  	v3 =	vperm.xlane v3, v2;
	v4 =	vadd.s32 v1, v4;
	_ =	sdelay $0x1  }
0x296: {  	v3 =	vadd.s32 v1, v3;
	_ =	sdelay $0x2  }
0x297: {  	[tilespmem:s22], [sflag:$0x1] =	stream.indirect_vreg.gather [hbm4b:s1+s3], $0x80, v4, vm0, $0xb8;
	[tilespmem:$0x8400] =	vst v63  }
0x298: {  	_ = 	snop  }
0x299: {  	[tilespmem:s23], [sflag:$0x1] =	stream.indirect_vreg.gather [hbm4b:s1+s3], $0x80, v3, vm0, $0xb8;
	[tilespmem:$0x8400] =	vst v63  }
0x29a: {  	_ =	swait.ge [sflag:s24], $0x8000  }
0x29b: {  	[sflag:s24] =	ssyncset.done $0x0  }
0x29c: {  	s2 =	rddreg [dreg:$0x11];
	[sflag:s24] =	ssyncadd.s32 $0xFFFF8000  }
0x29d: {  	[hbm4b:s2+s3] =	stream.linear.scatter [tilespmem:s8], [sflag:$0x2], $0x8000, $0x38;
	[tilespmem:$0x8400] =	vst v63  }
0x29e: {  	_ =	swait.ge [sflag:s7], $0x8000  }
0x29f: {  	[sflag:s7] =	ssyncset.done $0x0  }
0x2a0: {  	[sflag:s7] =	ssyncadd.s32 $0xFFFF8000  }
0x2a1: {  	[tilespmem:s0], [sflag:$0x2] =	stream.linear.gather [hbm4b:s4+s3], $0x80, $0x38;
	[tilespmem:$0x8400] =	vst v63  }
0x2a2: {  	_ =	swait.ge [sflag:s7], $0x80  }
0x2a3: {  	[sflag:s7] =	ssyncset.done $0x0  }
0x2a4: {  	[sflag:s7] =	ssyncadd.s32 $0xFFFFFF80  }
0x2a5: {  	v3 =	vld [tilespmem:$0x380];
	_ =	sdelay $0x4  }
0x2a6: {  	v56 =	vshll.u32 v3, $0x1  }
0x2a7: {  	v3 =	vand.u32 $0x7, v3;
	v4 =	vand.u32 $0xFFFFFFF0, v56  }
0x2a8: {  	v3 =	vor.u32 v3, v4  }
0x2a9: {  	v4 =	vperm.xlane v3, v0;
	_ =	sdelay $0x1  }
0x2aa: {  	v3 =	vperm.xlane v3, v2;
	v4 =	vadd.s32 v1, v4;
	_ =	sdelay $0x1  }
0x2ab: {  	v3 =	vadd.s32 v1, v3;
	_ =	sdelay $0x2  }
0x2ac: {  	[tilespmem:s8], [sflag:$0x1] =	stream.indirect_vreg.gather [hbm4b:s1+s3], $0x80, v4, vm0, $0xb8;
	[tilespmem:$0x8400] =	vst v63  }
0x2ad: {  	_ = 	snop  }
0x2ae: {  	[tilespmem:s9], [sflag:$0x1] =	stream.indirect_vreg.gather [hbm4b:s1+s3], $0x80, v3, vm0, $0xb8;
	[tilespmem:$0x8400] =	vst v63  }
0x2af: {  	v3 =	vld [tilespmem:$0x390];
	_ =	sdelay $0x4  }
0x2b0: {  	v57 =	vshll.u32 v3, $0x1  }
0x2b1: {  	v3 =	vand.u32 $0x7, v3;
	v4 =	vand.u32 $0xFFFFFFF0, v57  }
0x2b2: {  	v3 =	vor.u32 v3, v4  }
0x2b3: {  	v4 =	vperm.xlane v3, v0;
	_ =	sdelay $0x1  }
0x2b4: {  	v3 =	vperm.xlane v3, v2;
	v4 =	vadd.s32 v1, v4;
	_ =	sdelay $0x1  }
0x2b5: {  	v3 =	vadd.s32 v1, v3;
	_ =	sdelay $0x2  }
0x2b6: {  	[tilespmem:s10], [sflag:$0x1] =	stream.indirect_vreg.gather [hbm4b:s1+s3], $0x80, v4, vm0, $0xb8;
	[tilespmem:$0x8400] =	vst v63  }
0x2b7: {  	_ = 	snop  }
0x2b8: {  	[tilespmem:s11], [sflag:$0x1] =	stream.indirect_vreg.gather [hbm4b:s1+s3], $0x80, v3, vm0, $0xb8;
	[tilespmem:$0x8400] =	vst v63  }
0x2b9: {  	v3 =	vld [tilespmem:$0x3A0];
	_ =	sdelay $0x4  }
0x2ba: {  	v58 =	vshll.u32 v3, $0x1  }
0x2bb: {  	v3 =	vand.u32 $0x7, v3;
	v4 =	vand.u32 $0xFFFFFFF0, v58  }
0x2bc: {  	v3 =	vor.u32 v3, v4  }
0x2bd: {  	v4 =	vperm.xlane v3, v0;
	_ =	sdelay $0x1  }
0x2be: {  	v3 =	vperm.xlane v3, v2;
	v4 =	vadd.s32 v1, v4;
	_ =	sdelay $0x1  }
0x2bf: {  	v3 =	vadd.s32 v1, v3;
	_ =	sdelay $0x2  }
0x2c0: {  	[tilespmem:s12], [sflag:$0x1] =	stream.indirect_vreg.gather [hbm4b:s1+s3], $0x80, v4, vm0, $0xb8;
	[tilespmem:$0x8400] =	vst v63  }
0x2c1: {  	_ = 	snop  }
0x2c2: {  	[tilespmem:s13], [sflag:$0x1] =	stream.indirect_vreg.gather [hbm4b:s1+s3], $0x80, v3, vm0, $0xb8;
	[tilespmem:$0x8400] =	vst v63  }
0x2c3: {  	v3 =	vld [tilespmem:$0x3B0];
	_ =	sdelay $0x4  }
0x2c4: {  	v59 =	vshll.u32 v3, $0x1  }
0x2c5: {  	v3 =	vand.u32 $0x7, v3;
	v4 =	vand.u32 $0xFFFFFFF0, v59  }
0x2c6: {  	v3 =	vor.u32 v3, v4  }
0x2c7: {  	v4 =	vperm.xlane v3, v0;
	_ =	sdelay $0x1  }
0x2c8: {  	v3 =	vperm.xlane v3, v2;
	v4 =	vadd.s32 v1, v4;
	_ =	sdelay $0x1  }
0x2c9: {  	v3 =	vadd.s32 v1, v3;
	_ =	sdelay $0x2  }
0x2ca: {  	[tilespmem:s14], [sflag:$0x1] =	stream.indirect_vreg.gather [hbm4b:s1+s3], $0x80, v4, vm0, $0xb8;
	[tilespmem:$0x8400] =	vst v63  }
0x2cb: {  	_ = 	snop  }
0x2cc: {  	[tilespmem:s15], [sflag:$0x1] =	stream.indirect_vreg.gather [hbm4b:s1+s3], $0x80, v3, vm0, $0xb8;
	[tilespmem:$0x8400] =	vst v63  }
0x2cd: {  	v3 =	vld [tilespmem:$0x3C0];
	_ =	sdelay $0x4  }
0x2ce: {  	v60 =	vshll.u32 v3, $0x1  }
0x2cf: {  	v3 =	vand.u32 $0x7, v3;
	v4 =	vand.u32 $0xFFFFFFF0, v60  }
0x2d0: {  	v3 =	vor.u32 v3, v4  }
0x2d1: {  	v4 =	vperm.xlane v3, v0;
	_ =	sdelay $0x1  }
0x2d2: {  	v3 =	vperm.xlane v3, v2;
	v4 =	vadd.s32 v1, v4;
	_ =	sdelay $0x1  }
0x2d3: {  	v3 =	vadd.s32 v1, v3;
	_ =	sdelay $0x2  }
0x2d4: {  	[tilespmem:s16], [sflag:$0x1] =	stream.indirect_vreg.gather [hbm4b:s1+s3], $0x80, v4, vm0, $0xb8;
	[tilespmem:$0x8400] =	vst v63  }
0x2d5: {  	_ = 	snop  }
0x2d6: {  	[tilespmem:s17], [sflag:$0x1] =	stream.indirect_vreg.gather [hbm4b:s1+s3], $0x80, v3, vm0, $0xb8;
	[tilespmem:$0x8400] =	vst v63  }
0x2d7: {  	v3 =	vld [tilespmem:$0x3D0];
	_ =	sdelay $0x4  }
0x2d8: {  	v61 =	vshll.u32 v3, $0x1  }
0x2d9: {  	v3 =	vand.u32 $0x7, v3;
	v4 =	vand.u32 $0xFFFFFFF0, v61  }
0x2da: {  	v3 =	vor.u32 v3, v4  }
0x2db: {  	v4 =	vperm.xlane v3, v0;
	_ =	sdelay $0x1  }
0x2dc: {  	v3 =	vperm.xlane v3, v2;
	v4 =	vadd.s32 v1, v4;
	_ =	sdelay $0x1  }
0x2dd: {  	v3 =	vadd.s32 v1, v3;
	_ =	sdelay $0x2  }
0x2de: {  	[tilespmem:s18], [sflag:$0x1] =	stream.indirect_vreg.gather [hbm4b:s1+s3], $0x80, v4, vm0, $0xb8;
	[tilespmem:$0x8400] =	vst v63  }
0x2df: {  	_ = 	snop  }
0x2e0: {  	[tilespmem:s19], [sflag:$0x1] =	stream.indirect_vreg.gather [hbm4b:s1+s3], $0x80, v3, vm0, $0xb8;
	[tilespmem:$0x8400] =	vst v63  }
0x2e1: {  	v3 =	vld [tilespmem:$0x3E0];
	_ =	sdelay $0x4  }
0x2e2: {  	v62 =	vshll.u32 v3, $0x1  }
0x2e3: {  	v3 =	vand.u32 $0x7, v3;
	v4 =	vand.u32 $0xFFFFFFF0, v62  }
0x2e4: {  	v3 =	vor.u32 v3, v4  }
0x2e5: {  	v4 =	vperm.xlane v3, v0;
	_ =	sdelay $0x1  }
0x2e6: {  	v3 =	vperm.xlane v3, v2;
	v4 =	vadd.s32 v1, v4;
	_ =	sdelay $0x1  }
0x2e7: {  	v3 =	vadd.s32 v1, v3;
	_ =	sdelay $0x2  }
0x2e8: {  	[tilespmem:s20], [sflag:$0x1] =	stream.indirect_vreg.gather [hbm4b:s1+s3], $0x80, v4, vm0, $0xb8;
	[tilespmem:$0x8400] =	vst v63  }
0x2e9: {  	_ = 	snop  }
0x2ea: {  	[tilespmem:s21], [sflag:$0x1] =	stream.indirect_vreg.gather [hbm4b:s1+s3], $0x80, v3, vm0, $0xb8;
	[tilespmem:$0x8400] =	vst v63  }
0x2eb: {  	v3 =	vld [tilespmem:$0x3F0];
	_ =	sdelay $0x4  }
0x2ec: {  	v63 =	vshll.u32 v3, $0x1  }
0x2ed: {  	v3 =	vand.u32 $0x7, v3;
	v4 =	vand.u32 $0xFFFFFFF0, v63  }
0x2ee: {  	v3 =	vor.u32 v3, v4  }
0x2ef: {  	v4 =	vperm.xlane v3, v0;
	_ =	sdelay $0x1  }
0x2f0: {  	v3 =	vperm.xlane v3, v2;
	v4 =	vadd.s32 v1, v4;
	_ =	sdelay $0x1  }
0x2f1: {  	v3 =	vadd.s32 v1, v3;
	_ =	sdelay $0x2  }
0x2f2: {  	[tilespmem:s22], [sflag:$0x1] =	stream.indirect_vreg.gather [hbm4b:s1+s3], $0x80, v4, vm0, $0xb8;
	[tilespmem:$0x8400] =	vst v63  }
0x2f3: {  	_ = 	snop  }
0x2f4: {  	[tilespmem:s23], [sflag:$0x1] =	stream.indirect_vreg.gather [hbm4b:s1+s3], $0x80, v3, vm0, $0xb8;
	[tilespmem:$0x8400] =	vst v63  }
0x2f5: {  	_ =	swait.ge [sflag:s24], $0x8000  }
0x2f6: {  	p0 =	sne.s32 s6, $0x1;
	[sflag:s24] =	ssyncset.done $0x0  }
.Ltmp0:
0x2f7: {  	[sflag:s24] =	ssyncadd.s32 $0xFFFF8000;
	(pc) =	sbr.rel @p0 .LBB2_1-.Ltmp0, $4  }
0x2f8: {  	[hbm4b:s5+s3] =	stream.linear.scatter [tilespmem:s8], [sflag:$0x2], $0x8000, $0x38;
	[tilespmem:$0x8400] =	vst v63  }
0x2f9: {  	_ =	swait.ge [sflag:s7], $0x8000  }
0x2fa: {  	[sflag:s7] =	ssyncset.done $0x0  }
0x2fb: {  	s6 =	sadd.s32 $0xFFFFFFFF, s6;
	[sflag:s7] =	ssyncadd.s32 $0xFFFF8000  }
0x2fc: {  	_ =	sfence.sel $0x180000  }
0x2fd: {  	[bflag:$0x0] =	sbarrier.arrive $0xFFFF  }
0x2fe: {  	_ =	strace $0x90000047  }
0x2ff: {  	s0 =	stileid.u32;
	[bflag:$0x2] =	sbarrier.arrive $0xFFFF  }
0x300: {  	p0 =	sne.s32 s0, $0x0;
	s0 =	rddreg [dreg:$0x3]  }
0x301: {  	s0 =	sadd.s32 @!p0 $0x100000, s0  }
0x302: {  	[sflag:s0] =	ssyncadd.tile.s32 @!p0 $0x1;
	_ =	shalt  }
.Lfunc_end2:
_tile_overlayer_lowered:
.L_overlay_start_2:
0x303: {  	(tag) =	ssettag $0x2  }
0x304: {  	s0 =	rddreg [dreg:$0x0];
	s2 =	stileid.u32  }
0x305: {  	s1 =	rddreg [dreg:$0x1];
	p0 =	sne.s32 s2, $0x0  }
0x306: {  	s3 =	rddreg [dreg:$0x2];
	[bflag:$0x3] =	sbarrier.arrive $0xFFFF;
	s2 =	simm.s32 @!p0 $0x1C02  }
0x307: {  	[timem:s3], [sflag:s2] =	dma.local @!p0 [hbm:s0], s1  }
0x308: {  	s0 =	simm.s32 @!p0 $0x2  }
0x309: {  	_ =	swait.ge @!p0 [sflag:s0], s1  }
0x30a: {  	s1 =	ssub.s32 @!p0 $0x0, s1;
	[sflag:s0] =	ssyncset.done @!p0 $0x0  }
0x30b: {  	[sflag:s0] =	ssyncadd.s32 @!p0 s1  }
0x30c: {  	[bflag:$0x3] =	sbarrier.arrive $0xFFFF  }
0x30d: {  	_ =	shalt  }

// kernel: sparse-core-data-format-call.cloned.1.call-start
scs
called_computation_lowered:
.L_overlay_start_0:
0x0: {  	s1 =	sld [smem:$0x3FD9]  }
0x1: {  	s2 =	sld [smem:$0x3FFE];
	_ =	sdelay $0x1  }
0x2: {  	s3 =	srdreg.scid  }
0x3: {  	s0 =	sand.u32 $0x1, s3  }
0x4: {  	s17 =	sshll.u32 s0, $0xA;
	s1 =	sadd.s32 s2, s1  }
0x5: {  	s1 =	sadd.s32 s1, s17  }
0x6: {  	[smem:$0x3FC6] =	sst s1  }
0x7: {  	_ = 	snop  }
0x8: {  	(tm) =	ssettm $0x1  }
0x9: {  	s18 =	sld [smem:$0x3FFB];
	_ =	sdelay $0x3  }
0xa: {  	_ =	strace s18  }
0xb: {  	s1 =	sld [smem:$0x3FFC];
	_ =	sdelay $0x3  }
0xc: {  	_ =	strace s1  }
0xd: {  	s1 =	sld [smem:$0x3FFD];
	_ =	sdelay $0x3  }
0xe: {  	_ =	strace s1  }
0xf: {  	_ =	strace $0x8FFFFFFF  }
0x10: {  	s19 =	sld [smem:$0x3FDB];
	_ =	sdelay $0x1  }
0x11: {  	s20 =	simm.s32 $_scs_section_size  }
0x12: {  	s4 =	simm.s32 $_size__tile_overlayer_lowered;
	s5 =	simm.s32 $_tile_overlayer_lowered  }
0x13: {  	s23 =	simm.s32 $0x1BFF;
	s22 =	sshll.u32 s5, $0x1;
	s1 =	sadd.s32 s20, s19  }
0x14: {  	s6 =	simm.s32 $0x0;
	s21 =	sshll.u32 s4, $0x1;
	s4 =	sadd.s32 s22, s1  }
0x15: {  	[timem:s6], [sflag:s23] =	dma.local [hbm:s4], s21  }
0x16: {  	_ =	swait.ge [sflag:s23], s21  }
0x17: {  	s2 =	ssub.s32 $0x0, s21;
	[sflag:s23] =	ssyncset.done $0x0  }
0x18: {  	[sflag:s23] =	ssyncadd.s32 s2;
	_ =	sdelay $0x1  }
0x19: {  	s24 =	simm.s32 $0x1B8B  }
0x1a: {  	_ =	swait.ge [sflag:s24], $0x1  }
0x1b: {  	[sflag:s24] =	ssyncset.done $0x0  }
0x1c: {  	s26 =	simm.s32 $0x1B8E;
	s25 =	sld [smem:$0x3FFE];
	[sflag:s24] =	ssyncadd.s32 $0xFFFFFFFF  }
0x1d: {  	s27 =	simm.s32 $execute0_lowered;
	[smem:$0x3FD2] =	sst s26  }
0x1e: {  	s4 =	sshll.u32 s27, $0x1;
	_ =	strace $0x80000049;
	[dreg:$0x1] =	wrdreg $0xFFFFFFFF  }
0x1f: {  	s28 =	simm.s32 $_size_execute0_lowered;
	s1 =	sadd.s32 s1, s4;
	[dreg:$0x0] =	wrdreg $0x0  }
0x20: {  	s4 =	sshll.u32 s28, $0x1;
	[dreg:$0x2] =	wrdreg s1  }
0x21: {  	[dreg:$0x3] =	wrdreg s4  }
0x22: {  	[dreg:$0x4] =	wrdreg $0xC0  }
0x23: {  	_ =	task [dreg:s6], $0x5FFFF  }
0x24: {  	[dreg:$0x1] =	wrdreg $0xFFFFFFFF  }
0x25: {  	[dreg:$0x0] =	wrdreg $0x60  }
0x26: {  	[dreg:$0x2] =	wrdreg s25  }
0x27: {  	[dreg:$0x3] =	wrdreg $0x9  }
0x28: {  	_ =	task.clear_ibuf [dreg:s6], $0x4FFFF;
	_ =	strace $0x90000049  }
0x29: {  	s29 =	simm.s32 $0x9;
	_ =	strace $0x8000004B  }
0x2a: {  	_ =	swait.ge [sflag:s29], $0x1  }
0x2b: {  	[sflag:s29] =	ssyncadd.s32 $0xFFFFFFFF  }
0x2c: {  	_ =	strace $0x9000004B  }
0x2d: {  	_ =	sfence  }
0x2e: {  	s30 =	sld [smem:$0x0];
	_ =	sdelay $0x2  }
0x2f: {  	s31 =	sshll.u32 s3, $0xD;
	s3 =	sshrl.u32 s3, $0x2  }
0x30: {  	s2 =	sand.u32 $0x4000, s31;
	s1 =	sadd.s32 s3, s30  }
0x31: {  	s0 =	sor.u32 s2, s0;
	s1 =	sshll.u32 s1, $0x11  }
0x32: {  	s0 =	sor.u32 s1, s0  }
0x33: {  	s0 =	sadd.s32 $0x8F2B, s0  }
0x34: {  	[sflag:s0] =	ssyncadd.remote.s32 $0x1  }
0x35: {  	_ =	sfence.sel $0xFFFF  }
0x36: {  	[dreg:$0x0] =	wrdreg $0xFFFFFFFF;
	(pc) =	sbr.abs _section_cstart, $3  }
0x37: {  	[dreg:$0x1] =	wrdreg $0xFFFFFFFF  }
0x38: {  	_ =	task.clear_ibuf [dreg:s6], $0x2FFFF;
	_ =	strace $0x9FFFFFFF  }
0x39: {  	(tm) =	ssettm $0x7FFFFFFF  }
tec
execute0_lowered:
.L_overlay_start_1:
0x0: {  	(tag) =	ssettag $0x1  }
0x1: {  	s0 =	stileid.u32;
	s1 =	srdreg.scid  }
0x2: {  	s4 =	rddreg [dreg:$0x0];
	s5 =	simm.s32 $0x1;
	s8 =	simm.s32 $0x2  }
0x3: {  	s16 =	simm.s32 $0x0;
	s14 =	simm.s32 $0x0;
	s15 =	simm.s32 $0x0  }
0x4: {  	s10 =	simm.s32 $0x0;
	s2 =	sshll.u32 s0, $0x4;
	s1 =	sshll.u32 s1, $0x8  }
0x5: {  	s13 =	simm.s32 $0x0;
	s3 =	sadd.s32 $0xA00, s4;
	s2 =	sor.u32 s2, s1  }
0x6: {  	s1 =	rddreg [dreg:$0x1];
	_ =	strace $0x8000004A;
	s2 =	sand.u32 $0x180, s2  }
0x7: {  	s4 =	sadd.s32 $0x100A00, s4;
	[sflag:s5] =	ssyncpa.u1 $0x0;
	s6 =	ssub.s32 $0x1000, s2  }
.Ltmp0:
0x8: {  	[sflag:s8] =	ssyncpa.u1 $0x0;
	s7 =	sand.u32 $0x180, s6;
	(pc) =	sbr.rel .LBB1_1-.Ltmp0, $4  }
0x9: {  	s11 =	smov.u32 s2;
	p0 =	sne.s32 s7, $0x0;
	s7 =	simm.s32 $0x1  }
0xa: {  	s9 =	sshrl.u32 s6, $0x9;
	s6 =	sand.u32 $0x7, s0;
	s7 =	simm.s32 @!p0 $0x0  }
0xb: {  	s12 =	smov.u32 s6;
	p0 =	por $0x0, $0x0;
	s31 =	sadd.s32 s7, s9  }
0xc: {  	s9 =	simm.s32 $0x8000;
	s7 =	sshll.u32 s31, $0x1;
	s8 =	sshllo.u32 s31, $0x1  }
.LBB1_4:
0xd: {  	v5 =	vld [tilespmem:s19+$0xFFFFFFD0];
	[tilespmem:s20+$0x2040 ss:$0x81] =	vst.msk $0xffff, v1  }
0xe: {  	v58 =	vld [tilespmem:s19+$0xFFFFFFE0];
	[tilespmem:s20+$0x2850 ss:$0x81] =	vst.msk $0xffff, v2  }
0xf: {  	s21 =	sshra.s32 s21, $0x2;
	v59 =	vld [tilespmem:s19+$0xFFFFFFF0];
	[tilespmem:s20+$0x3060 ss:$0x81] =	vst.msk $0xffff, v3  }
0x10: {  	v60 =	vld [tilespmem:s19+$0x0];
	[tilespmem:s20+$0x0 ss:$0x81] =	vst.msk $0xffff, v0;
	s18 =	sadd.s32 s21, s18  }
0x11: {  	v61 =	vld [tilespmem:s19+$0x10];
	s26 =	sshll.u32 s16, $0xC;
	[tilespmem:s18+$0x3870 ss:$0x81] =	vst.msk $0xffff, v4  }
0x12: {  	v62 =	vld [tilespmem:s19+$0x20];
	s27 =	sand.u32 $0x78, s14;
	s22 =	sshll.u32 s14, $0x3;
	s29 =	sshll.u32 s16, $0x7;
	[tilespmem:s18+$0x810 ss:$0x81] =	vst.msk $0xffff, v5  }
0x13: {  	v63 =	vld [tilespmem:s19+$0xFFFFFFC0];
	s15 =	sshll.u32 s15, $0x11;
	s20 =	sand.u32 $0xF8000, s26;
	s28 =	sand.u32 $0xFFC00, s22;
	[tilespmem:s18+$0x1020 ss:$0x81] =	vst.msk $0xffff, v58  }
0x14: {  	s31 =	sand.u32 $0x7, s14;
	s22 =	sand.u32 $0xC00, s22;
	s19 =	sadd.s32 s28, s20;
	[tilespmem:s18+$0x1830 ss:$0x81] =	vst.msk $0xffff, v59  }
0x15: {  	s16 =	sand.u32 $0x380, s29;
	s30 =	sor.u32 s27, s22;
	s19 =	sshrl.u32 s19, $0x3;
	[tilespmem:s18+$0x2040 ss:$0x81] =	vst.msk $0xffff, v60  }
0x16: {  	s15 =	sadd.s32 s4, s15;
	s16 =	sor.u32 s16, s30;
	s19 =	sand.u32 $0x1FE00, s19;
	[tilespmem:s18+$0x2850 ss:$0x81] =	vst.msk $0xffff, v61  }
0x17: {  	s14 =	sshll.u32 s31, $0x12;
	s16 =	sshrl.u32 s16, $0x3;
	[tilespmem:s18+$0x3060 ss:$0x81] =	vst.msk $0xffff, v62;
	s15 =	sadd.s32 s19, s15  }
0x18: {  	s14 =	sor.u32 $0x400, s14;
	[tilespmem:s18+$0x0 ss:$0x81] =	vst.msk $0xffff, v63;
	s15 =	sadd.s32 s16, s15  }
0x19: {  	[hbm4b:s15+s14] =	stream.strided.scatter [tilespmem:s17], [sflag:$0x2], $0x4000, s9, s14, $0x20;
	[tilespmem:$0x10100] =	vst v63  }
.LBB1_5:
0x1a: {  	s17 =	sadd.s32 $0x80, s10  }
0x1b: {  	s14 =	sadd.s32 $0x200, s11;
	s18 =	smov.u32 s11;
	p2 =	sgt.s32 s17, $0xFF  }
0x1c: {  	s18 =	smov.u32 @p2 s14  }
0x1d: {  	s20 =	smov.u32 s12;
	s14 =	sadd.s32 $0x8, s12;
	p3 =	sgt.s32 s18, $0xFFF  }
0x1e: {  	s20 =	smov.u32 @p3 s14  }
0x1f: {  	s17 =	simm.s32 @p2 $0x0;
	p2 =	sgt.s32 s20, $0x7  }
0x20: {  	p1 =	slt.u32 s13, $0x2;
	s20 =	smov.u32 @p2 s6;
	p2 =	sne.s32 s13, s8  }
.Ltmp1:
0x21: {  	s19 =	simm.s32 @!p1 $0x2;
	(pc) =	sbr.rel @!p2 .LBB1_6-.Ltmp1, $4  }
0x22: {  	s16 =	smov.u32 s10;
	s15 =	smov.u32 s12;
	_ =	swait.ge @!p1 [sflag:s19], $0x4000  }
0x23: {  	p0 =	por !p0, !p0;
	[sflag:s19] =	ssyncset.done @!p1 $0x0;
	s10 =	smov.u32 s17  }
0x24: {  	s18 =	smov.u32 @p3 s2;
	s14 =	smov.u32 s11;
	[sflag:s19] =	ssyncadd.s32 @!p1 $0xFFFFC000  }
0x25: {  	s11 =	smov.u32 s18;
	s13 =	sadd.s32 $0x1, s13;
	s12 =	smov.u32 s20  }
.LBB1_1:
0x26: {  	p1 =	sge.u32 s13, s7  }
0x27: {  	s31 =	sadd.s32 $0xFFFFFFFF, s13;
	s17 =	sxor.u32 @!p1 $0xFFFFFFFF, s13  }
0x28: {  	s18 =	sshll.u32 @!p1 s11, $0x8;
	s19 =	sshll.u32 @!p1 s10, $0x3;
	s20 =	sshll.u32 @!p1 s11, $0x7  }
0x29: {  	s21 =	sand.u32 @!p1 $0x78, s10;
	s18 =	sand.u32 @!p1 $0xFF800, s18;
	s19 =	sand.u32 @!p1 $0xFFC00, s19  }
0x2a: {  	s17 =	sshll.u32 @!p1 s17, $0xE;
	s18 =	sadd.s32 @!p1 s18, s19;
	s19 =	sand.u32 @!p1 $0x300, s20  }
0x2b: {  	s17 =	sand.u32 @!p1 $0x4000, s17;
	s18 =	sor.u32 @!p1 s19, s18;
	s19 =	sand.u32 @!p1 $0x80, s20  }
0x2c: {  	s20 =	sshll.u32 @!p1 s12, $0x11;
	s19 =	sor.u32 @!p1 s21, s19;
	s18 =	sshrl.u32 @!p1 s18, $0x3  }
0x2d: {  	s20 =	sadd.s32 @!p1 s3, s20;
	s21 =	sand.u32 @!p1 $0x7, s10;
	s19 =	sshrl.u32 @!p1 s19, $0x3  }
0x2e: {  	s18 =	sand.u32 @!p1 $0x1FFE0, s18;
	s19 =	sadd.s32 @!p1 s19, s20;
	s20 =	sshll.u32 @!p1 s21, $0x12  }
0x2f: {  	s18 =	sadd.s32 @!p1 s18, s19;
	s19 =	sor.u32 @!p1 $0x400, s20;
	s20 =	simm.s32 @!p1 $0x800  }
0x30: {  	[tilespmem:s17], [sflag:$0x1] =	stream.strided.gather @!p1 [hbm4b:s18+s19], $0x4000, s20, s19, $0x38;
	[tilespmem:$0x10100] =	vst v63  }
0x31: {  	p1 =	sge.u32 s31, s7  }
.Ltmp2:
0x32: {  	_ = 	snop;
	(pc) =	sbr.rel @p1 .LBB1_5-.Ltmp2, $1  }
0x33: {  	_ =	sdelay $0x3  }
0x34: {  	s17 =	simm.s32 $0x1  }
0x35: {  	_ =	swait.ge [sflag:s5], $0x4000;
	s17 =	simm.s32 @!p0 $0x0  }
0x36: {  	[sflag:s5] =	ssyncset.done $0x0;
	s18 =	sshll.u32 s17, $0xE  }
0x37: {  	[sflag:s5] =	ssyncadd.s32 $0xFFFFC000;
	s19 =	sor.u32 $0x40, s18  }
0x38: {  	s17 =	smul.u32 $0x10200, s17;
	v0 =	vld [tilespmem:s19+$0x30]  }
0x39: {  	v3 =	vld [tilespmem:s19+$0xFFFFFFD0]  }
0x3a: {  	s17 =	sshrl.u32 s17, $0x2;
	v4 =	vld [tilespmem:s19+$0xFFFFFFE0]  }
0x3b: {  	v5 =	vld [tilespmem:s19+$0xFFFFFFF0];
	s18 =	sor.u32 $0x8000, s17  }
0x3c: {  	s31 =	sand.u32 $0x1, s13;
	v1 =	vld [tilespmem:s19+$0x0];
	s20 =	sadd.s32 $0x0, s18  }
0x3d: {  	v2 =	vld [tilespmem:s19+$0x10];
	s17 =	smul.u32 $0x10200, s31;
	[tilespmem:s20+$0x3870 ss:$0x81] =	vst.msk $0xffff, v0  }
0x3e: {  	[tilespmem:s20+$0x810 ss:$0x81] =	vst.msk $0xffff, v3;
	v3 =	vld [tilespmem:s19+$0x20]  }
0x3f: {  	s17 =	sshrl.u32 s17, $0x2;
	v0 =	vld [tilespmem:s19+$0xFFFFFFC0];
	[tilespmem:s20+$0x1020 ss:$0x81] =	vst.msk $0xffff, v4;
	s19 =	sadd.s32 $0x80, s19  }
0x40: {  	s21 =	simm.s32 $0x4;
	s22 =	simm.s32 $0x8;
	s17 =	sor.u32 $0x8000, s17;
	[tilespmem:s20+$0x1830 ss:$0x81] =	vst.msk $0xffff, v5;
	v4 =	vld [tilespmem:s19+$0x30]  }
.LBB1_3:
0x41: {  	p1 =	sne.s32 s22, $0x1FC;
	v5 =	vld [tilespmem:s19+$0xFFFFFFD0];
	[tilespmem:s20+$0x2040 ss:$0x81] =	vst.msk $0xffff, v1  }
0x42: {  	v6 =	vld [tilespmem:s19+$0xFFFFFFE0];
	[tilespmem:s20+$0x2850 ss:$0x81] =	vst.msk $0xffff, v2  }
0x43: {  	s23 =	sshra.s32 s21, $0x2;
	s21 =	smov.u32 s22;
	v7 =	vld [tilespmem:s19+$0xFFFFFFF0];
	[tilespmem:s20+$0x3060 ss:$0x81] =	vst.msk $0xffff, v3  }
.Ltmp3:
0x44: {  	v1 =	vld [tilespmem:s19+$0x0];
	[tilespmem:s20+$0x0 ss:$0x81] =	vst.msk $0xffff, v0;
	s20 =	sadd.s32 s23, s18;
	(pc) =	sbr.rel @p1 .LBB1_3-.Ltmp3, $4  }
0x45: {  	v2 =	vld [tilespmem:s19+$0x10];
	[tilespmem:s20+$0x3870 ss:$0x81] =	vst.msk $0xffff, v4  }
0x46: {  	[tilespmem:s20+$0x810 ss:$0x81] =	vst.msk $0xffff, v5;
	v3 =	vld [tilespmem:s19+$0x20]  }
0x47: {  	v0 =	vld [tilespmem:s19+$0xFFFFFFC0];
	[tilespmem:s20+$0x1020 ss:$0x81] =	vst.msk $0xffff, v6;
	s19 =	sadd.s32 $0x80, s19  }
0x48: {  	s22 =	sadd.s32 $0x4, s22;
	v4 =	vld [tilespmem:s19+$0x30];
	[tilespmem:s20+$0x1830 ss:$0x81] =	vst.msk $0xffff, v7  }
.Ltmp4:
0x49: {  	_ = 	snop;
	(pc) =	sbr.rel .LBB1_4-.Ltmp4, $1  }
0x4a: {  	_ =	sdelay $0x3  }
.LBB1_6:
0x4b: {  	_ =	sfence.sel $0x180000  }
0x4c: {  	s2 =	simm.s32 $0x1;
	[bflag:$0x0] =	sbarrier.arrive $0xFFFF  }
0x4d: {  	s31 =	simm.s32 $0x2;
	[sflag:s2] =	ssyncpa.u1 $0x1  }
0x4e: {  	[sflag:s31] =	ssyncpa.u1 $0x1  }
0x4f: {  	p0 =	sne.s32 s0, $0x0;
	_ =	strace $0x9000004A  }
0x50: {  	s0 =	sadd.s32 @!p0 $0x100000, s1;
	[bflag:$0x2] =	sbarrier.arrive $0xFFFF  }
0x51: {  	[sflag:s0] =	ssyncadd.tile.s32 @!p0 $0x1;
	_ =	shalt  }
.Lfunc_end1:
_tile_overlayer_lowered:
.L_overlay_start_2:
0x52: {  	(tag) =	ssettag $0x2  }
0x53: {  	s0 =	rddreg [dreg:$0x0];
	s2 =	stileid.u32  }
0x54: {  	s1 =	rddreg [dreg:$0x1];
	p0 =	sne.s32 s2, $0x0  }
0x55: {  	s3 =	rddreg [dreg:$0x2];
	[bflag:$0x3] =	sbarrier.arrive $0xFFFF;
	s2 =	simm.s32 @!p0 $0x1C01  }
0x56: {  	[timem:s3], [sflag:s2] =	dma.local @!p0 [hbm:s0], s1  }
0x57: {  	s0 =	simm.s32 @!p0 $0x1  }
0x58: {  	_ =	swait.ge @!p0 [sflag:s0], s1  }
0x59: {  	s1 =	ssub.s32 @!p0 $0x0, s1;
	[sflag:s0] =	ssyncset.done @!p0 $0x0  }
0x5a: {  	[sflag:s0] =	ssyncadd.s32 @!p0 s1  }
0x5b: {  	[bflag:$0x3] =	sbarrier.arrive $0xFFFF  }
0x5c: {  	_ =	shalt  }

</sc_bundles>
